<compile_context>
chip_gen: v7x
topology: tpu7x:2x2x1
jax: 0.10.2.dev20260603
libtpu: 0.0.44.dev20260713+nightly
codegen_flags: <defaults>
</compile_context>

<pallas_src>
import functools

import jax
import jax.numpy as jnp
from jax import lax
from jax.experimental import pallas as pl
from jax.experimental.pallas import tpu as pltpu
from jax.experimental.pallas import tpu_sc as plsc

N2 = 10240
E2 = 163840
D = 256
HD = 128
G = 64
RB = 1024
NBLK = N2 // RB
CHUNK = 128
EPT = E2 // 16
NCH = EPT // CHUNK
EPT_D = E2 // 32
NCH_D = EPT_D // CHUNK
RPT = N2 // 16
DW = 128

_sc_mesh = plsc.VectorSubcoreMesh(core_axis_name="c", subcore_axis_name="s")


@functools.partial(
    pl.kernel,
    out_type=jax.ShapeDtypeStruct((2 * N2, DW), jnp.float32),
    mesh=_sc_mesh,
    scratch_types=[
        [pltpu.VMEM((CHUNK,), jnp.int32) for _ in range(2)],
        [pltpu.VMEM((2, CHUNK), jnp.int32) for _ in range(2)],
        pltpu.VMEM((CHUNK, DW), jnp.float32),
        pltpu.VMEM_SHARED((N2, DW), jnp.float32),
        [pltpu.SemaphoreType.DMA for _ in range(2)],
    ],
)
def _deg_kernel(dstm_hbm, zeros_hbm, ones_hbm, out_hbm,
                didx, dblk, ones_v, acc, ssem):
    c = lax.axis_index("c")
    s = lax.axis_index("s")
    pltpu.sync_copy(ones_hbm, ones_v)
    pltpu.sync_copy(zeros_hbm, acc.at[pl.ds(s * RPT, RPT)])
    plsc.subcore_barrier()
    base = c * (E2 // CHUNK // 2) + s * (EPT_D // CHUNK)

    def fill(b, p):
        for j in range(CHUNK // 16):
            didx[b][pl.ds(j * 16, 16)] = dblk[p][b, pl.ds(j * 16, 16)]

    def fire(b):
        return pltpu.async_copy(ones_v, acc.at[didx[b]], ssem[b], add=True)

    def body(t, carry):
        row0 = base + t * 4
        pltpu.sync_copy(dstm_hbm.at[pl.ds(row0, 2)], dblk[0])
        sd = []
        for k in range(2):
            fill(k, 0)
            sd.append(fire(k))
        pltpu.sync_copy(dstm_hbm.at[pl.ds(row0 + 2, 2)], dblk[1])
        sd2 = []
        for k in range(2):
            sd[k].wait()
            fill(k, 1)
            sd2.append(fire(k))
        for k in range(2):
            sd2[k].wait()
        return carry

    lax.fori_loop(0, NCH_D // 4, body, 0)
    plsc.subcore_barrier()
    pltpu.sync_copy(
        acc.at[pl.ds(s * RPT, RPT)],
        out_hbm.at[pl.ds(c * N2 + s * RPT, RPT)],
    )


NB = 2
SG = NCH // (2 * NB)
CPT = EPT // CHUNK


@functools.partial(
    pl.kernel,
    out_type=jax.ShapeDtypeStruct((2 * N2, HD), jnp.float32),
    mesh=_sc_mesh,
    scratch_types=[
        [pltpu.VMEM((CHUNK,), jnp.int32) for _ in range(NB)],
        [pltpu.VMEM((CHUNK,), jnp.int32) for _ in range(NB)],
        [pltpu.VMEM((CHUNK, HD), jnp.float32) for _ in range(NB)],
        [pltpu.VMEM((NB, CHUNK), jnp.int32) for _ in range(2)],
        [pltpu.VMEM((NB, CHUNK), jnp.int32) for _ in range(2)],
        pltpu.VMEM_SHARED((N2, HD), jnp.float32),
        [pltpu.SemaphoreType.DMA for _ in range(NB)],
        [pltpu.SemaphoreType.DMA for _ in range(NB)],
    ],
)
def _agg_kernel(hs_hbm, srcm_hbm, dstm_hbm, zeros_hbm, out_hbm,
                gidx, didx, rows, sblk, dblk, acc, gsem, ssem):
    c = lax.axis_index("c")
    s = lax.axis_index("s")
    pltpu.sync_copy(zeros_hbm, acc.at[pl.ds(s * RPT, RPT)])
    plsc.subcore_barrier()
    base = s * CPT

    def load_blk(p, row0):
        pltpu.sync_copy(srcm_hbm.at[pl.ds(row0, NB)], sblk[p])
        pltpu.sync_copy(dstm_hbm.at[pl.ds(row0, NB)], dblk[p])

    def fire_gather(b, p):
        for j in range(CHUNK // 16):
            sv = sblk[p][b, pl.ds(j * 16, 16)]
            gidx[b][pl.ds(j * 16, 16)] = sv * 2 + c
            didx[b][pl.ds(j * 16, 16)] = dblk[p][b, pl.ds(j * 16, 16)]
        return pltpu.async_copy(hs_hbm.at[gidx[b]], rows[b], gsem[b])

    def fire_scatter(b):
        return pltpu.async_copy(rows[b], acc.at[didx[b]], ssem[b],
                                add=True)

    def body(t, carry):
        row0 = base + t * 2 * NB
        load_blk(0, row0)
        gd = [fire_gather(k, 0) for k in range(NB)]
        load_blk(1, row0 + NB)
        sd = []
        for k in range(NB):
            gd[k].wait()
            sd.append(fire_scatter(k))
        gd2 = []
        for k in range(NB):
            sd[k].wait()
            gd2.append(fire_gather(k, 1))
        sd2 = []
        for k in range(NB):
            gd2[k].wait()
            sd2.append(fire_scatter(k))
        for k in range(NB):
            sd2[k].wait()
        return carry

    lax.fori_loop(0, SG, body, 0)
    plsc.subcore_barrier()
    pltpu.sync_copy(acc.at[pl.ds(s * RPT, RPT)],
                    out_hbm.at[pl.ds(c * N2 + s * RPT, RPT)])


def _k1_body(x_ref, ca_ref, cb_ref, w_ref, o_ref):
    i = pl.program_id(0)
    deg = 1.0 + ca_ref[:, 0:1] + cb_ref[:, 0:1]
    dinv = lax.rsqrt(deg)
    rowid = lax.broadcasted_iota(jnp.int32, (RB, D), 0) + i * RB
    xv = jnp.where(rowid < XN, x_ref[...], 0.0)
    h = jnp.dot(xv * dinv, w_ref[...], preferred_element_type=jnp.float32)
    o_ref[:, 0, :] = h[:, :HD]
    o_ref[:, 1, :] = h[:, HD:]


def _k2_body(sa_ref, sb_ref, hs_ref, ca_ref, cb_ref, w_ref, b_ref, o_ref):
    deg = 1.0 + ca_ref[:, 0:1] + cb_ref[:, 0:1]
    dinv = lax.rsqrt(deg)
    agg = jnp.concatenate([sa_ref[...], sb_ref[...]], axis=1)
    hs = jnp.concatenate([hs_ref[:, 0, :], hs_ref[:, 1, :]], axis=1)
    t = jnp.maximum(dinv * (agg + hs) + b_ref[...], 0.0)
    h2 = jnp.dot(dinv * t, w_ref[...], preferred_element_type=jnp.float32)
    o_ref[:, 0, :] = h2[:, :HD]
    o_ref[:, 1, :] = h2[:, HD:]


def _k3_body(sa_ref, sb_ref, hs_ref, ca_ref, cb_ref, b_ref, batch_ref, o_ref):
    i = pl.program_id(0)
    deg = 1.0 + ca_ref[:, 0:1] + cb_ref[:, 0:1]
    dinv = lax.rsqrt(deg)
    agg = jnp.concatenate([sa_ref[...], sb_ref[...]], axis=1)
    hs = jnp.concatenate([hs_ref[:, 0, :], hs_ref[:, 1, :]], axis=1)
    out2 = dinv * (agg + hs) + b_ref[...]
    brow = batch_ref[0]
    gi = lax.broadcasted_iota(jnp.int32, (G, RB), 0)
    onehot = jnp.where(
        lax.broadcast_in_dim(brow, (G, RB), (0, 1)) == gi, 1.0, 0.0)
    contrib = jnp.dot(onehot, out2, preferred_element_type=jnp.float32)

    @pl.when(i == 0)
    def _():
        o_ref[...] = jnp.zeros_like(o_ref)

    o_ref[...] += contrib


XN = 10000


def kernel(x, edge_index, batch, W1, b1, W2, b2):
    n, d = x.shape
    e = edge_index.shape[1]
    npad_n = N2 - n
    npad_e = E2 - e
    ar = jnp.arange(npad_e, dtype=jnp.int32)
    src = jnp.concatenate([edge_index[0], ar % n])
    dst = jnp.concatenate([edge_index[1], n + (ar % npad_n)])
    srcm = src.reshape(E2 // CHUNK, CHUNK)
    dstm = dst.reshape(E2 // CHUNK, CHUNK)
    batch_pad = jnp.concatenate(
        [batch, jnp.full((npad_n,), G, jnp.int32)]).reshape(NBLK, 1, RB)
    zeros_hd = jnp.zeros((RPT, HD), jnp.float32)
    zeros_dw = jnp.zeros((RPT, DW), jnp.float32)
    ones_dw = jnp.ones((CHUNK, DW), jnp.float32)

    cnt = _deg_kernel(dstm, zeros_dw, ones_dw)

    blk = lambda: pl.BlockSpec((RB, HD), lambda i: (i, 0))
    blk_hi = lambda: pl.BlockSpec((RB, HD), lambda i: (i + NBLK, 0))
    blk_c = lambda: pl.BlockSpec((RB, DW), lambda i: (i, 0))
    blk_c_hi = lambda: pl.BlockSpec((RB, DW), lambda i: (i + NBLK, 0))
    blk3 = lambda: pl.BlockSpec((RB, 2, HD), lambda i: (i, 0, 0))

    hs1 = pl.pallas_call(
        _k1_body,
        grid=(NBLK,),
        in_specs=[
            pl.BlockSpec((RB, D), lambda i: (i, 0)),
            blk_c(), blk_c_hi(),
            pl.BlockSpec((D, D), lambda i: (0, 0)),
        ],
        out_specs=blk3(),
        out_shape=jax.ShapeDtypeStruct((N2, 2, HD), jnp.float32),
    )(x, cnt, cnt, W1)

    s1 = _agg_kernel(hs1.reshape(2 * N2, HD), srcm, dstm, zeros_hd)

    hs2 = pl.pallas_call(
        _k2_body,
        grid=(NBLK,),
        in_specs=[
            blk(), blk_hi(), blk3(), blk_c(), blk_c_hi(),
            pl.BlockSpec((D, D), lambda i: (0, 0)),
            pl.BlockSpec((1, D), lambda i: (0, 0)),
        ],
        out_specs=blk3(),
        out_shape=jax.ShapeDtypeStruct((N2, 2, HD), jnp.float32),
    )(s1, s1, hs1, cnt, cnt, W2, b1.reshape(1, D))

    s2 = _agg_kernel(hs2.reshape(2 * N2, HD), srcm, dstm, zeros_hd)

    out = pl.pallas_call(
        _k3_body,
        grid=(NBLK,),
        in_specs=[
            blk(), blk_hi(), blk3(), blk_c(), blk_c_hi(),
            pl.BlockSpec((1, D), lambda i: (0, 0)),
            pl.BlockSpec((1, 1, RB), lambda i: (i, 0, 0)),
        ],
        out_specs=pl.BlockSpec((G, D), lambda i: (0, 0)),
        out_shape=jax.ShapeDtypeStruct((G, D), jnp.float32),
    )(s2, s2, hs2, cnt, cnt, b2.reshape(1, D), batch_pad)

    return out

# --- scband reference (transcript-rebuilt; emitter-appended) ---
"""Pipeline reference for scband-my-gcn-30270929502420 (READ-ONLY COPY).

The authoritative reference and input builder live on the scoring server;
editing this copy changes nothing except your own understanding.
"""

import jax, jax.numpy as jnp
import numpy as np

N = 10000
E = 160000
D = 256
G = 64


def gcn_conv(x, edge_index, W, b, num_nodes):
    # GCNConv: add self-loops, symmetric normalization, x' = D^-1/2 A_hat D^-1/2 X W + b
    src = edge_index[0]
    dst = edge_index[1]
    loop = jnp.arange(num_nodes, dtype=src.dtype)
    src = jnp.concatenate([src, loop])
    dst = jnp.concatenate([dst, loop])
    deg = jnp.zeros((num_nodes,), x.dtype).at[dst].add(1.0)
    dinv = jnp.where(deg > 0, deg ** -0.5, 0.0)
    norm = dinv[src] * dinv[dst]
    h = x @ W
    msg = h[src] * norm[:, None]
    out = jnp.zeros((num_nodes, W.shape[1]), x.dtype).at[dst].add(msg)
    return out + b


def setup_inputs(seed: int = 0) -> dict:
    key = jax.random.key(seed)
    k1, k2, k3, k4, k5, k6, k7 = jax.random.split(key, 7)
    x = jax.random.normal(k1, (N, D), dtype=jnp.float32)
    edge_index = jax.random.randint(k2, (2, E), 0, N, dtype=jnp.int32)
    batch = jnp.sort(jax.random.randint(k3, (N,), 0, G, dtype=jnp.int32))
    W1 = jax.random.normal(k4, (D, D), dtype=jnp.float32) * (1.0 / np.sqrt(D))
    b1 = jnp.zeros((D,), dtype=jnp.float32)
    W2 = jax.random.normal(k5, (D, D), dtype=jnp.float32) * (1.0 / np.sqrt(D))
    b2 = jnp.zeros((D,), dtype=jnp.float32)
    return {"x": x, "edge_index": edge_index, "batch": batch, "W1": W1, "b1": b1, "W2": W2, "b2": b2}


def reference(x, edge_index, batch, W1, b1, W2, b2):
    h = gcn_conv(x, edge_index, W1, b1, N)
    h = jax.nn.relu(h)
    # F.dropout treated as identity (inference / deterministic reference)
    h = gcn_conv(h, edge_index, W2, b2, N)
    out = jax.ops.segment_sum(h, batch, num_segments=G)
    return out

if __name__ == "__main__":
    import jax
    _d = setup_inputs()
    print(jax.jit(kernel)(*tuple(_d.values())))

</pallas_src>

<mosaic_0001>
#map = affine_map<(d0, d1) -> (0, 0)>
module attributes {stable_mosaic.version = 14 : i64} {
  func.func @_agg_kernel(%arg0: i32, %arg1: i32, %arg2: memref<20480x128xf32, #tpu.memory_space<hbm>>, %arg3: memref<1280x128xi32, #tpu.memory_space<hbm>>, %arg4: memref<1280x128xi32, #tpu.memory_space<hbm>>, %arg5: memref<640x128xf32, #tpu.memory_space<hbm>>, %arg6: memref<20480x128xf32, #tpu.memory_space<hbm>>, %arg7: memref<128xi32, #tpu.memory_space<vmem>>, %arg8: memref<128xi32, #tpu.memory_space<vmem>>, %arg9: memref<128xi32, #tpu.memory_space<vmem>>, %arg10: memref<128xi32, #tpu.memory_space<vmem>>, %arg11: memref<128x128xf32, #tpu.memory_space<vmem>>, %arg12: memref<128x128xf32, #tpu.memory_space<vmem>>, %arg13: memref<2x128xi32, #tpu.memory_space<vmem>>, %arg14: memref<2x128xi32, #tpu.memory_space<vmem>>, %arg15: memref<2x128xi32, #tpu.memory_space<vmem>>, %arg16: memref<2x128xi32, #tpu.memory_space<vmem>>, %arg17: memref<10240x128xf32, #tpu.memory_space<vmem_shared>>, %arg18: memref<!tpu.dma_semaphore, #tpu.memory_space<semaphore_mem>>, %arg19: memref<!tpu.dma_semaphore, #tpu.memory_space<semaphore_mem>>, %arg20: memref<!tpu.dma_semaphore, #tpu.memory_space<semaphore_mem>>, %arg21: memref<!tpu.dma_semaphore, #tpu.memory_space<semaphore_mem>>) attributes {dimension_semantics = [#tpu.dimension_semantics<core_parallel>, #tpu.dimension_semantics<subcore_parallel>], iteration_bounds = array<i64: 2, 16>, scalar_prefetch = 0 : i64, scratch_operands = 15 : i64, tpu.core_type = #tpu.core_type<sc_vector_subcore>, window_params = [{transform_indices = #map}, {transform_indices = #map}, {transform_indices = #map}, {transform_indices = #map}, {transform_indices = #map}]} {
    %mul3A = arith.constant 640 : i32
    %mul3A_0 = arith.muli %arg1, %mul3A : i32
    "tpu.region"() ({
      %run_scoped3A = tpu.sem_alloc : memref<!tpu.dma_semaphore, #tpu.memory_space<semaphore_mem>>
      %dma_start3A = arith.constant 0 : i32
      %dma_start3A_15 = tpu.memref_slice %arg17[%mul3A_0, %dma_start3A] : memref<10240x128xf32, #tpu.memory_space<vmem_shared>> -> memref<640x128xf32, #tpu.memory_space<vmem_shared>>
      tpu.enqueue_dma source(%arg5 : memref<640x128xf32, #tpu.memory_space<hbm>>) target(%dma_start3A_15 : memref<640x128xf32, #tpu.memory_space<vmem_shared>>) target_semaphore(%run_scoped3A : memref<!tpu.dma_semaphore, #tpu.memory_space<semaphore_mem>>)
      %dma_wait3A = arith.constant 0 : i32
      %dma_wait3A_16 = tpu.memref_slice %arg17[%mul3A_0, %dma_wait3A] : memref<10240x128xf32, #tpu.memory_space<vmem_shared>> -> memref<640x128xf32, #tpu.memory_space<vmem_shared>>
      tpu.wait_dma2 semaphore(%run_scoped3A : memref<!tpu.dma_semaphore, #tpu.memory_space<semaphore_mem>>) src(%arg5 : memref<640x128xf32, #tpu.memory_space<hbm>>) dst(%dma_wait3A_16 : memref<640x128xf32, #tpu.memory_space<vmem_shared>>)
      tpu.yield
    }) : () -> ()
    %barrier3A = arith.constant 0 : index
    tpu.barrier barrier_id(%barrier3A)
    %mul3A_1 = arith.constant 80 : i32
    %mul3A_2 = arith.muli %arg1, %mul3A_1 : i32
    %scan3A = arith.constant 0 : i32
    %scan3A_3 = arith.constant 0 : i32
    %scan3A_4 = arith.constant 20 : i32
    %scan3A_5 = arith.addi %scan3A_3, %scan3A_4 : i32
    %scan3A_6 = arith.constant 1 : i32
    scf.for %scan3A_15 = %scan3A_3 to %scan3A_5 step %scan3A_6  : i32 {
      %mul3A_16 = arith.constant 2 : i32
      %mul3A_17 = arith.muli %scan3A_15, %mul3A_16 : i32
      %mul3A_18 = arith.constant 2 : i32
      %mul3A_19 = arith.muli %mul3A_17, %mul3A_18 : i32
      %add3A_20 = arith.addi %mul3A_2, %mul3A_19 : i32
      "tpu.region"() ({
        %run_scoped3A = tpu.sem_alloc : memref<!tpu.dma_semaphore, #tpu.memory_space<semaphore_mem>>
        %dma_start3A_803 = arith.constant 0 : i32
        %dma_start3A_804 = tpu.memref_slice %arg3[%add3A_20, %dma_start3A_803] : memref<1280x128xi32, #tpu.memory_space<hbm>> -> memref<2x128xi32, #tpu.memory_space<hbm>>
        %dma_start3A_805 = arith.constant 0 : i32
        %dma_start3A_806 = tpu.memref_slice %arg3[%add3A_20, %dma_start3A_805] : memref<1280x128xi32, #tpu.memory_space<hbm>> -> memref<2x128xi32, #tpu.memory_space<hbm>>
        tpu.enqueue_dma source(%dma_start3A_806 : memref<2x128xi32, #tpu.memory_space<hbm>>) target(%arg13 : memref<2x128xi32, #tpu.memory_space<vmem>>) target_semaphore(%run_scoped3A : memref<!tpu.dma_semaphore, #tpu.memory_space<semaphore_mem>>)
        %dma_wait3A_807 = arith.constant 0 : i32
        %dma_wait3A_808 = tpu.memref_slice %arg3[%add3A_20, %dma_wait3A_807] : memref<1280x128xi32, #tpu.memory_space<hbm>> -> memref<2x128xi32, #tpu.memory_space<hbm>>
        %dma_wait3A_809 = arith.constant 0 : i32
        %dma_wait3A_810 = tpu.memref_slice %arg3[%add3A_20, %dma_wait3A_809] : memref<1280x128xi32, #tpu.memory_space<hbm>> -> memref<2x128xi32, #tpu.memory_space<hbm>>
        tpu.wait_dma2 semaphore(%run_scoped3A : memref<!tpu.dma_semaphore, #tpu.memory_space<semaphore_mem>>) src(%dma_wait3A_810 : memref<2x128xi32, #tpu.memory_space<hbm>>) dst(%arg13 : memref<2x128xi32, #tpu.memory_space<vmem>>)
        tpu.yield
      }) : () -> ()
      "tpu.region"() ({
        %run_scoped3A = tpu.sem_alloc : memref<!tpu.dma_semaphore, #tpu.memory_space<semaphore_mem>>
        %dma_start3A_803 = arith.constant 0 : i32
        %dma_start3A_804 = tpu.memref_slice %arg4[%add3A_20, %dma_start3A_803] : memref<1280x128xi32, #tpu.memory_space<hbm>> -> memref<2x128xi32, #tpu.memory_space<hbm>>
        %dma_start3A_805 = arith.constant 0 : i32
        %dma_start3A_806 = tpu.memref_slice %arg4[%add3A_20, %dma_start3A_805] : memref<1280x128xi32, #tpu.memory_space<hbm>> -> memref<2x128xi32, #tpu.memory_space<hbm>>
        tpu.enqueue_dma source(%dma_start3A_806 : memref<2x128xi32, #tpu.memory_space<hbm>>) target(%arg15 : memref<2x128xi32, #tpu.memory_space<vmem>>) target_semaphore(%run_scoped3A : memref<!tpu.dma_semaphore, #tpu.memory_space<semaphore_mem>>)
        %dma_wait3A_807 = arith.constant 0 : i32
        %dma_wait3A_808 = tpu.memref_slice %arg4[%add3A_20, %dma_wait3A_807] : memref<1280x128xi32, #tpu.memory_space<hbm>> -> memref<2x128xi32, #tpu.memory_space<hbm>>
        %dma_wait3A_809 = arith.constant 0 : i32
        %dma_wait3A_810 = tpu.memref_slice %arg4[%add3A_20, %dma_wait3A_809] : memref<1280x128xi32, #tpu.memory_space<hbm>> -> memref<2x128xi32, #tpu.memory_space<hbm>>
        tpu.wait_dma2 semaphore(%run_scoped3A : memref<!tpu.dma_semaphore, #tpu.memory_space<semaphore_mem>>) src(%dma_wait3A_810 : memref<2x128xi32, #tpu.memory_space<hbm>>) dst(%arg15 : memref<2x128xi32, #tpu.memory_space<vmem>>)
        tpu.yield
      }) : () -> ()
      %get3A = arith.constant 0 : i32
      %get3A_21 = arith.index_cast %get3A : i32 to index
      %get3A_22 = arith.constant 0 : index
      %get3A_23 = tpu.vector_load %arg13[%get3A_21, %get3A_22] {strides = array<i32>} : memref<2x128xi32, #tpu.memory_space<vmem>>, vector<1x16xi32>,
      %get3A_24 = vector.shape_cast %get3A_23 : vector<1x16xi32> to vector<16xi32>
      %mul3A_25 = arith.constant 2 : i32
      %mul3A_26 = vector.broadcast %mul3A_25 : i32 to vector<16xi32>
      %mul3A_27 = arith.muli %get3A_24, %mul3A_26 : vector<16xi32>
      %add3A_28 = vector.broadcast %arg0 : i32 to vector<16xi32>
      %add3A_29 = arith.addi %mul3A_27, %add3A_28 : vector<16xi32>
      %swap3A = arith.constant 0 : index
      %swap3A_30 = tpu.vector_load %arg7[%swap3A] {strides = array<i32>} : memref<128xi32, #tpu.memory_space<vmem>>, vector<16xi32>,
      %swap3A_31 = vector.shape_cast %swap3A_30 : vector<16xi32> to vector<16xi32>
      %swap3A_32 = vector.shape_cast %add3A_29 : vector<16xi32> to vector<16xi32>
      tpu.vector_store %arg7[%swap3A], %swap3A_32 {strides = array<i32>} : memref<128xi32, #tpu.memory_space<vmem>>, vector<16xi32>,
      %get3A_33 = arith.constant 0 : i32
      %get3A_34 = arith.index_cast %get3A_33 : i32 to index
      %get3A_35 = arith.constant 0 : index
      %get3A_36 = tpu.vector_load %arg15[%get3A_34, %get3A_35] {strides = array<i32>} : memref<2x128xi32, #tpu.memory_space<vmem>>, vector<1x16xi32>,
      %get3A_37 = vector.shape_cast %get3A_36 : vector<1x16xi32> to vector<16xi32>
      %swap3A_38 = arith.constant 0 : index
      %swap3A_39 = tpu.vector_load %arg9[%swap3A_38] {strides = array<i32>} : memref<128xi32, #tpu.memory_space<vmem>>, vector<16xi32>,
      %swap3A_40 = vector.shape_cast %swap3A_39 : vector<16xi32> to vector<16xi32>
      %swap3A_41 = vector.shape_cast %get3A_37 : vector<16xi32> to vector<16xi32>
      tpu.vector_store %arg9[%swap3A_38], %swap3A_41 {strides = array<i32>} : memref<128xi32, #tpu.memory_space<vmem>>, vector<16xi32>,
      %get3A_42 = arith.constant 0 : i32
      %get3A_43 = arith.index_cast %get3A_42 : i32 to index
      %get3A_44 = arith.constant 16 : index
      %get3A_45 = tpu.vector_load %arg13[%get3A_43, %get3A_44] {strides = array<i32>} : memref<2x128xi32, #tpu.memory_space<vmem>>, vector<1x16xi32>,
      %get3A_46 = vector.shape_cast %get3A_45 : vector<1x16xi32> to vector<16xi32>
      %mul3A_47 = arith.constant 2 : i32
      %mul3A_48 = vector.broadcast %mul3A_47 : i32 to vector<16xi32>
      %mul3A_49 = arith.muli %get3A_46, %mul3A_48 : vector<16xi32>
      %add3A_50 = vector.broadcast %arg0 : i32 to vector<16xi32>
      %add3A_51 = arith.addi %mul3A_49, %add3A_50 : vector<16xi32>
      %swap3A_52 = arith.constant 16 : index
      %swap3A_53 = tpu.vector_load %arg7[%swap3A_52] {strides = array<i32>} : memref<128xi32, #tpu.memory_space<vmem>>, vector<16xi32>,
      %swap3A_54 = vector.shape_cast %swap3A_53 : vector<16xi32> to vector<16xi32>
      %swap3A_55 = vector.shape_cast %add3A_51 : vector<16xi32> to vector<16xi32>
      tpu.vector_store %arg7[%swap3A_52], %swap3A_55 {strides = array<i32>} : memref<128xi32, #tpu.memory_space<vmem>>, vector<16xi32>,
      %get3A_56 = arith.constant 0 : i32
      %get3A_57 = arith.index_cast %get3A_56 : i32 to index
      %get3A_58 = arith.constant 16 : index
      %get3A_59 = tpu.vector_load %arg15[%get3A_57, %get3A_58] {strides = array<i32>} : memref<2x128xi32, #tpu.memory_space<vmem>>, vector<1x16xi32>,
      %get3A_60 = vector.shape_cast %get3A_59 : vector<1x16xi32> to vector<16xi32>
      %swap3A_61 = arith.constant 16 : index
      %swap3A_62 = tpu.vector_load %arg9[%swap3A_61] {strides = array<i32>} : memref<128xi32, #tpu.memory_space<vmem>>, vector<16xi32>,
      %swap3A_63 = vector.shape_cast %swap3A_62 : vector<16xi32> to vector<16xi32>
      %swap3A_64 = vector.shape_cast %get3A_60 : vector<16xi32> to vector<16xi32>
      tpu.vector_store %arg9[%swap3A_61], %swap3A_64 {strides = array<i32>} : memref<128xi32, #tpu.memory_space<vmem>>, vector<16xi32>,
      %get3A_65 = arith.constant 0 : i32
      %get3A_66 = arith.index_cast %get3A_65 : i32 to index
      %get3A_67 = arith.constant 32 : index
      %get3A_68 = tpu.vector_load %arg13[%get3A_66, %get3A_67] {strides = array<i32>} : memref<2x128xi32, #tpu.memory_space<vmem>>, vector<1x16xi32>,
      %get3A_69 = vector.shape_cast %get3A_68 : vector<1x16xi32> to vector<16xi32>
      %mul3A_70 = arith.constant 2 : i32
      %mul3A_71 = vector.broadcast %mul3A_70 : i32 to vector<16xi32>
      %mul3A_72 = arith.muli %get3A_69, %mul3A_71 : vector<16xi32>
      %add3A_73 = vector.broadcast %arg0 : i32 to vector<16xi32>
      %add3A_74 = arith.addi %mul3A_72, %add3A_73 : vector<16xi32>
      %swap3A_75 = arith.constant 32 : index
      %swap3A_76 = tpu.vector_load %arg7[%swap3A_75] {strides = array<i32>} : memref<128xi32, #tpu.memory_space<vmem>>, vector<16xi32>,
      %swap3A_77 = vector.shape_cast %swap3A_76 : vector<16xi32> to vector<16xi32>
      %swap3A_78 = vector.shape_cast %add3A_74 : vector<16xi32> to vector<16xi32>
      tpu.vector_store %arg7[%swap3A_75], %swap3A_78 {strides = array<i32>} : memref<128xi32, #tpu.memory_space<vmem>>, vector<16xi32>,
      %get3A_79 = arith.constant 0 : i32
      %get3A_80 = arith.index_cast %get3A_79 : i32 to index
      %get3A_81 = arith.constant 32 : index
      %get3A_82 = tpu.vector_load %arg15[%get3A_80, %get3A_81] {strides = array<i32>} : memref<2x128xi32, #tpu.memory_space<vmem>>, vector<1x16xi32>,
      %get3A_83 = vector.shape_cast %get3A_82 : vector<1x16xi32> to vector<16xi32>
      %swap3A_84 = arith.constant 32 : index
      %swap3A_85 = tpu.vector_load %arg9[%swap3A_84] {strides = array<i32>} : memref<128xi32, #tpu.memory_space<vmem>>, vector<16xi32>,
      %swap3A_86 = vector.shape_cast %swap3A_85 : vector<16xi32> to vector<16xi32>
      %swap3A_87 = vector.shape_cast %get3A_83 : vector<16xi32> to vector<16xi32>
      tpu.vector_store %arg9[%swap3A_84], %swap3A_87 {strides = array<i32>} : memref<128xi32, #tpu.memory_space<vmem>>, vector<16xi32>,
      %get3A_88 = arith.constant 0 : i32
      %get3A_89 = arith.index_cast %get3A_88 : i32 to index
      %get3A_90 = arith.constant 48 : index
      %get3A_91 = tpu.vector_load %arg13[%get3A_89, %get3A_90] {strides = array<i32>} : memref<2x128xi32, #tpu.memory_space<vmem>>, vector<1x16xi32>,
      %get3A_92 = vector.shape_cast %get3A_91 : vector<1x16xi32> to vector<16xi32>
      %mul3A_93 = arith.constant 2 : i32
      %mul3A_94 = vector.broadcast %mul3A_93 : i32 to vector<16xi32>
      %mul3A_95 = arith.muli %get3A_92, %mul3A_94 : vector<16xi32>
      %add3A_96 = vector.broadcast %arg0 : i32 to vector<16xi32>
      %add3A_97 = arith.addi %mul3A_95, %add3A_96 : vector<16xi32>
      %swap3A_98 = arith.constant 48 : index
      %swap3A_99 = tpu.vector_load %arg7[%swap3A_98] {strides = array<i32>} : memref<128xi32, #tpu.memory_space<vmem>>, vector<16xi32>,
      %swap3A_100 = vector.shape_cast %swap3A_99 : vector<16xi32> to vector<16xi32>
      %swap3A_101 = vector.shape_cast %add3A_97 : vector<16xi32> to vector<16xi32>
      tpu.vector_store %arg7[%swap3A_98], %swap3A_101 {strides = array<i32>} : memref<128xi32, #tpu.memory_space<vmem>>, vector<16xi32>,
      %get3A_102 = arith.constant 0 : i32
      %get3A_103 = arith.index_cast %get3A_102 : i32 to index
      %get3A_104 = arith.constant 48 : index
      %get3A_105 = tpu.vector_load %arg15[%get3A_103, %get3A_104] {strides = array<i32>} : memref<2x128xi32, #tpu.memory_space<vmem>>, vector<1x16xi32>,
      %get3A_106 = vector.shape_cast %get3A_105 : vector<1x16xi32> to vector<16xi32>
      %swap3A_107 = arith.constant 48 : index
      %swap3A_108 = tpu.vector_load %arg9[%swap3A_107] {strides = array<i32>} : memref<128xi32, #tpu.memory_space<vmem>>, vector<16xi32>,
      %swap3A_109 = vector.shape_cast %swap3A_108 : vector<16xi32> to vector<16xi32>
      %swap3A_110 = vector.shape_cast %get3A_106 : vector<16xi32> to vector<16xi32>
      tpu.vector_store %arg9[%swap3A_107], %swap3A_110 {strides = array<i32>} : memref<128xi32, #tpu.memory_space<vmem>>, vector<16xi32>,
      %get3A_111 = arith.constant 0 : i32
      %get3A_112 = arith.index_cast %get3A_111 : i32 to index
      %get3A_113 = arith.constant 64 : index
      %get3A_114 = tpu.vector_load %arg13[%get3A_112, %get3A_113] {strides = array<i32>} : memref<2x128xi32, #tpu.memory_space<vmem>>, vector<1x16xi32>,
      %get3A_115 = vector.shape_cast %get3A_114 : vector<1x16xi32> to vector<16xi32>
      %mul3A_116 = arith.constant 2 : i32
      %mul3A_117 = vector.broadcast %mul3A_116 : i32 to vector<16xi32>
      %mul3A_118 = arith.muli %get3A_115, %mul3A_117 : vector<16xi32>
      %add3A_119 = vector.broadcast %arg0 : i32 to vector<16xi32>
      %add3A_120 = arith.addi %mul3A_118, %add3A_119 : vector<16xi32>
      %swap3A_121 = arith.constant 64 : index
      %swap3A_122 = tpu.vector_load %arg7[%swap3A_121] {strides = array<i32>} : memref<128xi32, #tpu.memory_space<vmem>>, vector<16xi32>,
      %swap3A_123 = vector.shape_cast %swap3A_122 : vector<16xi32> to vector<16xi32>
      %swap3A_124 = vector.shape_cast %add3A_120 : vector<16xi32> to vector<16xi32>
      tpu.vector_store %arg7[%swap3A_121], %swap3A_124 {strides = array<i32>} : memref<128xi32, #tpu.memory_space<vmem>>, vector<16xi32>,
      %get3A_125 = arith.constant 0 : i32
      %get3A_126 = arith.index_cast %get3A_125 : i32 to index
      %get3A_127 = arith.constant 64 : index
      %get3A_128 = tpu.vector_load %arg15[%get3A_126, %get3A_127] {strides = array<i32>} : memref<2x128xi32, #tpu.memory_space<vmem>>, vector<1x16xi32>,
      %get3A_129 = vector.shape_cast %get3A_128 : vector<1x16xi32> to vector<16xi32>
      %swap3A_130 = arith.constant 64 : index
      %swap3A_131 = tpu.vector_load %arg9[%swap3A_130] {strides = array<i32>} : memref<128xi32, #tpu.memory_space<vmem>>, vector<16xi32>,
      %swap3A_132 = vector.shape_cast %swap3A_131 : vector<16xi32> to vector<16xi32>
      %swap3A_133 = vector.shape_cast %get3A_129 : vector<16xi32> to vector<16xi32>
      tpu.vector_store %arg9[%swap3A_130], %swap3A_133 {strides = array<i32>} : memref<128xi32, #tpu.memory_space<vmem>>, vector<16xi32>,
      %get3A_134 = arith.constant 0 : i32
      %get3A_135 = arith.index_cast %get3A_134 : i32 to index
      %get3A_136 = arith.constant 80 : index
      %get3A_137 = tpu.vector_load %arg13[%get3A_135, %get3A_136] {strides = array<i32>} : memref<2x128xi32, #tpu.memory_space<vmem>>, vector<1x16xi32>,
      %get3A_138 = vector.shape_cast %get3A_137 : vector<1x16xi32> to vector<16xi32>
      %mul3A_139 = arith.constant 2 : i32
      %mul3A_140 = vector.broadcast %mul3A_139 : i32 to vector<16xi32>
      %mul3A_141 = arith.muli %get3A_138, %mul3A_140 : vector<16xi32>
      %add3A_142 = vector.broadcast %arg0 : i32 to vector<16xi32>
      %add3A_143 = arith.addi %mul3A_141, %add3A_142 : vector<16xi32>
      %swap3A_144 = arith.constant 80 : index
      %swap3A_145 = tpu.vector_load %arg7[%swap3A_144] {strides = array<i32>} : memref<128xi32, #tpu.memory_space<vmem>>, vector<16xi32>,
      %swap3A_146 = vector.shape_cast %swap3A_145 : vector<16xi32> to vector<16xi32>
      %swap3A_147 = vector.shape_cast %add3A_143 : vector<16xi32> to vector<16xi32>
      tpu.vector_store %arg7[%swap3A_144], %swap3A_147 {strides = array<i32>} : memref<128xi32, #tpu.memory_space<vmem>>, vector<16xi32>,
      %get3A_148 = arith.constant 0 : i32
      %get3A_149 = arith.index_cast %get3A_148 : i32 to index
      %get3A_150 = arith.constant 80 : index
      %get3A_151 = tpu.vector_load %arg15[%get3A_149, %get3A_150] {strides = array<i32>} : memref<2x128xi32, #tpu.memory_space<vmem>>, vector<1x16xi32>,
      %get3A_152 = vector.shape_cast %get3A_151 : vector<1x16xi32> to vector<16xi32>
      %swap3A_153 = arith.constant 80 : index
      %swap3A_154 = tpu.vector_load %arg9[%swap3A_153] {strides = array<i32>} : memref<128xi32, #tpu.memory_space<vmem>>, vector<16xi32>,
      %swap3A_155 = vector.shape_cast %swap3A_154 : vector<16xi32> to vector<16xi32>
      %swap3A_156 = vector.shape_cast %get3A_152 : vector<16xi32> to vector<16xi32>
      tpu.vector_store %arg9[%swap3A_153], %swap3A_156 {strides = array<i32>} : memref<128xi32, #tpu.memory_space<vmem>>, vector<16xi32>,
      %get3A_157 = arith.constant 0 : i32
      %get3A_158 = arith.index_cast %get3A_157 : i32 to index
      %get3A_159 = arith.constant 96 : index
      %get3A_160 = tpu.vector_load %arg13[%get3A_158, %get3A_159] {strides = array<i32>} : memref<2x128xi32, #tpu.memory_space<vmem>>, vector<1x16xi32>,
      %get3A_161 = vector.shape_cast %get3A_160 : vector<1x16xi32> to vector<16xi32>
      %mul3A_162 = arith.constant 2 : i32
      %mul3A_163 = vector.broadcast %mul3A_162 : i32 to vector<16xi32>
      %mul3A_164 = arith.muli %get3A_161, %mul3A_163 : vector<16xi32>
      %add3A_165 = vector.broadcast %arg0 : i32 to vector<16xi32>
      %add3A_166 = arith.addi %mul3A_164, %add3A_165 : vector<16xi32>
      %swap3A_167 = arith.constant 96 : index
      %swap3A_168 = tpu.vector_load %arg7[%swap3A_167] {strides = array<i32>} : memref<128xi32, #tpu.memory_space<vmem>>, vector<16xi32>,
      %swap3A_169 = vector.shape_cast %swap3A_168 : vector<16xi32> to vector<16xi32>
      %swap3A_170 = vector.shape_cast %add3A_166 : vector<16xi32> to vector<16xi32>
      tpu.vector_store %arg7[%swap3A_167], %swap3A_170 {strides = array<i32>} : memref<128xi32, #tpu.memory_space<vmem>>, vector<16xi32>,
      %get3A_171 = arith.constant 0 : i32
      %get3A_172 = arith.index_cast %get3A_171 : i32 to index
      %get3A_173 = arith.constant 96 : index
      %get3A_174 = tpu.vector_load %arg15[%get3A_172, %get3A_173] {strides = array<i32>} : memref<2x128xi32, #tpu.memory_space<vmem>>, vector<1x16xi32>,
      %get3A_175 = vector.shape_cast %get3A_174 : vector<1x16xi32> to vector<16xi32>
      %swap3A_176 = arith.constant 96 : index
      %swap3A_177 = tpu.vector_load %arg9[%swap3A_176] {strides = array<i32>} : memref<128xi32, #tpu.memory_space<vmem>>, vector<16xi32>,
      %swap3A_178 = vector.shape_cast %swap3A_177 : vector<16xi32> to vector<16xi32>
      %swap3A_179 = vector.shape_cast %get3A_175 : vector<16xi32> to vector<16xi32>
      tpu.vector_store %arg9[%swap3A_176], %swap3A_179 {strides = array<i32>} : memref<128xi32, #tpu.memory_space<vmem>>, vector<16xi32>,
      %get3A_180 = arith.constant 0 : i32
      %get3A_181 = arith.index_cast %get3A_180 : i32 to index
      %get3A_182 = arith.constant 112 : index
      %get3A_183 = tpu.vector_load %arg13[%get3A_181, %get3A_182] {strides = array<i32>} : memref<2x128xi32, #tpu.memory_space<vmem>>, vector<1x16xi32>,
      %get3A_184 = vector.shape_cast %get3A_183 : vector<1x16xi32> to vector<16xi32>
      %mul3A_185 = arith.constant 2 : i32
      %mul3A_186 = vector.broadcast %mul3A_185 : i32 to vector<16xi32>
      %mul3A_187 = arith.muli %get3A_184, %mul3A_186 : vector<16xi32>
      %add3A_188 = vector.broadcast %arg0 : i32 to vector<16xi32>
      %add3A_189 = arith.addi %mul3A_187, %add3A_188 : vector<16xi32>
      %swap3A_190 = arith.constant 112 : index
      %swap3A_191 = tpu.vector_load %arg7[%swap3A_190] {strides = array<i32>} : memref<128xi32, #tpu.memory_space<vmem>>, vector<16xi32>,
      %swap3A_192 = vector.shape_cast %swap3A_191 : vector<16xi32> to vector<16xi32>
      %swap3A_193 = vector.shape_cast %add3A_189 : vector<16xi32> to vector<16xi32>
      tpu.vector_store %arg7[%swap3A_190], %swap3A_193 {strides = array<i32>} : memref<128xi32, #tpu.memory_space<vmem>>, vector<16xi32>,
      %get3A_194 = arith.constant 0 : i32
      %get3A_195 = arith.index_cast %get3A_194 : i32 to index
      %get3A_196 = arith.constant 112 : index
      %get3A_197 = tpu.vector_load %arg15[%get3A_195, %get3A_196] {strides = array<i32>} : memref<2x128xi32, #tpu.memory_space<vmem>>, vector<1x16xi32>,
      %get3A_198 = vector.shape_cast %get3A_197 : vector<1x16xi32> to vector<16xi32>
      %swap3A_199 = arith.constant 112 : index
      %swap3A_200 = tpu.vector_load %arg9[%swap3A_199] {strides = array<i32>} : memref<128xi32, #tpu.memory_space<vmem>>, vector<16xi32>,
      %swap3A_201 = vector.shape_cast %swap3A_200 : vector<16xi32> to vector<16xi32>
      %swap3A_202 = vector.shape_cast %get3A_198 : vector<16xi32> to vector<16xi32>
      tpu.vector_store %arg9[%swap3A_199], %swap3A_202 {strides = array<i32>} : memref<128xi32, #tpu.memory_space<vmem>>, vector<16xi32>,
      %dma_start3A = arith.constant 0 : i32
      %dma_start3A_203 = arith.constant 0 : i32
      %dma_start3A_204 = tpu.memref_slice %arg2[%dma_start3A, %dma_start3A_203] : memref<20480x128xf32, #tpu.memory_space<hbm>> -> memref<20480x128xf32, #tpu.memory_space<hbm>>
      tpu.enqueue_indirect_dma source(%dma_start3A_204 : memref<20480x128xf32, #tpu.memory_space<hbm>>) target(%arg11 : memref<128x128xf32, #tpu.memory_space<vmem>>) offsets(%arg7 : memref<128xi32, #tpu.memory_space<vmem>>) semaphore(%arg18 : memref<!tpu.dma_semaphore, #tpu.memory_space<semaphore_mem>>)
      %get3A_205 = arith.constant 1 : i32
      %get3A_206 = arith.index_cast %get3A_205 : i32 to index
      %get3A_207 = arith.constant 0 : index
      %get3A_208 = tpu.vector_load %arg13[%get3A_206, %get3A_207] {strides = array<i32>} : memref<2x128xi32, #tpu.memory_space<vmem>>, vector<1x16xi32>,
      %get3A_209 = vector.shape_cast %get3A_208 : vector<1x16xi32> to vector<16xi32>
      %mul3A_210 = arith.constant 2 : i32
      %mul3A_211 = vector.broadcast %mul3A_210 : i32 to vector<16xi32>
      %mul3A_212 = arith.muli %get3A_209, %mul3A_211 : vector<16xi32>
      %add3A_213 = vector.broadcast %arg0 : i32 to vector<16xi32>
      %add3A_214 = arith.addi %mul3A_212, %add3A_213 : vector<16xi32>
      %swap3A_215 = arith.constant 0 : index
      %swap3A_216 = tpu.vector_load %arg8[%swap3A_215] {strides = array<i32>} : memref<128xi32, #tpu.memory_space<vmem>>, vector<16xi32>,
      %swap3A_217 = vector.shape_cast %swap3A_216 : vector<16xi32> to vector<16xi32>
      %swap3A_218 = vector.shape_cast %add3A_214 : vector<16xi32> to vector<16xi32>
      tpu.vector_store %arg8[%swap3A_215], %swap3A_218 {strides = array<i32>} : memref<128xi32, #tpu.memory_space<vmem>>, vector<16xi32>,
      %get3A_219 = arith.constant 1 : i32
      %get3A_220 = arith.index_cast %get3A_219 : i32 to index
      %get3A_221 = arith.constant 0 : index
      %get3A_222 = tpu.vector_load %arg15[%get3A_220, %get3A_221] {strides = array<i32>} : memref<2x128xi32, #tpu.memory_space<vmem>>, vector<1x16xi32>,
      %get3A_223 = vector.shape_cast %get3A_222 : vector<1x16xi32> to vector<16xi32>
      %swap3A_224 = arith.constant 0 : index
      %swap3A_225 = tpu.vector_load %arg10[%swap3A_224] {strides = array<i32>} : memref<128xi32, #tpu.memory_space<vmem>>, vector<16xi32>,
      %swap3A_226 = vector.shape_cast %swap3A_225 : vector<16xi32> to vector<16xi32>
      %swap3A_227 = vector.shape_cast %get3A_223 : vector<16xi32> to vector<16xi32>
      tpu.vector_store %arg10[%swap3A_224], %swap3A_227 {strides = array<i32>} : memref<128xi32, #tpu.memory_space<vmem>>, vector<16xi32>,
      %get3A_228 = arith.constant 1 : i32
      %get3A_229 = arith.index_cast %get3A_228 : i32 to index
      %get3A_230 = arith.constant 16 : index
      %get3A_231 = tpu.vector_load %arg13[%get3A_229, %get3A_230] {strides = array<i32>} : memref<2x128xi32, #tpu.memory_space<vmem>>, vector<1x16xi32>,
      %get3A_232 = vector.shape_cast %get3A_231 : vector<1x16xi32> to vector<16xi32>
      %mul3A_233 = arith.constant 2 : i32
      %mul3A_234 = vector.broadcast %mul3A_233 : i32 to vector<16xi32>
      %mul3A_235 = arith.muli %get3A_232, %mul3A_234 : vector<16xi32>
      %add3A_236 = vector.broadcast %arg0 : i32 to vector<16xi32>
      %add3A_237 = arith.addi %mul3A_235, %add3A_236 : vector<16xi32>
      %swap3A_238 = arith.constant 16 : index
      %swap3A_239 = tpu.vector_load %arg8[%swap3A_238] {strides = array<i32>} : memref<128xi32, #tpu.memory_space<vmem>>, vector<16xi32>,
      %swap3A_240 = vector.shape_cast %swap3A_239 : vector<16xi32> to vector<16xi32>
      %swap3A_241 = vector.shape_cast %add3A_237 : vector<16xi32> to vector<16xi32>
      tpu.vector_store %arg8[%swap3A_238], %swap3A_241 {strides = array<i32>} : memref<128xi32, #tpu.memory_space<vmem>>, vector<16xi32>,
      %get3A_242 = arith.constant 1 : i32
      %get3A_243 = arith.index_cast %get3A_242 : i32 to index
      %get3A_244 = arith.constant 16 : index
      %get3A_245 = tpu.vector_load %arg15[%get3A_243, %get3A_244] {strides = array<i32>} : memref<2x128xi32, #tpu.memory_space<vmem>>, vector<1x16xi32>,
      %get3A_246 = vector.shape_cast %get3A_245 : vector<1x16xi32> to vector<16xi32>
      %swap3A_247 = arith.constant 16 : index
      %swap3A_248 = tpu.vector_load %arg10[%swap3A_247] {strides = array<i32>} : memref<128xi32, #tpu.memory_space<vmem>>, vector<16xi32>,
      %swap3A_249 = vector.shape_cast %swap3A_248 : vector<16xi32> to vector<16xi32>
      %swap3A_250 = vector.shape_cast %get3A_246 : vector<16xi32> to vector<16xi32>
      tpu.vector_store %arg10[%swap3A_247], %swap3A_250 {strides = array<i32>} : memref<128xi32, #tpu.memory_space<vmem>>, vector<16xi32>,
      %get3A_251 = arith.constant 1 : i32
      %get3A_252 = arith.index_cast %get3A_251 : i32 to index
      %get3A_253 = arith.constant 32 : index
      %get3A_254 = tpu.vector_load %arg13[%get3A_252, %get3A_253] {strides = array<i32>} : memref<2x128xi32, #tpu.memory_space<vmem>>, vector<1x16xi32>,
      %get3A_255 = vector.shape_cast %get3A_254 : vector<1x16xi32> to vector<16xi32>
      %mul3A_256 = arith.constant 2 : i32
      %mul3A_257 = vector.broadcast %mul3A_256 : i32 to vector<16xi32>
      %mul3A_258 = arith.muli %get3A_255, %mul3A_257 : vector<16xi32>
      %add3A_259 = vector.broadcast %arg0 : i32 to vector<16xi32>
      %add3A_260 = arith.addi %mul3A_258, %add3A_259 : vector<16xi32>
      %swap3A_261 = arith.constant 32 : index
      %swap3A_262 = tpu.vector_load %arg8[%swap3A_261] {strides = array<i32>} : memref<128xi32, #tpu.memory_space<vmem>>, vector<16xi32>,
      %swap3A_263 = vector.shape_cast %swap3A_262 : vector<16xi32> to vector<16xi32>
      %swap3A_264 = vector.shape_cast %add3A_260 : vector<16xi32> to vector<16xi32>
      tpu.vector_store %arg8[%swap3A_261], %swap3A_264 {strides = array<i32>} : memref<128xi32, #tpu.memory_space<vmem>>, vector<16xi32>,
      %get3A_265 = arith.constant 1 : i32
      %get3A_266 = arith.index_cast %get3A_265 : i32 to index
      %get3A_267 = arith.constant 32 : index
      %get3A_268 = tpu.vector_load %arg15[%get3A_266, %get3A_267] {strides = array<i32>} : memref<2x128xi32, #tpu.memory_space<vmem>>, vector<1x16xi32>,
      %get3A_269 = vector.shape_cast %get3A_268 : vector<1x16xi32> to vector<16xi32>
      %swap3A_270 = arith.constant 32 : index
      %swap3A_271 = tpu.vector_load %arg10[%swap3A_270] {strides = array<i32>} : memref<128xi32, #tpu.memory_space<vmem>>, vector<16xi32>,
      %swap3A_272 = vector.shape_cast %swap3A_271 : vector<16xi32> to vector<16xi32>
      %swap3A_273 = vector.shape_cast %get3A_269 : vector<16xi32> to vector<16xi32>
      tpu.vector_store %arg10[%swap3A_270], %swap3A_273 {strides = array<i32>} : memref<128xi32, #tpu.memory_space<vmem>>, vector<16xi32>,
      %get3A_274 = arith.constant 1 : i32
      %get3A_275 = arith.index_cast %get3A_274 : i32 to index
      %get3A_276 = arith.constant 48 : index
      %get3A_277 = tpu.vector_load %arg13[%get3A_275, %get3A_276] {strides = array<i32>} : memref<2x128xi32, #tpu.memory_space<vmem>>, vector<1x16xi32>,
      %get3A_278 = vector.shape_cast %get3A_277 : vector<1x16xi32> to vector<16xi32>
      %mul3A_279 = arith.constant 2 : i32
      %mul3A_280 = vector.broadcast %mul3A_279 : i32 to vector<16xi32>
      %mul3A_281 = arith.muli %get3A_278, %mul3A_280 : vector<16xi32>
      %add3A_282 = vector.broadcast %arg0 : i32 to vector<16xi32>
      %add3A_283 = arith.addi %mul3A_281, %add3A_282 : vector<16xi32>
      %swap3A_284 = arith.constant 48 : index
      %swap3A_285 = tpu.vector_load %arg8[%swap3A_284] {strides = array<i32>} : memref<128xi32, #tpu.memory_space<vmem>>, vector<16xi32>,
      %swap3A_286 = vector.shape_cast %swap3A_285 : vector<16xi32> to vector<16xi32>
      %swap3A_287 = vector.shape_cast %add3A_283 : vector<16xi32> to vector<16xi32>
      tpu.vector_store %arg8[%swap3A_284], %swap3A_287 {strides = array<i32>} : memref<128xi32, #tpu.memory_space<vmem>>, vector<16xi32>,
      %get3A_288 = arith.constant 1 : i32
      %get3A_289 = arith.index_cast %get3A_288 : i32 to index
      %get3A_290 = arith.constant 48 : index
      %get3A_291 = tpu.vector_load %arg15[%get3A_289, %get3A_290] {strides = array<i32>} : memref<2x128xi32, #tpu.memory_space<vmem>>, vector<1x16xi32>,
      %get3A_292 = vector.shape_cast %get3A_291 : vector<1x16xi32> to vector<16xi32>
      %swap3A_293 = arith.constant 48 : index
      %swap3A_294 = tpu.vector_load %arg10[%swap3A_293] {strides = array<i32>} : memref<128xi32, #tpu.memory_space<vmem>>, vector<16xi32>,
      %swap3A_295 = vector.shape_cast %swap3A_294 : vector<16xi32> to vector<16xi32>
      %swap3A_296 = vector.shape_cast %get3A_292 : vector<16xi32> to vector<16xi32>
      tpu.vector_store %arg10[%swap3A_293], %swap3A_296 {strides = array<i32>} : memref<128xi32, #tpu.memory_space<vmem>>, vector<16xi32>,
      %get3A_297 = arith.constant 1 : i32
      %get3A_298 = arith.index_cast %get3A_297 : i32 to index
      %get3A_299 = arith.constant 64 : index
      %get3A_300 = tpu.vector_load %arg13[%get3A_298, %get3A_299] {strides = array<i32>} : memref<2x128xi32, #tpu.memory_space<vmem>>, vector<1x16xi32>,
      %get3A_301 = vector.shape_cast %get3A_300 : vector<1x16xi32> to vector<16xi32>
      %mul3A_302 = arith.constant 2 : i32
      %mul3A_303 = vector.broadcast %mul3A_302 : i32 to vector<16xi32>
      %mul3A_304 = arith.muli %get3A_301, %mul3A_303 : vector<16xi32>
      %add3A_305 = vector.broadcast %arg0 : i32 to vector<16xi32>
      %add3A_306 = arith.addi %mul3A_304, %add3A_305 : vector<16xi32>
      %swap3A_307 = arith.constant 64 : index
      %swap3A_308 = tpu.vector_load %arg8[%swap3A_307] {strides = array<i32>} : memref<128xi32, #tpu.memory_space<vmem>>, vector<16xi32>,
      %swap3A_309 = vector.shape_cast %swap3A_308 : vector<16xi32> to vector<16xi32>
      %swap3A_310 = vector.shape_cast %add3A_306 : vector<16xi32> to vector<16xi32>
      tpu.vector_store %arg8[%swap3A_307], %swap3A_310 {strides = array<i32>} : memref<128xi32, #tpu.memory_space<vmem>>, vector<16xi32>,
      %get3A_311 = arith.constant 1 : i32
      %get3A_312 = arith.index_cast %get3A_311 : i32 to index
      %get3A_313 = arith.constant 64 : index
      %get3A_314 = tpu.vector_load %arg15[%get3A_312, %get3A_313] {strides = array<i32>} : memref<2x128xi32, #tpu.memory_space<vmem>>, vector<1x16xi32>,
      %get3A_315 = vector.shape_cast %get3A_314 : vector<1x16xi32> to vector<16xi32>
      %swap3A_316 = arith.constant 64 : index
      %swap3A_317 = tpu.vector_load %arg10[%swap3A_316] {strides = array<i32>} : memref<128xi32, #tpu.memory_space<vmem>>, vector<16xi32>,
      %swap3A_318 = vector.shape_cast %swap3A_317 : vector<16xi32> to vector<16xi32>
      %swap3A_319 = vector.shape_cast %get3A_315 : vector<16xi32> to vector<16xi32>
      tpu.vector_store %arg10[%swap3A_316], %swap3A_319 {strides = array<i32>} : memref<128xi32, #tpu.memory_space<vmem>>, vector<16xi32>,
      %get3A_320 = arith.constant 1 : i32
      %get3A_321 = arith.index_cast %get3A_320 : i32 to index
      %get3A_322 = arith.constant 80 : index
      %get3A_323 = tpu.vector_load %arg13[%get3A_321, %get3A_322] {strides = array<i32>} : memref<2x128xi32, #tpu.memory_space<vmem>>, vector<1x16xi32>,
      %get3A_324 = vector.shape_cast %get3A_323 : vector<1x16xi32> to vector<16xi32>
      %mul3A_325 = arith.constant 2 : i32
      %mul3A_326 = vector.broadcast %mul3A_325 : i32 to vector<16xi32>
      %mul3A_327 = arith.muli %get3A_324, %mul3A_326 : vector<16xi32>
      %add3A_328 = vector.broadcast %arg0 : i32 to vector<16xi32>
      %add3A_329 = arith.addi %mul3A_327, %add3A_328 : vector<16xi32>
      %swap3A_330 = arith.constant 80 : index
      %swap3A_331 = tpu.vector_load %arg8[%swap3A_330] {strides = array<i32>} : memref<128xi32, #tpu.memory_space<vmem>>, vector<16xi32>,
      %swap3A_332 = vector.shape_cast %swap3A_331 : vector<16xi32> to vector<16xi32>
      %swap3A_333 = vector.shape_cast %add3A_329 : vector<16xi32> to vector<16xi32>
      tpu.vector_store %arg8[%swap3A_330], %swap3A_333 {strides = array<i32>} : memref<128xi32, #tpu.memory_space<vmem>>, vector<16xi32>,
      %get3A_334 = arith.constant 1 : i32
      %get3A_335 = arith.index_cast %get3A_334 : i32 to index
      %get3A_336 = arith.constant 80 : index
      %get3A_337 = tpu.vector_load %arg15[%get3A_335, %get3A_336] {strides = array<i32>} : memref<2x128xi32, #tpu.memory_space<vmem>>, vector<1x16xi32>,
      %get3A_338 = vector.shape_cast %get3A_337 : vector<1x16xi32> to vector<16xi32>
      %swap3A_339 = arith.constant 80 : index
      %swap3A_340 = tpu.vector_load %arg10[%swap3A_339] {strides = array<i32>} : memref<128xi32, #tpu.memory_space<vmem>>, vector<16xi32>,
      %swap3A_341 = vector.shape_cast %swap3A_340 : vector<16xi32> to vector<16xi32>
      %swap3A_342 = vector.shape_cast %get3A_338 : vector<16xi32> to vector<16xi32>
      tpu.vector_store %arg10[%swap3A_339], %swap3A_342 {strides = array<i32>} : memref<128xi32, #tpu.memory_space<vmem>>, vector<16xi32>,
      %get3A_343 = arith.constant 1 : i32
      %get3A_344 = arith.index_cast %get3A_343 : i32 to index
      %get3A_345 = arith.constant 96 : index
      %get3A_346 = tpu.vector_load %arg13[%get3A_344, %get3A_345] {strides = array<i32>} : memref<2x128xi32, #tpu.memory_space<vmem>>, vector<1x16xi32>,
      %get3A_347 = vector.shape_cast %get3A_346 : vector<1x16xi32> to vector<16xi32>
      %mul3A_348 = arith.constant 2 : i32
      %mul3A_349 = vector.broadcast %mul3A_348 : i32 to vector<16xi32>
      %mul3A_350 = arith.muli %get3A_347, %mul3A_349 : vector<16xi32>
      %add3A_351 = vector.broadcast %arg0 : i32 to vector<16xi32>
      %add3A_352 = arith.addi %mul3A_350, %add3A_351 : vector<16xi32>
      %swap3A_353 = arith.constant 96 : index
      %swap3A_354 = tpu.vector_load %arg8[%swap3A_353] {strides = array<i32>} : memref<128xi32, #tpu.memory_space<vmem>>, vector<16xi32>,
      %swap3A_355 = vector.shape_cast %swap3A_354 : vector<16xi32> to vector<16xi32>
      %swap3A_356 = vector.shape_cast %add3A_352 : vector<16xi32> to vector<16xi32>
      tpu.vector_store %arg8[%swap3A_353], %swap3A_356 {strides = array<i32>} : memref<128xi32, #tpu.memory_space<vmem>>, vector<16xi32>,
      %get3A_357 = arith.constant 1 : i32
      %get3A_358 = arith.index_cast %get3A_357 : i32 to index
      %get3A_359 = arith.constant 96 : index
      %get3A_360 = tpu.vector_load %arg15[%get3A_358, %get3A_359] {strides = array<i32>} : memref<2x128xi32, #tpu.memory_space<vmem>>, vector<1x16xi32>,
      %get3A_361 = vector.shape_cast %get3A_360 : vector<1x16xi32> to vector<16xi32>
      %swap3A_362 = arith.constant 96 : index
      %swap3A_363 = tpu.vector_load %arg10[%swap3A_362] {strides = array<i32>} : memref<128xi32, #tpu.memory_space<vmem>>, vector<16xi32>,
      %swap3A_364 = vector.shape_cast %swap3A_363 : vector<16xi32> to vector<16xi32>
      %swap3A_365 = vector.shape_cast %get3A_361 : vector<16xi32> to vector<16xi32>
      tpu.vector_store %arg10[%swap3A_362], %swap3A_365 {strides = array<i32>} : memref<128xi32, #tpu.memory_space<vmem>>, vector<16xi32>,
      %get3A_366 = arith.constant 1 : i32
      %get3A_367 = arith.index_cast %get3A_366 : i32 to index
      %get3A_368 = arith.constant 112 : index
      %get3A_369 = tpu.vector_load %arg13[%get3A_367, %get3A_368] {strides = array<i32>} : memref<2x128xi32, #tpu.memory_space<vmem>>, vector<1x16xi32>,
      %get3A_370 = vector.shape_cast %get3A_369 : vector<1x16xi32> to vector<16xi32>
      %mul3A_371 = arith.constant 2 : i32
      %mul3A_372 = vector.broadcast %mul3A_371 : i32 to vector<16xi32>
      %mul3A_373 = arith.muli %get3A_370, %mul3A_372 : vector<16xi32>
      %add3A_374 = vector.broadcast %arg0 : i32 to vector<16xi32>
      %add3A_375 = arith.addi %mul3A_373, %add3A_374 : vector<16xi32>
      %swap3A_376 = arith.constant 112 : index
      %swap3A_377 = tpu.vector_load %arg8[%swap3A_376] {strides = array<i32>} : memref<128xi32, #tpu.memory_space<vmem>>, vector<16xi32>,
      %swap3A_378 = vector.shape_cast %swap3A_377 : vector<16xi32> to vector<16xi32>
      %swap3A_379 = vector.shape_cast %add3A_375 : vector<16xi32> to vector<16xi32>
      tpu.vector_store %arg8[%swap3A_376], %swap3A_379 {strides = array<i32>} : memref<128xi32, #tpu.memory_space<vmem>>, vector<16xi32>,
      %get3A_380 = arith.constant 1 : i32
      %get3A_381 = arith.index_cast %get3A_380 : i32 to index
      %get3A_382 = arith.constant 112 : index
      %get3A_383 = tpu.vector_load %arg15[%get3A_381, %get3A_382] {strides = array<i32>} : memref<2x128xi32, #tpu.memory_space<vmem>>, vector<1x16xi32>,
      %get3A_384 = vector.shape_cast %get3A_383 : vector<1x16xi32> to vector<16xi32>
      %swap3A_385 = arith.constant 112 : index
      %swap3A_386 = tpu.vector_load %arg10[%swap3A_385] {strides = array<i32>} : memref<128xi32, #tpu.memory_space<vmem>>, vector<16xi32>,
      %swap3A_387 = vector.shape_cast %swap3A_386 : vector<16xi32> to vector<16xi32>
      %swap3A_388 = vector.shape_cast %get3A_384 : vector<16xi32> to vector<16xi32>
      tpu.vector_store %arg10[%swap3A_385], %swap3A_388 {strides = array<i32>} : memref<128xi32, #tpu.memory_space<vmem>>, vector<16xi32>,
      %dma_start3A_389 = arith.constant 0 : i32
      %dma_start3A_390 = arith.constant 0 : i32
      %dma_start3A_391 = tpu.memref_slice %arg2[%dma_start3A_389, %dma_start3A_390] : memref<20480x128xf32, #tpu.memory_space<hbm>> -> memref<20480x128xf32, #tpu.memory_space<hbm>>
      tpu.enqueue_indirect_dma source(%dma_start3A_391 : memref<20480x128xf32, #tpu.memory_space<hbm>>) target(%arg12 : memref<128x128xf32, #tpu.memory_space<vmem>>) offsets(%arg8 : memref<128xi32, #tpu.memory_space<vmem>>) semaphore(%arg19 : memref<!tpu.dma_semaphore, #tpu.memory_space<semaphore_mem>>)
      %add3A_392 = arith.constant 2 : i32
      %add3A_393 = arith.addi %add3A_20, %add3A_392 : i32
      "tpu.region"() ({
        %run_scoped3A = tpu.sem_alloc : memref<!tpu.dma_semaphore, #tpu.memory_space<semaphore_mem>>
        %dma_start3A_803 = arith.constant 0 : i32
        %dma_start3A_804 = tpu.memref_slice %arg3[%add3A_393, %dma_start3A_803] : memref<1280x128xi32, #tpu.memory_space<hbm>> -> memref<2x128xi32, #tpu.memory_space<hbm>>
        %dma_start3A_805 = arith.constant 0 : i32
        %dma_start3A_806 = tpu.memref_slice %arg3[%add3A_393, %dma_start3A_805] : memref<1280x128xi32, #tpu.memory_space<hbm>> -> memref<2x128xi32, #tpu.memory_space<hbm>>
        tpu.enqueue_dma source(%dma_start3A_806 : memref<2x128xi32, #tpu.memory_space<hbm>>) target(%arg14 : memref<2x128xi32, #tpu.memory_space<vmem>>) target_semaphore(%run_scoped3A : memref<!tpu.dma_semaphore, #tpu.memory_space<semaphore_mem>>)
        %dma_wait3A_807 = arith.constant 0 : i32
        %dma_wait3A_808 = tpu.memref_slice %arg3[%add3A_393, %dma_wait3A_807] : memref<1280x128xi32, #tpu.memory_space<hbm>> -> memref<2x128xi32, #tpu.memory_space<hbm>>
        %dma_wait3A_809 = arith.constant 0 : i32
        %dma_wait3A_810 = tpu.memref_slice %arg3[%add3A_393, %dma_wait3A_809] : memref<1280x128xi32, #tpu.memory_space<hbm>> -> memref<2x128xi32, #tpu.memory_space<hbm>>
        tpu.wait_dma2 semaphore(%run_scoped3A : memref<!tpu.dma_semaphore, #tpu.memory_space<semaphore_mem>>) src(%dma_wait3A_810 : memref<2x128xi32, #tpu.memory_space<hbm>>) dst(%arg14 : memref<2x128xi32, #tpu.memory_space<vmem>>)
        tpu.yield
      }) : () -> ()
      "tpu.region"() ({
        %run_scoped3A = tpu.sem_alloc : memref<!tpu.dma_semaphore, #tpu.memory_space<semaphore_mem>>
        %dma_start3A_803 = arith.constant 0 : i32
        %dma_start3A_804 = tpu.memref_slice %arg4[%add3A_393, %dma_start3A_803] : memref<1280x128xi32, #tpu.memory_space<hbm>> -> memref<2x128xi32, #tpu.memory_space<hbm>>
        %dma_start3A_805 = arith.constant 0 : i32
        %dma_start3A_806 = tpu.memref_slice %arg4[%add3A_393, %dma_start3A_805] : memref<1280x128xi32, #tpu.memory_space<hbm>> -> memref<2x128xi32, #tpu.memory_space<hbm>>
        tpu.enqueue_dma source(%dma_start3A_806 : memref<2x128xi32, #tpu.memory_space<hbm>>) target(%arg16 : memref<2x128xi32, #tpu.memory_space<vmem>>) target_semaphore(%run_scoped3A : memref<!tpu.dma_semaphore, #tpu.memory_space<semaphore_mem>>)
        %dma_wait3A_807 = arith.constant 0 : i32
        %dma_wait3A_808 = tpu.memref_slice %arg4[%add3A_393, %dma_wait3A_807] : memref<1280x128xi32, #tpu.memory_space<hbm>> -> memref<2x128xi32, #tpu.memory_space<hbm>>
        %dma_wait3A_809 = arith.constant 0 : i32
        %dma_wait3A_810 = tpu.memref_slice %arg4[%add3A_393, %dma_wait3A_809] : memref<1280x128xi32, #tpu.memory_space<hbm>> -> memref<2x128xi32, #tpu.memory_space<hbm>>
        tpu.wait_dma2 semaphore(%run_scoped3A : memref<!tpu.dma_semaphore, #tpu.memory_space<semaphore_mem>>) src(%dma_wait3A_810 : memref<2x128xi32, #tpu.memory_space<hbm>>) dst(%arg16 : memref<2x128xi32, #tpu.memory_space<vmem>>)
        tpu.yield
      }) : () -> ()
      %dma_wait3A = arith.constant 0 : i32
      %dma_wait3A_394 = arith.constant 0 : i32
      %dma_wait3A_395 = tpu.memref_slice %arg2[%dma_wait3A, %dma_wait3A_394] : memref<20480x128xf32, #tpu.memory_space<hbm>> -> memref<20480x128xf32, #tpu.memory_space<hbm>>
      tpu.wait_indirect_dma semaphore(%arg18 : memref<!tpu.dma_semaphore, #tpu.memory_space<semaphore_mem>>) src(%dma_wait3A_395 : memref<20480x128xf32, #tpu.memory_space<hbm>>) dst(%arg11 : memref<128x128xf32, #tpu.memory_space<vmem>>)
      %dma_start3A_396 = arith.constant 0 : i32
      %dma_start3A_397 = arith.constant 0 : i32
      %dma_start3A_398 = tpu.memref_slice %arg17[%dma_start3A_396, %dma_start3A_397] : memref<10240x128xf32, #tpu.memory_space<vmem_shared>> -> memref<10240x128xf32, #tpu.memory_space<vmem_shared>>
      tpu.enqueue_indirect_dma source(%arg11 : memref<128x128xf32, #tpu.memory_space<vmem>>) target(%dma_start3A_398 : memref<10240x128xf32, #tpu.memory_space<vmem_shared>>) offsets(%arg9 : memref<128xi32, #tpu.memory_space<vmem>>) semaphore(%arg20 : memref<!tpu.dma_semaphore, #tpu.memory_space<semaphore_mem>>) {add = true}
      %dma_wait3A_399 = arith.constant 0 : i32
      %dma_wait3A_400 = arith.constant 0 : i32
      %dma_wait3A_401 = tpu.memref_slice %arg2[%dma_wait3A_399, %dma_wait3A_400] : memref<20480x128xf32, #tpu.memory_space<hbm>> -> memref<20480x128xf32, #tpu.memory_space<hbm>>
      tpu.wait_indirect_dma semaphore(%arg19 : memref<!tpu.dma_semaphore, #tpu.memory_space<semaphore_mem>>) src(%dma_wait3A_401 : memref<20480x128xf32, #tpu.memory_space<hbm>>) dst(%arg12 : memref<128x128xf32, #tpu.memory_space<vmem>>)
      %dma_start3A_402 = arith.constant 0 : i32
      %dma_start3A_403 = arith.constant 0 : i32
      %dma_start3A_404 = tpu.memref_slice %arg17[%dma_start3A_402, %dma_start3A_403] : memref<10240x128xf32, #tpu.memory_space<vmem_shared>> -> memref<10240x128xf32, #tpu.memory_space<vmem_shared>>
      tpu.enqueue_indirect_dma source(%arg12 : memref<128x128xf32, #tpu.memory_space<vmem>>) target(%dma_start3A_404 : memref<10240x128xf32, #tpu.memory_space<vmem_shared>>) offsets(%arg10 : memref<128xi32, #tpu.memory_space<vmem>>) semaphore(%arg21 : memref<!tpu.dma_semaphore, #tpu.memory_space<semaphore_mem>>) {add = true}
      %dma_wait3A_405 = arith.constant 0 : i32
      %dma_wait3A_406 = arith.constant 0 : i32
      %dma_wait3A_407 = tpu.memref_slice %arg17[%dma_wait3A_405, %dma_wait3A_406] : memref<10240x128xf32, #tpu.memory_space<vmem_shared>> -> memref<10240x128xf32, #tpu.memory_space<vmem_shared>>
      tpu.wait_indirect_dma semaphore(%arg20 : memref<!tpu.dma_semaphore, #tpu.memory_space<semaphore_mem>>) src(%arg11 : memref<128x128xf32, #tpu.memory_space<vmem>>) dst(%dma_wait3A_407 : memref<10240x128xf32, #tpu.memory_space<vmem_shared>>)
      %get3A_408 = arith.constant 0 : i32
      %get3A_409 = arith.index_cast %get3A_408 : i32 to index
      %get3A_410 = arith.constant 0 : index
      %get3A_411 = tpu.vector_load %arg14[%get3A_409, %get3A_410] {strides = array<i32>} : memref<2x128xi32, #tpu.memory_space<vmem>>, vector<1x16xi32>,
      %get3A_412 = vector.shape_cast %get3A_411 : vector<1x16xi32> to vector<16xi32>
      %mul3A_413 = arith.constant 2 : i32
      %mul3A_414 = vector.broadcast %mul3A_413 : i32 to vector<16xi32>
      %mul3A_415 = arith.muli %get3A_412, %mul3A_414 : vector<16xi32>
      %add3A_416 = vector.broadcast %arg0 : i32 to vector<16xi32>
      %add3A_417 = arith.addi %mul3A_415, %add3A_416 : vector<16xi32>
      %swap3A_418 = arith.constant 0 : index
      %swap3A_419 = tpu.vector_load %arg7[%swap3A_418] {strides = array<i32>} : memref<128xi32, #tpu.memory_space<vmem>>, vector<16xi32>,
      %swap3A_420 = vector.shape_cast %swap3A_419 : vector<16xi32> to vector<16xi32>
      %swap3A_421 = vector.shape_cast %add3A_417 : vector<16xi32> to vector<16xi32>
      tpu.vector_store %arg7[%swap3A_418], %swap3A_421 {strides = array<i32>} : memref<128xi32, #tpu.memory_space<vmem>>, vector<16xi32>,
      %get3A_422 = arith.constant 0 : i32
      %get3A_423 = arith.index_cast %get3A_422 : i32 to index
      %get3A_424 = arith.constant 0 : index
      %get3A_425 = tpu.vector_load %arg16[%get3A_423, %get3A_424] {strides = array<i32>} : memref<2x128xi32, #tpu.memory_space<vmem>>, vector<1x16xi32>,
      %get3A_426 = vector.shape_cast %get3A_425 : vector<1x16xi32> to vector<16xi32>
      %swap3A_427 = arith.constant 0 : index
      %swap3A_428 = tpu.vector_load %arg9[%swap3A_427] {strides = array<i32>} : memref<128xi32, #tpu.memory_space<vmem>>, vector<16xi32>,
      %swap3A_429 = vector.shape_cast %swap3A_428 : vector<16xi32> to vector<16xi32>
      %swap3A_430 = vector.shape_cast %get3A_426 : vector<16xi32> to vector<16xi32>
      tpu.vector_store %arg9[%swap3A_427], %swap3A_430 {strides = array<i32>} : memref<128xi32, #tpu.memory_space<vmem>>, vector<16xi32>,
      %get3A_431 = arith.constant 0 : i32
      %get3A_432 = arith.index_cast %get3A_431 : i32 to index
      %get3A_433 = arith.constant 16 : index
      %get3A_434 = tpu.vector_load %arg14[%get3A_432, %get3A_433] {strides = array<i32>} : memref<2x128xi32, #tpu.memory_space<vmem>>, vector<1x16xi32>,
      %get3A_435 = vector.shape_cast %get3A_434 : vector<1x16xi32> to vector<16xi32>
      %mul3A_436 = arith.constant 2 : i32
      %mul3A_437 = vector.broadcast %mul3A_436 : i32 to vector<16xi32>
      %mul3A_438 = arith.muli %get3A_435, %mul3A_437 : vector<16xi32>
      %add3A_439 = vector.broadcast %arg0 : i32 to vector<16xi32>
      %add3A_440 = arith.addi %mul3A_438, %add3A_439 : vector<16xi32>
      %swap3A_441 = arith.constant 16 : index
      %swap3A_442 = tpu.vector_load %arg7[%swap3A_441] {strides = array<i32>} : memref<128xi32, #tpu.memory_space<vmem>>, vector<16xi32>,
      %swap3A_443 = vector.shape_cast %swap3A_442 : vector<16xi32> to vector<16xi32>
      %swap3A_444 = vector.shape_cast %add3A_440 : vector<16xi32> to vector<16xi32>
      tpu.vector_store %arg7[%swap3A_441], %swap3A_444 {strides = array<i32>} : memref<128xi32, #tpu.memory_space<vmem>>, vector<16xi32>,
      %get3A_445 = arith.constant 0 : i32
      %get3A_446 = arith.index_cast %get3A_445 : i32 to index
      %get3A_447 = arith.constant 16 : index
      %get3A_448 = tpu.vector_load %arg16[%get3A_446, %get3A_447] {strides = array<i32>} : memref<2x128xi32, #tpu.memory_space<vmem>>, vector<1x16xi32>,
      %get3A_449 = vector.shape_cast %get3A_448 : vector<1x16xi32> to vector<16xi32>
      %swap3A_450 = arith.constant 16 : index
      %swap3A_451 = tpu.vector_load %arg9[%swap3A_450] {strides = array<i32>} : memref<128xi32, #tpu.memory_space<vmem>>, vector<16xi32>,
      %swap3A_452 = vector.shape_cast %swap3A_451 : vector<16xi32> to vector<16xi32>
      %swap3A_453 = vector.shape_cast %get3A_449 : vector<16xi32> to vector<16xi32>
      tpu.vector_store %arg9[%swap3A_450], %swap3A_453 {strides = array<i32>} : memref<128xi32, #tpu.memory_space<vmem>>, vector<16xi32>,
      %get3A_454 = arith.constant 0 : i32
      %get3A_455 = arith.index_cast %get3A_454 : i32 to index
      %get3A_456 = arith.constant 32 : index
      %get3A_457 = tpu.vector_load %arg14[%get3A_455, %get3A_456] {strides = array<i32>} : memref<2x128xi32, #tpu.memory_space<vmem>>, vector<1x16xi32>,
      %get3A_458 = vector.shape_cast %get3A_457 : vector<1x16xi32> to vector<16xi32>
      %mul3A_459 = arith.constant 2 : i32
      %mul3A_460 = vector.broadcast %mul3A_459 : i32 to vector<16xi32>
      %mul3A_461 = arith.muli %get3A_458, %mul3A_460 : vector<16xi32>
      %add3A_462 = vector.broadcast %arg0 : i32 to vector<16xi32>
      %add3A_463 = arith.addi %mul3A_461, %add3A_462 : vector<16xi32>
      %swap3A_464 = arith.constant 32 : index
      %swap3A_465 = tpu.vector_load %arg7[%swap3A_464] {strides = array<i32>} : memref<128xi32, #tpu.memory_space<vmem>>, vector<16xi32>,
      %swap3A_466 = vector.shape_cast %swap3A_465 : vector<16xi32> to vector<16xi32>
      %swap3A_467 = vector.shape_cast %add3A_463 : vector<16xi32> to vector<16xi32>
      tpu.vector_store %arg7[%swap3A_464], %swap3A_467 {strides = array<i32>} : memref<128xi32, #tpu.memory_space<vmem>>, vector<16xi32>,
      %get3A_468 = arith.constant 0 : i32
      %get3A_469 = arith.index_cast %get3A_468 : i32 to index
      %get3A_470 = arith.constant 32 : index
      %get3A_471 = tpu.vector_load %arg16[%get3A_469, %get3A_470] {strides = array<i32>} : memref<2x128xi32, #tpu.memory_space<vmem>>, vector<1x16xi32>,
      %get3A_472 = vector.shape_cast %get3A_471 : vector<1x16xi32> to vector<16xi32>
      %swap3A_473 = arith.constant 32 : index
      %swap3A_474 = tpu.vector_load %arg9[%swap3A_473] {strides = array<i32>} : memref<128xi32, #tpu.memory_space<vmem>>, vector<16xi32>,
      %swap3A_475 = vector.shape_cast %swap3A_474 : vector<16xi32> to vector<16xi32>
      %swap3A_476 = vector.shape_cast %get3A_472 : vector<16xi32> to vector<16xi32>
      tpu.vector_store %arg9[%swap3A_473], %swap3A_476 {strides = array<i32>} : memref<128xi32, #tpu.memory_space<vmem>>, vector<16xi32>,
      %get3A_477 = arith.constant 0 : i32
      %get3A_478 = arith.index_cast %get3A_477 : i32 to index
      %get3A_479 = arith.constant 48 : index
      %get3A_480 = tpu.vector_load %arg14[%get3A_478, %get3A_479] {strides = array<i32>} : memref<2x128xi32, #tpu.memory_space<vmem>>, vector<1x16xi32>,
      %get3A_481 = vector.shape_cast %get3A_480 : vector<1x16xi32> to vector<16xi32>
      %mul3A_482 = arith.constant 2 : i32
      %mul3A_483 = vector.broadcast %mul3A_482 : i32 to vector<16xi32>
      %mul3A_484 = arith.muli %get3A_481, %mul3A_483 : vector<16xi32>
      %add3A_485 = vector.broadcast %arg0 : i32 to vector<16xi32>
      %add3A_486 = arith.addi %mul3A_484, %add3A_485 : vector<16xi32>
      %swap3A_487 = arith.constant 48 : index
      %swap3A_488 = tpu.vector_load %arg7[%swap3A_487] {strides = array<i32>} : memref<128xi32, #tpu.memory_space<vmem>>, vector<16xi32>,
      %swap3A_489 = vector.shape_cast %swap3A_488 : vector<16xi32> to vector<16xi32>
      %swap3A_490 = vector.shape_cast %add3A_486 : vector<16xi32> to vector<16xi32>
      tpu.vector_store %arg7[%swap3A_487], %swap3A_490 {strides = array<i32>} : memref<128xi32, #tpu.memory_space<vmem>>, vector<16xi32>,
      %get3A_491 = arith.constant 0 : i32
      %get3A_492 = arith.index_cast %get3A_491 : i32 to index
      %get3A_493 = arith.constant 48 : index
      %get3A_494 = tpu.vector_load %arg16[%get3A_492, %get3A_493] {strides = array<i32>} : memref<2x128xi32, #tpu.memory_space<vmem>>, vector<1x16xi32>,
      %get3A_495 = vector.shape_cast %get3A_494 : vector<1x16xi32> to vector<16xi32>
      %swap3A_496 = arith.constant 48 : index
      %swap3A_497 = tpu.vector_load %arg9[%swap3A_496] {strides = array<i32>} : memref<128xi32, #tpu.memory_space<vmem>>, vector<16xi32>,
      %swap3A_498 = vector.shape_cast %swap3A_497 : vector<16xi32> to vector<16xi32>
      %swap3A_499 = vector.shape_cast %get3A_495 : vector<16xi32> to vector<16xi32>
      tpu.vector_store %arg9[%swap3A_496], %swap3A_499 {strides = array<i32>} : memref<128xi32, #tpu.memory_space<vmem>>, vector<16xi32>,
      %get3A_500 = arith.constant 0 : i32
      %get3A_501 = arith.index_cast %get3A_500 : i32 to index
      %get3A_502 = arith.constant 64 : index
      %get3A_503 = tpu.vector_load %arg14[%get3A_501, %get3A_502] {strides = array<i32>} : memref<2x128xi32, #tpu.memory_space<vmem>>, vector<1x16xi32>,
      %get3A_504 = vector.shape_cast %get3A_503 : vector<1x16xi32> to vector<16xi32>
      %mul3A_505 = arith.constant 2 : i32
      %mul3A_506 = vector.broadcast %mul3A_505 : i32 to vector<16xi32>
      %mul3A_507 = arith.muli %get3A_504, %mul3A_506 : vector<16xi32>
      %add3A_508 = vector.broadcast %arg0 : i32 to vector<16xi32>
      %add3A_509 = arith.addi %mul3A_507, %add3A_508 : vector<16xi32>
      %swap3A_510 = arith.constant 64 : index
      %swap3A_511 = tpu.vector_load %arg7[%swap3A_510] {strides = array<i32>} : memref<128xi32, #tpu.memory_space<vmem>>, vector<16xi32>,
      %swap3A_512 = vector.shape_cast %swap3A_511 : vector<16xi32> to vector<16xi32>
      %swap3A_513 = vector.shape_cast %add3A_509 : vector<16xi32> to vector<16xi32>
      tpu.vector_store %arg7[%swap3A_510], %swap3A_513 {strides = array<i32>} : memref<128xi32, #tpu.memory_space<vmem>>, vector<16xi32>,
      %get3A_514 = arith.constant 0 : i32
      %get3A_515 = arith.index_cast %get3A_514 : i32 to index
      %get3A_516 = arith.constant 64 : index
      %get3A_517 = tpu.vector_load %arg16[%get3A_515, %get3A_516] {strides = array<i32>} : memref<2x128xi32, #tpu.memory_space<vmem>>, vector<1x16xi32>,
      %get3A_518 = vector.shape_cast %get3A_517 : vector<1x16xi32> to vector<16xi32>
      %swap3A_519 = arith.constant 64 : index
      %swap3A_520 = tpu.vector_load %arg9[%swap3A_519] {strides = array<i32>} : memref<128xi32, #tpu.memory_space<vmem>>, vector<16xi32>,
      %swap3A_521 = vector.shape_cast %swap3A_520 : vector<16xi32> to vector<16xi32>
      %swap3A_522 = vector.shape_cast %get3A_518 : vector<16xi32> to vector<16xi32>
      tpu.vector_store %arg9[%swap3A_519], %swap3A_522 {strides = array<i32>} : memref<128xi32, #tpu.memory_space<vmem>>, vector<16xi32>,
      %get3A_523 = arith.constant 0 : i32
      %get3A_524 = arith.index_cast %get3A_523 : i32 to index
      %get3A_525 = arith.constant 80 : index
      %get3A_526 = tpu.vector_load %arg14[%get3A_524, %get3A_525] {strides = array<i32>} : memref<2x128xi32, #tpu.memory_space<vmem>>, vector<1x16xi32>,
      %get3A_527 = vector.shape_cast %get3A_526 : vector<1x16xi32> to vector<16xi32>
      %mul3A_528 = arith.constant 2 : i32
      %mul3A_529 = vector.broadcast %mul3A_528 : i32 to vector<16xi32>
      %mul3A_530 = arith.muli %get3A_527, %mul3A_529 : vector<16xi32>
      %add3A_531 = vector.broadcast %arg0 : i32 to vector<16xi32>
      %add3A_532 = arith.addi %mul3A_530, %add3A_531 : vector<16xi32>
      %swap3A_533 = arith.constant 80 : index
      %swap3A_534 = tpu.vector_load %arg7[%swap3A_533] {strides = array<i32>} : memref<128xi32, #tpu.memory_space<vmem>>, vector<16xi32>,
      %swap3A_535 = vector.shape_cast %swap3A_534 : vector<16xi32> to vector<16xi32>
      %swap3A_536 = vector.shape_cast %add3A_532 : vector<16xi32> to vector<16xi32>
      tpu.vector_store %arg7[%swap3A_533], %swap3A_536 {strides = array<i32>} : memref<128xi32, #tpu.memory_space<vmem>>, vector<16xi32>,
      %get3A_537 = arith.constant 0 : i32
      %get3A_538 = arith.index_cast %get3A_537 : i32 to index
      %get3A_539 = arith.constant 80 : index
      %get3A_540 = tpu.vector_load %arg16[%get3A_538, %get3A_539] {strides = array<i32>} : memref<2x128xi32, #tpu.memory_space<vmem>>, vector<1x16xi32>,
      %get3A_541 = vector.shape_cast %get3A_540 : vector<1x16xi32> to vector<16xi32>
      %swap3A_542 = arith.constant 80 : index
      %swap3A_543 = tpu.vector_load %arg9[%swap3A_542] {strides = array<i32>} : memref<128xi32, #tpu.memory_space<vmem>>, vector<16xi32>,
      %swap3A_544 = vector.shape_cast %swap3A_543 : vector<16xi32> to vector<16xi32>
      %swap3A_545 = vector.shape_cast %get3A_541 : vector<16xi32> to vector<16xi32>
      tpu.vector_store %arg9[%swap3A_542], %swap3A_545 {strides = array<i32>} : memref<128xi32, #tpu.memory_space<vmem>>, vector<16xi32>,
      %get3A_546 = arith.constant 0 : i32
      %get3A_547 = arith.index_cast %get3A_546 : i32 to index
      %get3A_548 = arith.constant 96 : index
      %get3A_549 = tpu.vector_load %arg14[%get3A_547, %get3A_548] {strides = array<i32>} : memref<2x128xi32, #tpu.memory_space<vmem>>, vector<1x16xi32>,
      %get3A_550 = vector.shape_cast %get3A_549 : vector<1x16xi32> to vector<16xi32>
      %mul3A_551 = arith.constant 2 : i32
      %mul3A_552 = vector.broadcast %mul3A_551 : i32 to vector<16xi32>
      %mul3A_553 = arith.muli %get3A_550, %mul3A_552 : vector<16xi32>
      %add3A_554 = vector.broadcast %arg0 : i32 to vector<16xi32>
      %add3A_555 = arith.addi %mul3A_553, %add3A_554 : vector<16xi32>
      %swap3A_556 = arith.constant 96 : index
      %swap3A_557 = tpu.vector_load %arg7[%swap3A_556] {strides = array<i32>} : memref<128xi32, #tpu.memory_space<vmem>>, vector<16xi32>,
      %swap3A_558 = vector.shape_cast %swap3A_557 : vector<16xi32> to vector<16xi32>
      %swap3A_559 = vector.shape_cast %add3A_555 : vector<16xi32> to vector<16xi32>
      tpu.vector_store %arg7[%swap3A_556], %swap3A_559 {strides = array<i32>} : memref<128xi32, #tpu.memory_space<vmem>>, vector<16xi32>,
      %get3A_560 = arith.constant 0 : i32
      %get3A_561 = arith.index_cast %get3A_560 : i32 to index
      %get3A_562 = arith.constant 96 : index
      %get3A_563 = tpu.vector_load %arg16[%get3A_561, %get3A_562] {strides = array<i32>} : memref<2x128xi32, #tpu.memory_space<vmem>>, vector<1x16xi32>,
      %get3A_564 = vector.shape_cast %get3A_563 : vector<1x16xi32> to vector<16xi32>
      %swap3A_565 = arith.constant 96 : index
      %swap3A_566 = tpu.vector_load %arg9[%swap3A_565] {strides = array<i32>} : memref<128xi32, #tpu.memory_space<vmem>>, vector<16xi32>,
      %swap3A_567 = vector.shape_cast %swap3A_566 : vector<16xi32> to vector<16xi32>
      %swap3A_568 = vector.shape_cast %get3A_564 : vector<16xi32> to vector<16xi32>
      tpu.vector_store %arg9[%swap3A_565], %swap3A_568 {strides = array<i32>} : memref<128xi32, #tpu.memory_space<vmem>>, vector<16xi32>,
      %get3A_569 = arith.constant 0 : i32
      %get3A_570 = arith.index_cast %get3A_569 : i32 to index
      %get3A_571 = arith.constant 112 : index
      %get3A_572 = tpu.vector_load %arg14[%get3A_570, %get3A_571] {strides = array<i32>} : memref<2x128xi32, #tpu.memory_space<vmem>>, vector<1x16xi32>,
      %get3A_573 = vector.shape_cast %get3A_572 : vector<1x16xi32> to vector<16xi32>
      %mul3A_574 = arith.constant 2 : i32
      %mul3A_575 = vector.broadcast %mul3A_574 : i32 to vector<16xi32>
      %mul3A_576 = arith.muli %get3A_573, %mul3A_575 : vector<16xi32>
      %add3A_577 = vector.broadcast %arg0 : i32 to vector<16xi32>
      %add3A_578 = arith.addi %mul3A_576, %add3A_577 : vector<16xi32>
      %swap3A_579 = arith.constant 112 : index
      %swap3A_580 = tpu.vector_load %arg7[%swap3A_579] {strides = array<i32>} : memref<128xi32, #tpu.memory_space<vmem>>, vector<16xi32>,
      %swap3A_581 = vector.shape_cast %swap3A_580 : vector<16xi32> to vector<16xi32>
      %swap3A_582 = vector.shape_cast %add3A_578 : vector<16xi32> to vector<16xi32>
      tpu.vector_store %arg7[%swap3A_579], %swap3A_582 {strides = array<i32>} : memref<128xi32, #tpu.memory_space<vmem>>, vector<16xi32>,
      %get3A_583 = arith.constant 0 : i32
      %get3A_584 = arith.index_cast %get3A_583 : i32 to index
      %get3A_585 = arith.constant 112 : index
      %get3A_586 = tpu.vector_load %arg16[%get3A_584, %get3A_585] {strides = array<i32>} : memref<2x128xi32, #tpu.memory_space<vmem>>, vector<1x16xi32>,
      %get3A_587 = vector.shape_cast %get3A_586 : vector<1x16xi32> to vector<16xi32>
      %swap3A_588 = arith.constant 112 : index
      %swap3A_589 = tpu.vector_load %arg9[%swap3A_588] {strides = array<i32>} : memref<128xi32, #tpu.memory_space<vmem>>, vector<16xi32>,
      %swap3A_590 = vector.shape_cast %swap3A_589 : vector<16xi32> to vector<16xi32>
      %swap3A_591 = vector.shape_cast %get3A_587 : vector<16xi32> to vector<16xi32>
      tpu.vector_store %arg9[%swap3A_588], %swap3A_591 {strides = array<i32>} : memref<128xi32, #tpu.memory_space<vmem>>, vector<16xi32>,
      %dma_start3A_592 = arith.constant 0 : i32
      %dma_start3A_593 = arith.constant 0 : i32
      %dma_start3A_594 = tpu.memref_slice %arg2[%dma_start3A_592, %dma_start3A_593] : memref<20480x128xf32, #tpu.memory_space<hbm>> -> memref<20480x128xf32, #tpu.memory_space<hbm>>
      tpu.enqueue_indirect_dma source(%dma_start3A_594 : memref<20480x128xf32, #tpu.memory_space<hbm>>) target(%arg11 : memref<128x128xf32, #tpu.memory_space<vmem>>) offsets(%arg7 : memref<128xi32, #tpu.memory_space<vmem>>) semaphore(%arg18 : memref<!tpu.dma_semaphore, #tpu.memory_space<semaphore_mem>>)
      %dma_wait3A_595 = arith.constant 0 : i32
      %dma_wait3A_596 = arith.constant 0 : i32
      %dma_wait3A_597 = tpu.memref_slice %arg17[%dma_wait3A_595, %dma_wait3A_596] : memref<10240x128xf32, #tpu.memory_space<vmem_shared>> -> memref<10240x128xf32, #tpu.memory_space<vmem_shared>>
      tpu.wait_indirect_dma semaphore(%arg21 : memref<!tpu.dma_semaphore, #tpu.memory_space<semaphore_mem>>) src(%arg12 : memref<128x128xf32, #tpu.memory_space<vmem>>) dst(%dma_wait3A_597 : memref<10240x128xf32, #tpu.memory_space<vmem_shared>>)
      %get3A_598 = arith.constant 1 : i32
      %get3A_599 = arith.index_cast %get3A_598 : i32 to index
      %get3A_600 = arith.constant 0 : index
      %get3A_601 = tpu.vector_load %arg14[%get3A_599, %get3A_600] {strides = array<i32>} : memref<2x128xi32, #tpu.memory_space<vmem>>, vector<1x16xi32>,
      %get3A_602 = vector.shape_cast %get3A_601 : vector<1x16xi32> to vector<16xi32>
      %mul3A_603 = arith.constant 2 : i32
      %mul3A_604 = vector.broadcast %mul3A_603 : i32 to vector<16xi32>
      %mul3A_605 = arith.muli %get3A_602, %mul3A_604 : vector<16xi32>
      %add3A_606 = vector.broadcast %arg0 : i32 to vector<16xi32>
      %add3A_607 = arith.addi %mul3A_605, %add3A_606 : vector<16xi32>
      %swap3A_608 = arith.constant 0 : index
      %swap3A_609 = tpu.vector_load %arg8[%swap3A_608] {strides = array<i32>} : memref<128xi32, #tpu.memory_space<vmem>>, vector<16xi32>,
      %swap3A_610 = vector.shape_cast %swap3A_609 : vector<16xi32> to vector<16xi32>
      %swap3A_611 = vector.shape_cast %add3A_607 : vector<16xi32> to vector<16xi32>
      tpu.vector_store %arg8[%swap3A_608], %swap3A_611 {strides = array<i32>} : memref<128xi32, #tpu.memory_space<vmem>>, vector<16xi32>,
      %get3A_612 = arith.constant 1 : i32
      %get3A_613 = arith.index_cast %get3A_612 : i32 to index
      %get3A_614 = arith.constant 0 : index
      %get3A_615 = tpu.vector_load %arg16[%get3A_613, %get3A_614] {strides = array<i32>} : memref<2x128xi32, #tpu.memory_space<vmem>>, vector<1x16xi32>,
      %get3A_616 = vector.shape_cast %get3A_615 : vector<1x16xi32> to vector<16xi32>
      %swap3A_617 = arith.constant 0 : index
      %swap3A_618 = tpu.vector_load %arg10[%swap3A_617] {strides = array<i32>} : memref<128xi32, #tpu.memory_space<vmem>>, vector<16xi32>,
      %swap3A_619 = vector.shape_cast %swap3A_618 : vector<16xi32> to vector<16xi32>
      %swap3A_620 = vector.shape_cast %get3A_616 : vector<16xi32> to vector<16xi32>
      tpu.vector_store %arg10[%swap3A_617], %swap3A_620 {strides = array<i32>} : memref<128xi32, #tpu.memory_space<vmem>>, vector<16xi32>,
      %get3A_621 = arith.constant 1 : i32
      %get3A_622 = arith.index_cast %get3A_621 : i32 to index
      %get3A_623 = arith.constant 16 : index
      %get3A_624 = tpu.vector_load %arg14[%get3A_622, %get3A_623] {strides = array<i32>} : memref<2x128xi32, #tpu.memory_space<vmem>>, vector<1x16xi32>,
      %get3A_625 = vector.shape_cast %get3A_624 : vector<1x16xi32> to vector<16xi32>
      %mul3A_626 = arith.constant 2 : i32
      %mul3A_627 = vector.broadcast %mul3A_626 : i32 to vector<16xi32>
      %mul3A_628 = arith.muli %get3A_625, %mul3A_627 : vector<16xi32>
      %add3A_629 = vector.broadcast %arg0 : i32 to vector<16xi32>
      %add3A_630 = arith.addi %mul3A_628, %add3A_629 : vector<16xi32>
      %swap3A_631 = arith.constant 16 : index
      %swap3A_632 = tpu.vector_load %arg8[%swap3A_631] {strides = array<i32>} : memref<128xi32, #tpu.memory_space<vmem>>, vector<16xi32>,
      %swap3A_633 = vector.shape_cast %swap3A_632 : vector<16xi32> to vector<16xi32>
      %swap3A_634 = vector.shape_cast %add3A_630 : vector<16xi32> to vector<16xi32>
      tpu.vector_store %arg8[%swap3A_631], %swap3A_634 {strides = array<i32>} : memref<128xi32, #tpu.memory_space<vmem>>, vector<16xi32>,
      %get3A_635 = arith.constant 1 : i32
      %get3A_636 = arith.index_cast %get3A_635 : i32 to index
      %get3A_637 = arith.constant 16 : index
      %get3A_638 = tpu.vector_load %arg16[%get3A_636, %get3A_637] {strides = array<i32>} : memref<2x128xi32, #tpu.memory_space<vmem>>, vector<1x16xi32>,
      %get3A_639 = vector.shape_cast %get3A_638 : vector<1x16xi32> to vector<16xi32>
      %swap3A_640 = arith.constant 16 : index
      %swap3A_641 = tpu.vector_load %arg10[%swap3A_640] {strides = array<i32>} : memref<128xi32, #tpu.memory_space<vmem>>, vector<16xi32>,
      %swap3A_642 = vector.shape_cast %swap3A_641 : vector<16xi32> to vector<16xi32>
      %swap3A_643 = vector.shape_cast %get3A_639 : vector<16xi32> to vector<16xi32>
      tpu.vector_store %arg10[%swap3A_640], %swap3A_643 {strides = array<i32>} : memref<128xi32, #tpu.memory_space<vmem>>, vector<16xi32>,
      %get3A_644 = arith.constant 1 : i32
      %get3A_645 = arith.index_cast %get3A_644 : i32 to index
      %get3A_646 = arith.constant 32 : index
      %get3A_647 = tpu.vector_load %arg14[%get3A_645, %get3A_646] {strides = array<i32>} : memref<2x128xi32, #tpu.memory_space<vmem>>, vector<1x16xi32>,
      %get3A_648 = vector.shape_cast %get3A_647 : vector<1x16xi32> to vector<16xi32>
      %mul3A_649 = arith.constant 2 : i32
      %mul3A_650 = vector.broadcast %mul3A_649 : i32 to vector<16xi32>
      %mul3A_651 = arith.muli %get3A_648, %mul3A_650 : vector<16xi32>
      %add3A_652 = vector.broadcast %arg0 : i32 to vector<16xi32>
      %add3A_653 = arith.addi %mul3A_651, %add3A_652 : vector<16xi32>
      %swap3A_654 = arith.constant 32 : index
      %swap3A_655 = tpu.vector_load %arg8[%swap3A_654] {strides = array<i32>} : memref<128xi32, #tpu.memory_space<vmem>>, vector<16xi32>,
      %swap3A_656 = vector.shape_cast %swap3A_655 : vector<16xi32> to vector<16xi32>
      %swap3A_657 = vector.shape_cast %add3A_653 : vector<16xi32> to vector<16xi32>
      tpu.vector_store %arg8[%swap3A_654], %swap3A_657 {strides = array<i32>} : memref<128xi32, #tpu.memory_space<vmem>>, vector<16xi32>,
      %get3A_658 = arith.constant 1 : i32
      %get3A_659 = arith.index_cast %get3A_658 : i32 to index
      %get3A_660 = arith.constant 32 : index
      %get3A_661 = tpu.vector_load %arg16[%get3A_659, %get3A_660] {strides = array<i32>} : memref<2x128xi32, #tpu.memory_space<vmem>>, vector<1x16xi32>,
      %get3A_662 = vector.shape_cast %get3A_661 : vector<1x16xi32> to vector<16xi32>
      %swap3A_663 = arith.constant 32 : index
      %swap3A_664 = tpu.vector_load %arg10[%swap3A_663] {strides = array<i32>} : memref<128xi32, #tpu.memory_space<vmem>>, vector<16xi32>,
      %swap3A_665 = vector.shape_cast %swap3A_664 : vector<16xi32> to vector<16xi32>
      %swap3A_666 = vector.shape_cast %get3A_662 : vector<16xi32> to vector<16xi32>
      tpu.vector_store %arg10[%swap3A_663], %swap3A_666 {strides = array<i32>} : memref<128xi32, #tpu.memory_space<vmem>>, vector<16xi32>,
      %get3A_667 = arith.constant 1 : i32
      %get3A_668 = arith.index_cast %get3A_667 : i32 to index
      %get3A_669 = arith.constant 48 : index
      %get3A_670 = tpu.vector_load %arg14[%get3A_668, %get3A_669] {strides = array<i32>} : memref<2x128xi32, #tpu.memory_space<vmem>>, vector<1x16xi32>,
      %get3A_671 = vector.shape_cast %get3A_670 : vector<1x16xi32> to vector<16xi32>
      %mul3A_672 = arith.constant 2 : i32
      %mul3A_673 = vector.broadcast %mul3A_672 : i32 to vector<16xi32>
      %mul3A_674 = arith.muli %get3A_671, %mul3A_673 : vector<16xi32>
      %add3A_675 = vector.broadcast %arg0 : i32 to vector<16xi32>
      %add3A_676 = arith.addi %mul3A_674, %add3A_675 : vector<16xi32>
      %swap3A_677 = arith.constant 48 : index
      %swap3A_678 = tpu.vector_load %arg8[%swap3A_677] {strides = array<i32>} : memref<128xi32, #tpu.memory_space<vmem>>, vector<16xi32>,
      %swap3A_679 = vector.shape_cast %swap3A_678 : vector<16xi32> to vector<16xi32>
      %swap3A_680 = vector.shape_cast %add3A_676 : vector<16xi32> to vector<16xi32>
      tpu.vector_store %arg8[%swap3A_677], %swap3A_680 {strides = array<i32>} : memref<128xi32, #tpu.memory_space<vmem>>, vector<16xi32>,
      %get3A_681 = arith.constant 1 : i32
      %get3A_682 = arith.index_cast %get3A_681 : i32 to index
      %get3A_683 = arith.constant 48 : index
      %get3A_684 = tpu.vector_load %arg16[%get3A_682, %get3A_683] {strides = array<i32>} : memref<2x128xi32, #tpu.memory_space<vmem>>, vector<1x16xi32>,
      %get3A_685 = vector.shape_cast %get3A_684 : vector<1x16xi32> to vector<16xi32>
      %swap3A_686 = arith.constant 48 : index
      %swap3A_687 = tpu.vector_load %arg10[%swap3A_686] {strides = array<i32>} : memref<128xi32, #tpu.memory_space<vmem>>, vector<16xi32>,
      %swap3A_688 = vector.shape_cast %swap3A_687 : vector<16xi32> to vector<16xi32>
      %swap3A_689 = vector.shape_cast %get3A_685 : vector<16xi32> to vector<16xi32>
      tpu.vector_store %arg10[%swap3A_686], %swap3A_689 {strides = array<i32>} : memref<128xi32, #tpu.memory_space<vmem>>, vector<16xi32>,
      %get3A_690 = arith.constant 1 : i32
      %get3A_691 = arith.index_cast %get3A_690 : i32 to index
      %get3A_692 = arith.constant 64 : index
      %get3A_693 = tpu.vector_load %arg14[%get3A_691, %get3A_692] {strides = array<i32>} : memref<2x128xi32, #tpu.memory_space<vmem>>, vector<1x16xi32>,
      %get3A_694 = vector.shape_cast %get3A_693 : vector<1x16xi32> to vector<16xi32>
      %mul3A_695 = arith.constant 2 : i32
      %mul3A_696 = vector.broadcast %mul3A_695 : i32 to vector<16xi32>
      %mul3A_697 = arith.muli %get3A_694, %mul3A_696 : vector<16xi32>
      %add3A_698 = vector.broadcast %arg0 : i32 to vector<16xi32>
      %add3A_699 = arith.addi %mul3A_697, %add3A_698 : vector<16xi32>
      %swap3A_700 = arith.constant 64 : index
      %swap3A_701 = tpu.vector_load %arg8[%swap3A_700] {strides = array<i32>} : memref<128xi32, #tpu.memory_space<vmem>>, vector<16xi32>,
      %swap3A_702 = vector.shape_cast %swap3A_701 : vector<16xi32> to vector<16xi32>
      %swap3A_703 = vector.shape_cast %add3A_699 : vector<16xi32> to vector<16xi32>
      tpu.vector_store %arg8[%swap3A_700], %swap3A_703 {strides = array<i32>} : memref<128xi32, #tpu.memory_space<vmem>>, vector<16xi32>,
      %get3A_704 = arith.constant 1 : i32
      %get3A_705 = arith.index_cast %get3A_704 : i32 to index
      %get3A_706 = arith.constant 64 : index
      %get3A_707 = tpu.vector_load %arg16[%get3A_705, %get3A_706] {strides = array<i32>} : memref<2x128xi32, #tpu.memory_space<vmem>>, vector<1x16xi32>,
      %get3A_708 = vector.shape_cast %get3A_707 : vector<1x16xi32> to vector<16xi32>
      %swap3A_709 = arith.constant 64 : index
      %swap3A_710 = tpu.vector_load %arg10[%swap3A_709] {strides = array<i32>} : memref<128xi32, #tpu.memory_space<vmem>>, vector<16xi32>,
      %swap3A_711 = vector.shape_cast %swap3A_710 : vector<16xi32> to vector<16xi32>
      %swap3A_712 = vector.shape_cast %get3A_708 : vector<16xi32> to vector<16xi32>
      tpu.vector_store %arg10[%swap3A_709], %swap3A_712 {strides = array<i32>} : memref<128xi32, #tpu.memory_space<vmem>>, vector<16xi32>,
      %get3A_713 = arith.constant 1 : i32
      %get3A_714 = arith.index_cast %get3A_713 : i32 to index
      %get3A_715 = arith.constant 80 : index
      %get3A_716 = tpu.vector_load %arg14[%get3A_714, %get3A_715] {strides = array<i32>} : memref<2x128xi32, #tpu.memory_space<vmem>>, vector<1x16xi32>,
      %get3A_717 = vector.shape_cast %get3A_716 : vector<1x16xi32> to vector<16xi32>
      %mul3A_718 = arith.constant 2 : i32
      %mul3A_719 = vector.broadcast %mul3A_718 : i32 to vector<16xi32>
      %mul3A_720 = arith.muli %get3A_717, %mul3A_719 : vector<16xi32>
      %add3A_721 = vector.broadcast %arg0 : i32 to vector<16xi32>
      %add3A_722 = arith.addi %mul3A_720, %add3A_721 : vector<16xi32>
      %swap3A_723 = arith.constant 80 : index
      %swap3A_724 = tpu.vector_load %arg8[%swap3A_723] {strides = array<i32>} : memref<128xi32, #tpu.memory_space<vmem>>, vector<16xi32>,
      %swap3A_725 = vector.shape_cast %swap3A_724 : vector<16xi32> to vector<16xi32>
      %swap3A_726 = vector.shape_cast %add3A_722 : vector<16xi32> to vector<16xi32>
      tpu.vector_store %arg8[%swap3A_723], %swap3A_726 {strides = array<i32>} : memref<128xi32, #tpu.memory_space<vmem>>, vector<16xi32>,
      %get3A_727 = arith.constant 1 : i32
      %get3A_728 = arith.index_cast %get3A_727 : i32 to index
      %get3A_729 = arith.constant 80 : index
      %get3A_730 = tpu.vector_load %arg16[%get3A_728, %get3A_729] {strides = array<i32>} : memref<2x128xi32, #tpu.memory_space<vmem>>, vector<1x16xi32>,
      %get3A_731 = vector.shape_cast %get3A_730 : vector<1x16xi32> to vector<16xi32>
      %swap3A_732 = arith.constant 80 : index
      %swap3A_733 = tpu.vector_load %arg10[%swap3A_732] {strides = array<i32>} : memref<128xi32, #tpu.memory_space<vmem>>, vector<16xi32>,
      %swap3A_734 = vector.shape_cast %swap3A_733 : vector<16xi32> to vector<16xi32>
      %swap3A_735 = vector.shape_cast %get3A_731 : vector<16xi32> to vector<16xi32>
      tpu.vector_store %arg10[%swap3A_732], %swap3A_735 {strides = array<i32>} : memref<128xi32, #tpu.memory_space<vmem>>, vector<16xi32>,
      %get3A_736 = arith.constant 1 : i32
      %get3A_737 = arith.index_cast %get3A_736 : i32 to index
      %get3A_738 = arith.constant 96 : index
      %get3A_739 = tpu.vector_load %arg14[%get3A_737, %get3A_738] {strides = array<i32>} : memref<2x128xi32, #tpu.memory_space<vmem>>, vector<1x16xi32>,
      %get3A_740 = vector.shape_cast %get3A_739 : vector<1x16xi32> to vector<16xi32>
      %mul3A_741 = arith.constant 2 : i32
      %mul3A_742 = vector.broadcast %mul3A_741 : i32 to vector<16xi32>
      %mul3A_743 = arith.muli %get3A_740, %mul3A_742 : vector<16xi32>
      %add3A_744 = vector.broadcast %arg0 : i32 to vector<16xi32>
      %add3A_745 = arith.addi %mul3A_743, %add3A_744 : vector<16xi32>
      %swap3A_746 = arith.constant 96 : index
      %swap3A_747 = tpu.vector_load %arg8[%swap3A_746] {strides = array<i32>} : memref<128xi32, #tpu.memory_space<vmem>>, vector<16xi32>,
      %swap3A_748 = vector.shape_cast %swap3A_747 : vector<16xi32> to vector<16xi32>
      %swap3A_749 = vector.shape_cast %add3A_745 : vector<16xi32> to vector<16xi32>
      tpu.vector_store %arg8[%swap3A_746], %swap3A_749 {strides = array<i32>} : memref<128xi32, #tpu.memory_space<vmem>>, vector<16xi32>,
      %get3A_750 = arith.constant 1 : i32
      %get3A_751 = arith.index_cast %get3A_750 : i32 to index
      %get3A_752 = arith.constant 96 : index
      %get3A_753 = tpu.vector_load %arg16[%get3A_751, %get3A_752] {strides = array<i32>} : memref<2x128xi32, #tpu.memory_space<vmem>>, vector<1x16xi32>,
      %get3A_754 = vector.shape_cast %get3A_753 : vector<1x16xi32> to vector<16xi32>
      %swap3A_755 = arith.constant 96 : index
      %swap3A_756 = tpu.vector_load %arg10[%swap3A_755] {strides = array<i32>} : memref<128xi32, #tpu.memory_space<vmem>>, vector<16xi32>,
      %swap3A_757 = vector.shape_cast %swap3A_756 : vector<16xi32> to vector<16xi32>
      %swap3A_758 = vector.shape_cast %get3A_754 : vector<16xi32> to vector<16xi32>
      tpu.vector_store %arg10[%swap3A_755], %swap3A_758 {strides = array<i32>} : memref<128xi32, #tpu.memory_space<vmem>>, vector<16xi32>,
      %get3A_759 = arith.constant 1 : i32
      %get3A_760 = arith.index_cast %get3A_759 : i32 to index
      %get3A_761 = arith.constant 112 : index
      %get3A_762 = tpu.vector_load %arg14[%get3A_760, %get3A_761] {strides = array<i32>} : memref<2x128xi32, #tpu.memory_space<vmem>>, vector<1x16xi32>,
      %get3A_763 = vector.shape_cast %get3A_762 : vector<1x16xi32> to vector<16xi32>
      %mul3A_764 = arith.constant 2 : i32
      %mul3A_765 = vector.broadcast %mul3A_764 : i32 to vector<16xi32>
      %mul3A_766 = arith.muli %get3A_763, %mul3A_765 : vector<16xi32>
      %add3A_767 = vector.broadcast %arg0 : i32 to vector<16xi32>
      %add3A_768 = arith.addi %mul3A_766, %add3A_767 : vector<16xi32>
      %swap3A_769 = arith.constant 112 : index
      %swap3A_770 = tpu.vector_load %arg8[%swap3A_769] {strides = array<i32>} : memref<128xi32, #tpu.memory_space<vmem>>, vector<16xi32>,
      %swap3A_771 = vector.shape_cast %swap3A_770 : vector<16xi32> to vector<16xi32>
      %swap3A_772 = vector.shape_cast %add3A_768 : vector<16xi32> to vector<16xi32>
      tpu.vector_store %arg8[%swap3A_769], %swap3A_772 {strides = array<i32>} : memref<128xi32, #tpu.memory_space<vmem>>, vector<16xi32>,
      %get3A_773 = arith.constant 1 : i32
      %get3A_774 = arith.index_cast %get3A_773 : i32 to index
      %get3A_775 = arith.constant 112 : index
      %get3A_776 = tpu.vector_load %arg16[%get3A_774, %get3A_775] {strides = array<i32>} : memref<2x128xi32, #tpu.memory_space<vmem>>, vector<1x16xi32>,
      %get3A_777 = vector.shape_cast %get3A_776 : vector<1x16xi32> to vector<16xi32>
      %swap3A_778 = arith.constant 112 : index
      %swap3A_779 = tpu.vector_load %arg10[%swap3A_778] {strides = array<i32>} : memref<128xi32, #tpu.memory_space<vmem>>, vector<16xi32>,
      %swap3A_780 = vector.shape_cast %swap3A_779 : vector<16xi32> to vector<16xi32>
      %swap3A_781 = vector.shape_cast %get3A_777 : vector<16xi32> to vector<16xi32>
      tpu.vector_store %arg10[%swap3A_778], %swap3A_781 {strides = array<i32>} : memref<128xi32, #tpu.memory_space<vmem>>, vector<16xi32>,
      %dma_start3A_782 = arith.constant 0 : i32
      %dma_start3A_783 = arith.constant 0 : i32
      %dma_start3A_784 = tpu.memref_slice %arg2[%dma_start3A_782, %dma_start3A_783] : memref<20480x128xf32, #tpu.memory_space<hbm>> -> memref<20480x128xf32, #tpu.memory_space<hbm>>
      tpu.enqueue_indirect_dma source(%dma_start3A_784 : memref<20480x128xf32, #tpu.memory_space<hbm>>) target(%arg12 : memref<128x128xf32, #tpu.memory_space<vmem>>) offsets(%arg8 : memref<128xi32, #tpu.memory_space<vmem>>) semaphore(%arg19 : memref<!tpu.dma_semaphore, #tpu.memory_space<semaphore_mem>>)
      %dma_wait3A_785 = arith.constant 0 : i32
      %dma_wait3A_786 = arith.constant 0 : i32
      %dma_wait3A_787 = tpu.memref_slice %arg2[%dma_wait3A_785, %dma_wait3A_786] : memref<20480x128xf32, #tpu.memory_space<hbm>> -> memref<20480x128xf32, #tpu.memory_space<hbm>>
      tpu.wait_indirect_dma semaphore(%arg18 : memref<!tpu.dma_semaphore, #tpu.memory_space<semaphore_mem>>) src(%dma_wait3A_787 : memref<20480x128xf32, #tpu.memory_space<hbm>>) dst(%arg11 : memref<128x128xf32, #tpu.memory_space<vmem>>)
      %dma_start3A_788 = arith.constant 0 : i32
      %dma_start3A_789 = arith.constant 0 : i32
      %dma_start3A_790 = tpu.memref_slice %arg17[%dma_start3A_788, %dma_start3A_789] : memref<10240x128xf32, #tpu.memory_space<vmem_shared>> -> memref<10240x128xf32, #tpu.memory_space<vmem_shared>>
      tpu.enqueue_indirect_dma source(%arg11 : memref<128x128xf32, #tpu.memory_space<vmem>>) target(%dma_start3A_790 : memref<10240x128xf32, #tpu.memory_space<vmem_shared>>) offsets(%arg9 : memref<128xi32, #tpu.memory_space<vmem>>) semaphore(%arg20 : memref<!tpu.dma_semaphore, #tpu.memory_space<semaphore_mem>>) {add = true}
      %dma_wait3A_791 = arith.constant 0 : i32
      %dma_wait3A_792 = arith.constant 0 : i32
      %dma_wait3A_793 = tpu.memref_slice %arg2[%dma_wait3A_791, %dma_wait3A_792] : memref<20480x128xf32, #tpu.memory_space<hbm>> -> memref<20480x128xf32, #tpu.memory_space<hbm>>
      tpu.wait_indirect_dma semaphore(%arg19 : memref<!tpu.dma_semaphore, #tpu.memory_space<semaphore_mem>>) src(%dma_wait3A_793 : memref<20480x128xf32, #tpu.memory_space<hbm>>) dst(%arg12 : memref<128x128xf32, #tpu.memory_space<vmem>>)
      %dma_start3A_794 = arith.constant 0 : i32
      %dma_start3A_795 = arith.constant 0 : i32
      %dma_start3A_796 = tpu.memref_slice %arg17[%dma_start3A_794, %dma_start3A_795] : memref<10240x128xf32, #tpu.memory_space<vmem_shared>> -> memref<10240x128xf32, #tpu.memory_space<vmem_shared>>
      tpu.enqueue_indirect_dma source(%arg12 : memref<128x128xf32, #tpu.memory_space<vmem>>) target(%dma_start3A_796 : memref<10240x128xf32, #tpu.memory_space<vmem_shared>>) offsets(%arg10 : memref<128xi32, #tpu.memory_space<vmem>>) semaphore(%arg21 : memref<!tpu.dma_semaphore, #tpu.memory_space<semaphore_mem>>) {add = true}
      %dma_wait3A_797 = arith.constant 0 : i32
      %dma_wait3A_798 = arith.constant 0 : i32
      %dma_wait3A_799 = tpu.memref_slice %arg17[%dma_wait3A_797, %dma_wait3A_798] : memref<10240x128xf32, #tpu.memory_space<vmem_shared>> -> memref<10240x128xf32, #tpu.memory_space<vmem_shared>>
      tpu.wait_indirect_dma semaphore(%arg20 : memref<!tpu.dma_semaphore, #tpu.memory_space<semaphore_mem>>) src(%arg11 : memref<128x128xf32, #tpu.memory_space<vmem>>) dst(%dma_wait3A_799 : memref<10240x128xf32, #tpu.memory_space<vmem_shared>>)
      %dma_wait3A_800 = arith.constant 0 : i32
      %dma_wait3A_801 = arith.constant 0 : i32
      %dma_wait3A_802 = tpu.memref_slice %arg17[%dma_wait3A_800, %dma_wait3A_801] : memref<10240x128xf32, #tpu.memory_space<vmem_shared>> -> memref<10240x128xf32, #tpu.memory_space<vmem_shared>>
      tpu.wait_indirect_dma semaphore(%arg21 : memref<!tpu.dma_semaphore, #tpu.memory_space<semaphore_mem>>) src(%arg12 : memref<128x128xf32, #tpu.memory_space<vmem>>) dst(%dma_wait3A_802 : memref<10240x128xf32, #tpu.memory_space<vmem_shared>>)
    }
    %scan3A_7 = arith.constant 20 : i32
    %barrier3A_8 = arith.constant 0 : index
    tpu.barrier barrier_id(%barrier3A_8)
    %mul3A_9 = arith.constant 640 : i32
    %mul3A_10 = arith.muli %arg1, %mul3A_9 : i32
    %mul3A_11 = arith.constant 10240 : i32
    %mul3A_12 = arith.muli %arg0, %mul3A_11 : i32
    %mul3A_13 = arith.constant 640 : i32
    %mul3A_14 = arith.muli %arg1, %mul3A_13 : i32
    %add3A = arith.addi %mul3A_12, %mul3A_14 : i32
    "tpu.region"() ({
      %run_scoped3A = tpu.sem_alloc : memref<!tpu.dma_semaphore, #tpu.memory_space<semaphore_mem>>
      %dma_start3A = arith.constant 0 : i32
      %dma_start3A_15 = tpu.memref_slice %arg6[%add3A, %dma_start3A] : memref<20480x128xf32, #tpu.memory_space<hbm>> -> memref<640x128xf32, #tpu.memory_space<hbm>>
      %dma_start3A_16 = arith.constant 0 : i32
      %dma_start3A_17 = tpu.memref_slice %arg17[%mul3A_10, %dma_start3A_16] : memref<10240x128xf32, #tpu.memory_space<vmem_shared>> -> memref<640x128xf32, #tpu.memory_space<vmem_shared>>
      tpu.enqueue_dma source(%dma_start3A_17 : memref<640x128xf32, #tpu.memory_space<vmem_shared>>) target(%dma_start3A_15 : memref<640x128xf32, #tpu.memory_space<hbm>>) target_semaphore(%run_scoped3A : memref<!tpu.dma_semaphore, #tpu.memory_space<semaphore_mem>>)
      %dma_wait3A = arith.constant 0 : i32
      %dma_wait3A_18 = tpu.memref_slice %arg6[%add3A, %dma_wait3A] : memref<20480x128xf32, #tpu.memory_space<hbm>> -> memref<640x128xf32, #tpu.memory_space<hbm>>
      %dma_wait3A_19 = arith.constant 0 : i32
      %dma_wait3A_20 = tpu.memref_slice %arg17[%mul3A_10, %dma_wait3A_19] : memref<10240x128xf32, #tpu.memory_space<vmem_shared>> -> memref<640x128xf32, #tpu.memory_space<vmem_shared>>
      tpu.wait_dma2 semaphore(%run_scoped3A : memref<!tpu.dma_semaphore, #tpu.memory_space<semaphore_mem>>) src(%dma_wait3A_20 : memref<640x128xf32, #tpu.memory_space<vmem_shared>>) dst(%dma_wait3A_18 : memref<640x128xf32, #tpu.memory_space<hbm>>)
      tpu.yield
    }) : () -> ()
    return
  }
}

#map = affine_map<(d0, d1) -> (0, 0)>
module attributes {stable_mosaic.version = 14 : i64} {
  func.func @_deg_kernel(%arg0: i32, %arg1: i32, %arg2: memref<1280x128xi32, #tpu.memory_space<hbm>>, %arg3: memref<640x128xf32, #tpu.memory_space<hbm>>, %arg4: memref<128x128xf32, #tpu.memory_space<hbm>>, %arg5: memref<20480x128xf32, #tpu.memory_space<hbm>>, %arg6: memref<128xi32, #tpu.memory_space<vmem>>, %arg7: memref<128xi32, #tpu.memory_space<vmem>>, %arg8: memref<2x128xi32, #tpu.memory_space<vmem>>, %arg9: memref<2x128xi32, #tpu.memory_space<vmem>>, %arg10: memref<128x128xf32, #tpu.memory_space<vmem>>, %arg11: memref<10240x128xf32, #tpu.memory_space<vmem_shared>>, %arg12: memref<!tpu.dma_semaphore, #tpu.memory_space<semaphore_mem>>, %arg13: memref<!tpu.dma_semaphore, #tpu.memory_space<semaphore_mem>>) attributes {dimension_semantics = [#tpu.dimension_semantics<core_parallel>, #tpu.dimension_semantics<subcore_parallel>], iteration_bounds = array<i64: 2, 16>, scalar_prefetch = 0 : i64, scratch_operands = 8 : i64, tpu.core_type = #tpu.core_type<sc_vector_subcore>, window_params = [{transform_indices = #map}, {transform_indices = #map}, {transform_indices = #map}, {transform_indices = #map}]} {
    "tpu.region"() ({
      %run_scoped3A = tpu.sem_alloc : memref<!tpu.dma_semaphore, #tpu.memory_space<semaphore_mem>>
      tpu.enqueue_dma source(%arg4 : memref<128x128xf32, #tpu.memory_space<hbm>>) target(%arg10 : memref<128x128xf32, #tpu.memory_space<vmem>>) target_semaphore(%run_scoped3A : memref<!tpu.dma_semaphore, #tpu.memory_space<semaphore_mem>>)
      tpu.wait_dma2 semaphore(%run_scoped3A : memref<!tpu.dma_semaphore, #tpu.memory_space<semaphore_mem>>) src(%arg4 : memref<128x128xf32, #tpu.memory_space<hbm>>) dst(%arg10 : memref<128x128xf32, #tpu.memory_space<vmem>>)
      tpu.yield
    }) : () -> ()
    %mul3A = arith.constant 640 : i32
    %mul3A_0 = arith.muli %arg1, %mul3A : i32
    "tpu.region"() ({
      %run_scoped3A = tpu.sem_alloc : memref<!tpu.dma_semaphore, #tpu.memory_space<semaphore_mem>>
      %dma_start3A = arith.constant 0 : i32
      %dma_start3A_18 = tpu.memref_slice %arg11[%mul3A_0, %dma_start3A] : memref<10240x128xf32, #tpu.memory_space<vmem_shared>> -> memref<640x128xf32, #tpu.memory_space<vmem_shared>>
      tpu.enqueue_dma source(%arg3 : memref<640x128xf32, #tpu.memory_space<hbm>>) target(%dma_start3A_18 : memref<640x128xf32, #tpu.memory_space<vmem_shared>>) target_semaphore(%run_scoped3A : memref<!tpu.dma_semaphore, #tpu.memory_space<semaphore_mem>>)
      %dma_wait3A = arith.constant 0 : i32
      %dma_wait3A_19 = tpu.memref_slice %arg11[%mul3A_0, %dma_wait3A] : memref<10240x128xf32, #tpu.memory_space<vmem_shared>> -> memref<640x128xf32, #tpu.memory_space<vmem_shared>>
      tpu.wait_dma2 semaphore(%run_scoped3A : memref<!tpu.dma_semaphore, #tpu.memory_space<semaphore_mem>>) src(%arg3 : memref<640x128xf32, #tpu.memory_space<hbm>>) dst(%dma_wait3A_19 : memref<640x128xf32, #tpu.memory_space<vmem_shared>>)
      tpu.yield
    }) : () -> ()
    %barrier3A = arith.constant 0 : index
    tpu.barrier barrier_id(%barrier3A)
    %mul3A_1 = arith.constant 640 : i32
    %mul3A_2 = arith.muli %arg0, %mul3A_1 : i32
    %mul3A_3 = arith.constant 40 : i32
    %mul3A_4 = arith.muli %arg1, %mul3A_3 : i32
    %add3A = arith.addi %mul3A_2, %mul3A_4 : i32
    %scan3A = arith.constant 0 : i32
    %scan3A_5 = arith.constant 0 : i32
    %scan3A_6 = arith.constant 10 : i32
    %scan3A_7 = arith.addi %scan3A_5, %scan3A_6 : i32
    %scan3A_8 = arith.constant 1 : i32
    scf.for %scan3A_18 = %scan3A_5 to %scan3A_7 step %scan3A_8  : i32 {
      %mul3A_19 = arith.constant 4 : i32
      %mul3A_20 = arith.muli %scan3A_18, %mul3A_19 : i32
      %add3A_21 = arith.addi %add3A, %mul3A_20 : i32
      "tpu.region"() ({
        %run_scoped3A = tpu.sem_alloc : memref<!tpu.dma_semaphore, #tpu.memory_space<semaphore_mem>>
        %dma_start3A_332 = arith.constant 0 : i32
        %dma_start3A_333 = tpu.memref_slice %arg2[%add3A_21, %dma_start3A_332] : memref<1280x128xi32, #tpu.memory_space<hbm>> -> memref<2x128xi32, #tpu.memory_space<hbm>>
        %dma_start3A_334 = arith.constant 0 : i32
        %dma_start3A_335 = tpu.memref_slice %arg2[%add3A_21, %dma_start3A_334] : memref<1280x128xi32, #tpu.memory_space<hbm>> -> memref<2x128xi32, #tpu.memory_space<hbm>>
        tpu.enqueue_dma source(%dma_start3A_335 : memref<2x128xi32, #tpu.memory_space<hbm>>) target(%arg8 : memref<2x128xi32, #tpu.memory_space<vmem>>) target_semaphore(%run_scoped3A : memref<!tpu.dma_semaphore, #tpu.memory_space<semaphore_mem>>)
        %dma_wait3A_336 = arith.constant 0 : i32
        %dma_wait3A_337 = tpu.memref_slice %arg2[%add3A_21, %dma_wait3A_336] : memref<1280x128xi32, #tpu.memory_space<hbm>> -> memref<2x128xi32, #tpu.memory_space<hbm>>
        %dma_wait3A_338 = arith.constant 0 : i32
        %dma_wait3A_339 = tpu.memref_slice %arg2[%add3A_21, %dma_wait3A_338] : memref<1280x128xi32, #tpu.memory_space<hbm>> -> memref<2x128xi32, #tpu.memory_space<hbm>>
        tpu.wait_dma2 semaphore(%run_scoped3A : memref<!tpu.dma_semaphore, #tpu.memory_space<semaphore_mem>>) src(%dma_wait3A_339 : memref<2x128xi32, #tpu.memory_space<hbm>>) dst(%arg8 : memref<2x128xi32, #tpu.memory_space<vmem>>)
        tpu.yield
      }) : () -> ()
      %get3A = arith.constant 0 : i32
      %get3A_22 = arith.index_cast %get3A : i32 to index
      %get3A_23 = arith.constant 0 : index
      %get3A_24 = tpu.vector_load %arg8[%get3A_22, %get3A_23] {strides = array<i32>} : memref<2x128xi32, #tpu.memory_space<vmem>>, vector<1x16xi32>,
      %get3A_25 = vector.shape_cast %get3A_24 : vector<1x16xi32> to vector<16xi32>
      %swap3A = arith.constant 0 : index
      %swap3A_26 = tpu.vector_load %arg6[%swap3A] {strides = array<i32>} : memref<128xi32, #tpu.memory_space<vmem>>, vector<16xi32>,
      %swap3A_27 = vector.shape_cast %swap3A_26 : vector<16xi32> to vector<16xi32>
      %swap3A_28 = vector.shape_cast %get3A_25 : vector<16xi32> to vector<16xi32>
      tpu.vector_store %arg6[%swap3A], %swap3A_28 {strides = array<i32>} : memref<128xi32, #tpu.memory_space<vmem>>, vector<16xi32>,
      %get3A_29 = arith.constant 0 : i32
      %get3A_30 = arith.index_cast %get3A_29 : i32 to index
      %get3A_31 = arith.constant 16 : index
      %get3A_32 = tpu.vector_load %arg8[%get3A_30, %get3A_31] {strides = array<i32>} : memref<2x128xi32, #tpu.memory_space<vmem>>, vector<1x16xi32>,
      %get3A_33 = vector.shape_cast %get3A_32 : vector<1x16xi32> to vector<16xi32>
      %swap3A_34 = arith.constant 16 : index
      %swap3A_35 = tpu.vector_load %arg6[%swap3A_34] {strides = array<i32>} : memref<128xi32, #tpu.memory_space<vmem>>, vector<16xi32>,
      %swap3A_36 = vector.shape_cast %swap3A_35 : vector<16xi32> to vector<16xi32>
      %swap3A_37 = vector.shape_cast %get3A_33 : vector<16xi32> to vector<16xi32>
      tpu.vector_store %arg6[%swap3A_34], %swap3A_37 {strides = array<i32>} : memref<128xi32, #tpu.memory_space<vmem>>, vector<16xi32>,
      %get3A_38 = arith.constant 0 : i32
      %get3A_39 = arith.index_cast %get3A_38 : i32 to index
      %get3A_40 = arith.constant 32 : index
      %get3A_41 = tpu.vector_load %arg8[%get3A_39, %get3A_40] {strides = array<i32>} : memref<2x128xi32, #tpu.memory_space<vmem>>, vector<1x16xi32>,
      %get3A_42 = vector.shape_cast %get3A_41 : vector<1x16xi32> to vector<16xi32>
      %swap3A_43 = arith.constant 32 : index
      %swap3A_44 = tpu.vector_load %arg6[%swap3A_43] {strides = array<i32>} : memref<128xi32, #tpu.memory_space<vmem>>, vector<16xi32>,
      %swap3A_45 = vector.shape_cast %swap3A_44 : vector<16xi32> to vector<16xi32>
      %swap3A_46 = vector.shape_cast %get3A_42 : vector<16xi32> to vector<16xi32>
      tpu.vector_store %arg6[%swap3A_43], %swap3A_46 {strides = array<i32>} : memref<128xi32, #tpu.memory_space<vmem>>, vector<16xi32>,
      %get3A_47 = arith.constant 0 : i32
      %get3A_48 = arith.index_cast %get3A_47 : i32 to index
      %get3A_49 = arith.constant 48 : index
      %get3A_50 = tpu.vector_load %arg8[%get3A_48, %get3A_49] {strides = array<i32>} : memref<2x128xi32, #tpu.memory_space<vmem>>, vector<1x16xi32>,
      %get3A_51 = vector.shape_cast %get3A_50 : vector<1x16xi32> to vector<16xi32>
      %swap3A_52 = arith.constant 48 : index
      %swap3A_53 = tpu.vector_load %arg6[%swap3A_52] {strides = array<i32>} : memref<128xi32, #tpu.memory_space<vmem>>, vector<16xi32>,
      %swap3A_54 = vector.shape_cast %swap3A_53 : vector<16xi32> to vector<16xi32>
      %swap3A_55 = vector.shape_cast %get3A_51 : vector<16xi32> to vector<16xi32>
      tpu.vector_store %arg6[%swap3A_52], %swap3A_55 {strides = array<i32>} : memref<128xi32, #tpu.memory_space<vmem>>, vector<16xi32>,
      %get3A_56 = arith.constant 0 : i32
      %get3A_57 = arith.index_cast %get3A_56 : i32 to index
      %get3A_58 = arith.constant 64 : index
      %get3A_59 = tpu.vector_load %arg8[%get3A_57, %get3A_58] {strides = array<i32>} : memref<2x128xi32, #tpu.memory_space<vmem>>, vector<1x16xi32>,
      %get3A_60 = vector.shape_cast %get3A_59 : vector<1x16xi32> to vector<16xi32>
      %swap3A_61 = arith.constant 64 : index
      %swap3A_62 = tpu.vector_load %arg6[%swap3A_61] {strides = array<i32>} : memref<128xi32, #tpu.memory_space<vmem>>, vector<16xi32>,
      %swap3A_63 = vector.shape_cast %swap3A_62 : vector<16xi32> to vector<16xi32>
      %swap3A_64 = vector.shape_cast %get3A_60 : vector<16xi32> to vector<16xi32>
      tpu.vector_store %arg6[%swap3A_61], %swap3A_64 {strides = array<i32>} : memref<128xi32, #tpu.memory_space<vmem>>, vector<16xi32>,
      %get3A_65 = arith.constant 0 : i32
      %get3A_66 = arith.index_cast %get3A_65 : i32 to index
      %get3A_67 = arith.constant 80 : index
      %get3A_68 = tpu.vector_load %arg8[%get3A_66, %get3A_67] {strides = array<i32>} : memref<2x128xi32, #tpu.memory_space<vmem>>, vector<1x16xi32>,
      %get3A_69 = vector.shape_cast %get3A_68 : vector<1x16xi32> to vector<16xi32>
      %swap3A_70 = arith.constant 80 : index
      %swap3A_71 = tpu.vector_load %arg6[%swap3A_70] {strides = array<i32>} : memref<128xi32, #tpu.memory_space<vmem>>, vector<16xi32>,
      %swap3A_72 = vector.shape_cast %swap3A_71 : vector<16xi32> to vector<16xi32>
      %swap3A_73 = vector.shape_cast %get3A_69 : vector<16xi32> to vector<16xi32>
      tpu.vector_store %arg6[%swap3A_70], %swap3A_73 {strides = array<i32>} : memref<128xi32, #tpu.memory_space<vmem>>, vector<16xi32>,
      %get3A_74 = arith.constant 0 : i32
      %get3A_75 = arith.index_cast %get3A_74 : i32 to index
      %get3A_76 = arith.constant 96 : index
      %get3A_77 = tpu.vector_load %arg8[%get3A_75, %get3A_76] {strides = array<i32>} : memref<2x128xi32, #tpu.memory_space<vmem>>, vector<1x16xi32>,
      %get3A_78 = vector.shape_cast %get3A_77 : vector<1x16xi32> to vector<16xi32>
      %swap3A_79 = arith.constant 96 : index
      %swap3A_80 = tpu.vector_load %arg6[%swap3A_79] {strides = array<i32>} : memref<128xi32, #tpu.memory_space<vmem>>, vector<16xi32>,
      %swap3A_81 = vector.shape_cast %swap3A_80 : vector<16xi32> to vector<16xi32>
      %swap3A_82 = vector.shape_cast %get3A_78 : vector<16xi32> to vector<16xi32>
      tpu.vector_store %arg6[%swap3A_79], %swap3A_82 {strides = array<i32>} : memref<128xi32, #tpu.memory_space<vmem>>, vector<16xi32>,
      %get3A_83 = arith.constant 0 : i32
      %get3A_84 = arith.index_cast %get3A_83 : i32 to index
      %get3A_85 = arith.constant 112 : index
      %get3A_86 = tpu.vector_load %arg8[%get3A_84, %get3A_85] {strides = array<i32>} : memref<2x128xi32, #tpu.memory_space<vmem>>, vector<1x16xi32>,
      %get3A_87 = vector.shape_cast %get3A_86 : vector<1x16xi32> to vector<16xi32>
      %swap3A_88 = arith.constant 112 : index
      %swap3A_89 = tpu.vector_load %arg6[%swap3A_88] {strides = array<i32>} : memref<128xi32, #tpu.memory_space<vmem>>, vector<16xi32>,
      %swap3A_90 = vector.shape_cast %swap3A_89 : vector<16xi32> to vector<16xi32>
      %swap3A_91 = vector.shape_cast %get3A_87 : vector<16xi32> to vector<16xi32>
      tpu.vector_store %arg6[%swap3A_88], %swap3A_91 {strides = array<i32>} : memref<128xi32, #tpu.memory_space<vmem>>, vector<16xi32>,
      %dma_start3A = arith.constant 0 : i32
      %dma_start3A_92 = arith.constant 0 : i32
      %dma_start3A_93 = tpu.memref_slice %arg11[%dma_start3A, %dma_start3A_92] : memref<10240x128xf32, #tpu.memory_space<vmem_shared>> -> memref<10240x128xf32, #tpu.memory_space<vmem_shared>>
      tpu.enqueue_indirect_dma source(%arg10 : memref<128x128xf32, #tpu.memory_space<vmem>>) target(%dma_start3A_93 : memref<10240x128xf32, #tpu.memory_space<vmem_shared>>) offsets(%arg6 : memref<128xi32, #tpu.memory_space<vmem>>) semaphore(%arg12 : memref<!tpu.dma_semaphore, #tpu.memory_space<semaphore_mem>>) {add = true}
      %get3A_94 = arith.constant 1 : i32
      %get3A_95 = arith.index_cast %get3A_94 : i32 to index
      %get3A_96 = arith.constant 0 : index
      %get3A_97 = tpu.vector_load %arg8[%get3A_95, %get3A_96] {strides = array<i32>} : memref<2x128xi32, #tpu.memory_space<vmem>>, vector<1x16xi32>,
      %get3A_98 = vector.shape_cast %get3A_97 : vector<1x16xi32> to vector<16xi32>
      %swap3A_99 = arith.constant 0 : index
      %swap3A_100 = tpu.vector_load %arg7[%swap3A_99] {strides = array<i32>} : memref<128xi32, #tpu.memory_space<vmem>>, vector<16xi32>,
      %swap3A_101 = vector.shape_cast %swap3A_100 : vector<16xi32> to vector<16xi32>
      %swap3A_102 = vector.shape_cast %get3A_98 : vector<16xi32> to vector<16xi32>
      tpu.vector_store %arg7[%swap3A_99], %swap3A_102 {strides = array<i32>} : memref<128xi32, #tpu.memory_space<vmem>>, vector<16xi32>,
      %get3A_103 = arith.constant 1 : i32
      %get3A_104 = arith.index_cast %get3A_103 : i32 to index
      %get3A_105 = arith.constant 16 : index
      %get3A_106 = tpu.vector_load %arg8[%get3A_104, %get3A_105] {strides = array<i32>} : memref<2x128xi32, #tpu.memory_space<vmem>>, vector<1x16xi32>,
      %get3A_107 = vector.shape_cast %get3A_106 : vector<1x16xi32> to vector<16xi32>
      %swap3A_108 = arith.constant 16 : index
      %swap3A_109 = tpu.vector_load %arg7[%swap3A_108] {strides = array<i32>} : memref<128xi32, #tpu.memory_space<vmem>>, vector<16xi32>,
      %swap3A_110 = vector.shape_cast %swap3A_109 : vector<16xi32> to vector<16xi32>
      %swap3A_111 = vector.shape_cast %get3A_107 : vector<16xi32> to vector<16xi32>
      tpu.vector_store %arg7[%swap3A_108], %swap3A_111 {strides = array<i32>} : memref<128xi32, #tpu.memory_space<vmem>>, vector<16xi32>,
      %get3A_112 = arith.constant 1 : i32
      %get3A_113 = arith.index_cast %get3A_112 : i32 to index
      %get3A_114 = arith.constant 32 : index
      %get3A_115 = tpu.vector_load %arg8[%get3A_113, %get3A_114] {strides = array<i32>} : memref<2x128xi32, #tpu.memory_space<vmem>>, vector<1x16xi32>,
      %get3A_116 = vector.shape_cast %get3A_115 : vector<1x16xi32> to vector<16xi32>
      %swap3A_117 = arith.constant 32 : index
      %swap3A_118 = tpu.vector_load %arg7[%swap3A_117] {strides = array<i32>} : memref<128xi32, #tpu.memory_space<vmem>>, vector<16xi32>,
      %swap3A_119 = vector.shape_cast %swap3A_118 : vector<16xi32> to vector<16xi32>
      %swap3A_120 = vector.shape_cast %get3A_116 : vector<16xi32> to vector<16xi32>
      tpu.vector_store %arg7[%swap3A_117], %swap3A_120 {strides = array<i32>} : memref<128xi32, #tpu.memory_space<vmem>>, vector<16xi32>,
      %get3A_121 = arith.constant 1 : i32
      %get3A_122 = arith.index_cast %get3A_121 : i32 to index
      %get3A_123 = arith.constant 48 : index
      %get3A_124 = tpu.vector_load %arg8[%get3A_122, %get3A_123] {strides = array<i32>} : memref<2x128xi32, #tpu.memory_space<vmem>>, vector<1x16xi32>,
      %get3A_125 = vector.shape_cast %get3A_124 : vector<1x16xi32> to vector<16xi32>
      %swap3A_126 = arith.constant 48 : index
      %swap3A_127 = tpu.vector_load %arg7[%swap3A_126] {strides = array<i32>} : memref<128xi32, #tpu.memory_space<vmem>>, vector<16xi32>,
      %swap3A_128 = vector.shape_cast %swap3A_127 : vector<16xi32> to vector<16xi32>
      %swap3A_129 = vector.shape_cast %get3A_125 : vector<16xi32> to vector<16xi32>
      tpu.vector_store %arg7[%swap3A_126], %swap3A_129 {strides = array<i32>} : memref<128xi32, #tpu.memory_space<vmem>>, vector<16xi32>,
      %get3A_130 = arith.constant 1 : i32
      %get3A_131 = arith.index_cast %get3A_130 : i32 to index
      %get3A_132 = arith.constant 64 : index
      %get3A_133 = tpu.vector_load %arg8[%get3A_131, %get3A_132] {strides = array<i32>} : memref<2x128xi32, #tpu.memory_space<vmem>>, vector<1x16xi32>,
      %get3A_134 = vector.shape_cast %get3A_133 : vector<1x16xi32> to vector<16xi32>
      %swap3A_135 = arith.constant 64 : index
      %swap3A_136 = tpu.vector_load %arg7[%swap3A_135] {strides = array<i32>} : memref<128xi32, #tpu.memory_space<vmem>>, vector<16xi32>,
      %swap3A_137 = vector.shape_cast %swap3A_136 : vector<16xi32> to vector<16xi32>
      %swap3A_138 = vector.shape_cast %get3A_134 : vector<16xi32> to vector<16xi32>
      tpu.vector_store %arg7[%swap3A_135], %swap3A_138 {strides = array<i32>} : memref<128xi32, #tpu.memory_space<vmem>>, vector<16xi32>,
      %get3A_139 = arith.constant 1 : i32
      %get3A_140 = arith.index_cast %get3A_139 : i32 to index
      %get3A_141 = arith.constant 80 : index
      %get3A_142 = tpu.vector_load %arg8[%get3A_140, %get3A_141] {strides = array<i32>} : memref<2x128xi32, #tpu.memory_space<vmem>>, vector<1x16xi32>,
      %get3A_143 = vector.shape_cast %get3A_142 : vector<1x16xi32> to vector<16xi32>
      %swap3A_144 = arith.constant 80 : index
      %swap3A_145 = tpu.vector_load %arg7[%swap3A_144] {strides = array<i32>} : memref<128xi32, #tpu.memory_space<vmem>>, vector<16xi32>,
      %swap3A_146 = vector.shape_cast %swap3A_145 : vector<16xi32> to vector<16xi32>
      %swap3A_147 = vector.shape_cast %get3A_143 : vector<16xi32> to vector<16xi32>
      tpu.vector_store %arg7[%swap3A_144], %swap3A_147 {strides = array<i32>} : memref<128xi32, #tpu.memory_space<vmem>>, vector<16xi32>,
      %get3A_148 = arith.constant 1 : i32
      %get3A_149 = arith.index_cast %get3A_148 : i32 to index
      %get3A_150 = arith.constant 96 : index
      %get3A_151 = tpu.vector_load %arg8[%get3A_149, %get3A_150] {strides = array<i32>} : memref<2x128xi32, #tpu.memory_space<vmem>>, vector<1x16xi32>,
      %get3A_152 = vector.shape_cast %get3A_151 : vector<1x16xi32> to vector<16xi32>
      %swap3A_153 = arith.constant 96 : index
      %swap3A_154 = tpu.vector_load %arg7[%swap3A_153] {strides = array<i32>} : memref<128xi32, #tpu.memory_space<vmem>>, vector<16xi32>,
      %swap3A_155 = vector.shape_cast %swap3A_154 : vector<16xi32> to vector<16xi32>
      %swap3A_156 = vector.shape_cast %get3A_152 : vector<16xi32> to vector<16xi32>
      tpu.vector_store %arg7[%swap3A_153], %swap3A_156 {strides = array<i32>} : memref<128xi32, #tpu.memory_space<vmem>>, vector<16xi32>,
      %get3A_157 = arith.constant 1 : i32
      %get3A_158 = arith.index_cast %get3A_157 : i32 to index
      %get3A_159 = arith.constant 112 : index
      %get3A_160 = tpu.vector_load %arg8[%get3A_158, %get3A_159] {strides = array<i32>} : memref<2x128xi32, #tpu.memory_space<vmem>>, vector<1x16xi32>,
      %get3A_161 = vector.shape_cast %get3A_160 : vector<1x16xi32> to vector<16xi32>
      %swap3A_162 = arith.constant 112 : index
      %swap3A_163 = tpu.vector_load %arg7[%swap3A_162] {strides = array<i32>} : memref<128xi32, #tpu.memory_space<vmem>>, vector<16xi32>,
      %swap3A_164 = vector.shape_cast %swap3A_163 : vector<16xi32> to vector<16xi32>
      %swap3A_165 = vector.shape_cast %get3A_161 : vector<16xi32> to vector<16xi32>
      tpu.vector_store %arg7[%swap3A_162], %swap3A_165 {strides = array<i32>} : memref<128xi32, #tpu.memory_space<vmem>>, vector<16xi32>,
      %dma_start3A_166 = arith.constant 0 : i32
      %dma_start3A_167 = arith.constant 0 : i32
      %dma_start3A_168 = tpu.memref_slice %arg11[%dma_start3A_166, %dma_start3A_167] : memref<10240x128xf32, #tpu.memory_space<vmem_shared>> -> memref<10240x128xf32, #tpu.memory_space<vmem_shared>>
      tpu.enqueue_indirect_dma source(%arg10 : memref<128x128xf32, #tpu.memory_space<vmem>>) target(%dma_start3A_168 : memref<10240x128xf32, #tpu.memory_space<vmem_shared>>) offsets(%arg7 : memref<128xi32, #tpu.memory_space<vmem>>) semaphore(%arg13 : memref<!tpu.dma_semaphore, #tpu.memory_space<semaphore_mem>>) {add = true}
      %add3A_169 = arith.constant 2 : i32
      %add3A_170 = arith.addi %add3A_21, %add3A_169 : i32
      "tpu.region"() ({
        %run_scoped3A = tpu.sem_alloc : memref<!tpu.dma_semaphore, #tpu.memory_space<semaphore_mem>>
        %dma_start3A_332 = arith.constant 0 : i32
        %dma_start3A_333 = tpu.memref_slice %arg2[%add3A_170, %dma_start3A_332] : memref<1280x128xi32, #tpu.memory_space<hbm>> -> memref<2x128xi32, #tpu.memory_space<hbm>>
        %dma_start3A_334 = arith.constant 0 : i32
        %dma_start3A_335 = tpu.memref_slice %arg2[%add3A_170, %dma_start3A_334] : memref<1280x128xi32, #tpu.memory_space<hbm>> -> memref<2x128xi32, #tpu.memory_space<hbm>>
        tpu.enqueue_dma source(%dma_start3A_335 : memref<2x128xi32, #tpu.memory_space<hbm>>) target(%arg9 : memref<2x128xi32, #tpu.memory_space<vmem>>) target_semaphore(%run_scoped3A : memref<!tpu.dma_semaphore, #tpu.memory_space<semaphore_mem>>)
        %dma_wait3A_336 = arith.constant 0 : i32
        %dma_wait3A_337 = tpu.memref_slice %arg2[%add3A_170, %dma_wait3A_336] : memref<1280x128xi32, #tpu.memory_space<hbm>> -> memref<2x128xi32, #tpu.memory_space<hbm>>
        %dma_wait3A_338 = arith.constant 0 : i32
        %dma_wait3A_339 = tpu.memref_slice %arg2[%add3A_170, %dma_wait3A_338] : memref<1280x128xi32, #tpu.memory_space<hbm>> -> memref<2x128xi32, #tpu.memory_space<hbm>>
        tpu.wait_dma2 semaphore(%run_scoped3A : memref<!tpu.dma_semaphore, #tpu.memory_space<semaphore_mem>>) src(%dma_wait3A_339 : memref<2x128xi32, #tpu.memory_space<hbm>>) dst(%arg9 : memref<2x128xi32, #tpu.memory_space<vmem>>)
        tpu.yield
      }) : () -> ()
      %dma_wait3A = arith.constant 0 : i32
      %dma_wait3A_171 = arith.constant 0 : i32
      %dma_wait3A_172 = tpu.memref_slice %arg11[%dma_wait3A, %dma_wait3A_171] : memref<10240x128xf32, #tpu.memory_space<vmem_shared>> -> memref<10240x128xf32, #tpu.memory_space<vmem_shared>>
      tpu.wait_indirect_dma semaphore(%arg12 : memref<!tpu.dma_semaphore, #tpu.memory_space<semaphore_mem>>) src(%arg10 : memref<128x128xf32, #tpu.memory_space<vmem>>) dst(%dma_wait3A_172 : memref<10240x128xf32, #tpu.memory_space<vmem_shared>>)
      %get3A_173 = arith.constant 0 : i32
      %get3A_174 = arith.index_cast %get3A_173 : i32 to index
      %get3A_175 = arith.constant 0 : index
      %get3A_176 = tpu.vector_load %arg9[%get3A_174, %get3A_175] {strides = array<i32>} : memref<2x128xi32, #tpu.memory_space<vmem>>, vector<1x16xi32>,
      %get3A_177 = vector.shape_cast %get3A_176 : vector<1x16xi32> to vector<16xi32>
      %swap3A_178 = arith.constant 0 : index
      %swap3A_179 = tpu.vector_load %arg6[%swap3A_178] {strides = array<i32>} : memref<128xi32, #tpu.memory_space<vmem>>, vector<16xi32>,
      %swap3A_180 = vector.shape_cast %swap3A_179 : vector<16xi32> to vector<16xi32>
      %swap3A_181 = vector.shape_cast %get3A_177 : vector<16xi32> to vector<16xi32>
      tpu.vector_store %arg6[%swap3A_178], %swap3A_181 {strides = array<i32>} : memref<128xi32, #tpu.memory_space<vmem>>, vector<16xi32>,
      %get3A_182 = arith.constant 0 : i32
      %get3A_183 = arith.index_cast %get3A_182 : i32 to index
      %get3A_184 = arith.constant 16 : index
      %get3A_185 = tpu.vector_load %arg9[%get3A_183, %get3A_184] {strides = array<i32>} : memref<2x128xi32, #tpu.memory_space<vmem>>, vector<1x16xi32>,
      %get3A_186 = vector.shape_cast %get3A_185 : vector<1x16xi32> to vector<16xi32>
      %swap3A_187 = arith.constant 16 : index
      %swap3A_188 = tpu.vector_load %arg6[%swap3A_187] {strides = array<i32>} : memref<128xi32, #tpu.memory_space<vmem>>, vector<16xi32>,
      %swap3A_189 = vector.shape_cast %swap3A_188 : vector<16xi32> to vector<16xi32>
      %swap3A_190 = vector.shape_cast %get3A_186 : vector<16xi32> to vector<16xi32>
      tpu.vector_store %arg6[%swap3A_187], %swap3A_190 {strides = array<i32>} : memref<128xi32, #tpu.memory_space<vmem>>, vector<16xi32>,
      %get3A_191 = arith.constant 0 : i32
      %get3A_192 = arith.index_cast %get3A_191 : i32 to index
      %get3A_193 = arith.constant 32 : index
      %get3A_194 = tpu.vector_load %arg9[%get3A_192, %get3A_193] {strides = array<i32>} : memref<2x128xi32, #tpu.memory_space<vmem>>, vector<1x16xi32>,
      %get3A_195 = vector.shape_cast %get3A_194 : vector<1x16xi32> to vector<16xi32>
      %swap3A_196 = arith.constant 32 : index
      %swap3A_197 = tpu.vector_load %arg6[%swap3A_196] {strides = array<i32>} : memref<128xi32, #tpu.memory_space<vmem>>, vector<16xi32>,
      %swap3A_198 = vector.shape_cast %swap3A_197 : vector<16xi32> to vector<16xi32>
      %swap3A_199 = vector.shape_cast %get3A_195 : vector<16xi32> to vector<16xi32>
      tpu.vector_store %arg6[%swap3A_196], %swap3A_199 {strides = array<i32>} : memref<128xi32, #tpu.memory_space<vmem>>, vector<16xi32>,
      %get3A_200 = arith.constant 0 : i32
      %get3A_201 = arith.index_cast %get3A_200 : i32 to index
      %get3A_202 = arith.constant 48 : index
      %get3A_203 = tpu.vector_load %arg9[%get3A_201, %get3A_202] {strides = array<i32>} : memref<2x128xi32, #tpu.memory_space<vmem>>, vector<1x16xi32>,
      %get3A_204 = vector.shape_cast %get3A_203 : vector<1x16xi32> to vector<16xi32>
      %swap3A_205 = arith.constant 48 : index
      %swap3A_206 = tpu.vector_load %arg6[%swap3A_205] {strides = array<i32>} : memref<128xi32, #tpu.memory_space<vmem>>, vector<16xi32>,
      %swap3A_207 = vector.shape_cast %swap3A_206 : vector<16xi32> to vector<16xi32>
      %swap3A_208 = vector.shape_cast %get3A_204 : vector<16xi32> to vector<16xi32>
      tpu.vector_store %arg6[%swap3A_205], %swap3A_208 {strides = array<i32>} : memref<128xi32, #tpu.memory_space<vmem>>, vector<16xi32>,
      %get3A_209 = arith.constant 0 : i32
      %get3A_210 = arith.index_cast %get3A_209 : i32 to index
      %get3A_211 = arith.constant 64 : index
      %get3A_212 = tpu.vector_load %arg9[%get3A_210, %get3A_211] {strides = array<i32>} : memref<2x128xi32, #tpu.memory_space<vmem>>, vector<1x16xi32>,
      %get3A_213 = vector.shape_cast %get3A_212 : vector<1x16xi32> to vector<16xi32>
      %swap3A_214 = arith.constant 64 : index
      %swap3A_215 = tpu.vector_load %arg6[%swap3A_214] {strides = array<i32>} : memref<128xi32, #tpu.memory_space<vmem>>, vector<16xi32>,
      %swap3A_216 = vector.shape_cast %swap3A_215 : vector<16xi32> to vector<16xi32>
      %swap3A_217 = vector.shape_cast %get3A_213 : vector<16xi32> to vector<16xi32>
      tpu.vector_store %arg6[%swap3A_214], %swap3A_217 {strides = array<i32>} : memref<128xi32, #tpu.memory_space<vmem>>, vector<16xi32>,
      %get3A_218 = arith.constant 0 : i32
      %get3A_219 = arith.index_cast %get3A_218 : i32 to index
      %get3A_220 = arith.constant 80 : index
      %get3A_221 = tpu.vector_load %arg9[%get3A_219, %get3A_220] {strides = array<i32>} : memref<2x128xi32, #tpu.memory_space<vmem>>, vector<1x16xi32>,
      %get3A_222 = vector.shape_cast %get3A_221 : vector<1x16xi32> to vector<16xi32>
      %swap3A_223 = arith.constant 80 : index
      %swap3A_224 = tpu.vector_load %arg6[%swap3A_223] {strides = array<i32>} : memref<128xi32, #tpu.memory_space<vmem>>, vector<16xi32>,
      %swap3A_225 = vector.shape_cast %swap3A_224 : vector<16xi32> to vector<16xi32>
      %swap3A_226 = vector.shape_cast %get3A_222 : vector<16xi32> to vector<16xi32>
      tpu.vector_store %arg6[%swap3A_223], %swap3A_226 {strides = array<i32>} : memref<128xi32, #tpu.memory_space<vmem>>, vector<16xi32>,
      %get3A_227 = arith.constant 0 : i32
      %get3A_228 = arith.index_cast %get3A_227 : i32 to index
      %get3A_229 = arith.constant 96 : index
      %get3A_230 = tpu.vector_load %arg9[%get3A_228, %get3A_229] {strides = array<i32>} : memref<2x128xi32, #tpu.memory_space<vmem>>, vector<1x16xi32>,
      %get3A_231 = vector.shape_cast %get3A_230 : vector<1x16xi32> to vector<16xi32>
      %swap3A_232 = arith.constant 96 : index
      %swap3A_233 = tpu.vector_load %arg6[%swap3A_232] {strides = array<i32>} : memref<128xi32, #tpu.memory_space<vmem>>, vector<16xi32>,
      %swap3A_234 = vector.shape_cast %swap3A_233 : vector<16xi32> to vector<16xi32>
      %swap3A_235 = vector.shape_cast %get3A_231 : vector<16xi32> to vector<16xi32>
      tpu.vector_store %arg6[%swap3A_232], %swap3A_235 {strides = array<i32>} : memref<128xi32, #tpu.memory_space<vmem>>, vector<16xi32>,
      %get3A_236 = arith.constant 0 : i32
      %get3A_237 = arith.index_cast %get3A_236 : i32 to index
      %get3A_238 = arith.constant 112 : index
      %get3A_239 = tpu.vector_load %arg9[%get3A_237, %get3A_238] {strides = array<i32>} : memref<2x128xi32, #tpu.memory_space<vmem>>, vector<1x16xi32>,
      %get3A_240 = vector.shape_cast %get3A_239 : vector<1x16xi32> to vector<16xi32>
      %swap3A_241 = arith.constant 112 : index
      %swap3A_242 = tpu.vector_load %arg6[%swap3A_241] {strides = array<i32>} : memref<128xi32, #tpu.memory_space<vmem>>, vector<16xi32>,
      %swap3A_243 = vector.shape_cast %swap3A_242 : vector<16xi32> to vector<16xi32>
      %swap3A_244 = vector.shape_cast %get3A_240 : vector<16xi32> to vector<16xi32>
      tpu.vector_store %arg6[%swap3A_241], %swap3A_244 {strides = array<i32>} : memref<128xi32, #tpu.memory_space<vmem>>, vector<16xi32>,
      %dma_start3A_245 = arith.constant 0 : i32
      %dma_start3A_246 = arith.constant 0 : i32
      %dma_start3A_247 = tpu.memref_slice %arg11[%dma_start3A_245, %dma_start3A_246] : memref<10240x128xf32, #tpu.memory_space<vmem_shared>> -> memref<10240x128xf32, #tpu.memory_space<vmem_shared>>
      tpu.enqueue_indirect_dma source(%arg10 : memref<128x128xf32, #tpu.memory_space<vmem>>) target(%dma_start3A_247 : memref<10240x128xf32, #tpu.memory_space<vmem_shared>>) offsets(%arg6 : memref<128xi32, #tpu.memory_space<vmem>>) semaphore(%arg12 : memref<!tpu.dma_semaphore, #tpu.memory_space<semaphore_mem>>) {add = true}
      %dma_wait3A_248 = arith.constant 0 : i32
      %dma_wait3A_249 = arith.constant 0 : i32
      %dma_wait3A_250 = tpu.memref_slice %arg11[%dma_wait3A_248, %dma_wait3A_249] : memref<10240x128xf32, #tpu.memory_space<vmem_shared>> -> memref<10240x128xf32, #tpu.memory_space<vmem_shared>>
      tpu.wait_indirect_dma semaphore(%arg13 : memref<!tpu.dma_semaphore, #tpu.memory_space<semaphore_mem>>) src(%arg10 : memref<128x128xf32, #tpu.memory_space<vmem>>) dst(%dma_wait3A_250 : memref<10240x128xf32, #tpu.memory_space<vmem_shared>>)
      %get3A_251 = arith.constant 1 : i32
      %get3A_252 = arith.index_cast %get3A_251 : i32 to index
      %get3A_253 = arith.constant 0 : index
      %get3A_254 = tpu.vector_load %arg9[%get3A_252, %get3A_253] {strides = array<i32>} : memref<2x128xi32, #tpu.memory_space<vmem>>, vector<1x16xi32>,
      %get3A_255 = vector.shape_cast %get3A_254 : vector<1x16xi32> to vector<16xi32>
      %swap3A_256 = arith.constant 0 : index
      %swap3A_257 = tpu.vector_load %arg7[%swap3A_256] {strides = array<i32>} : memref<128xi32, #tpu.memory_space<vmem>>, vector<16xi32>,
      %swap3A_258 = vector.shape_cast %swap3A_257 : vector<16xi32> to vector<16xi32>
      %swap3A_259 = vector.shape_cast %get3A_255 : vector<16xi32> to vector<16xi32>
      tpu.vector_store %arg7[%swap3A_256], %swap3A_259 {strides = array<i32>} : memref<128xi32, #tpu.memory_space<vmem>>, vector<16xi32>,
      %get3A_260 = arith.constant 1 : i32
      %get3A_261 = arith.index_cast %get3A_260 : i32 to index
      %get3A_262 = arith.constant 16 : index
      %get3A_263 = tpu.vector_load %arg9[%get3A_261, %get3A_262] {strides = array<i32>} : memref<2x128xi32, #tpu.memory_space<vmem>>, vector<1x16xi32>,
      %get3A_264 = vector.shape_cast %get3A_263 : vector<1x16xi32> to vector<16xi32>
      %swap3A_265 = arith.constant 16 : index
      %swap3A_266 = tpu.vector_load %arg7[%swap3A_265] {strides = array<i32>} : memref<128xi32, #tpu.memory_space<vmem>>, vector<16xi32>,
      %swap3A_267 = vector.shape_cast %swap3A_266 : vector<16xi32> to vector<16xi32>
      %swap3A_268 = vector.shape_cast %get3A_264 : vector<16xi32> to vector<16xi32>
      tpu.vector_store %arg7[%swap3A_265], %swap3A_268 {strides = array<i32>} : memref<128xi32, #tpu.memory_space<vmem>>, vector<16xi32>,
      %get3A_269 = arith.constant 1 : i32
      %get3A_270 = arith.index_cast %get3A_269 : i32 to index
      %get3A_271 = arith.constant 32 : index
      %get3A_272 = tpu.vector_load %arg9[%get3A_270, %get3A_271] {strides = array<i32>} : memref<2x128xi32, #tpu.memory_space<vmem>>, vector<1x16xi32>,
      %get3A_273 = vector.shape_cast %get3A_272 : vector<1x16xi32> to vector<16xi32>
      %swap3A_274 = arith.constant 32 : index
      %swap3A_275 = tpu.vector_load %arg7[%swap3A_274] {strides = array<i32>} : memref<128xi32, #tpu.memory_space<vmem>>, vector<16xi32>,
      %swap3A_276 = vector.shape_cast %swap3A_275 : vector<16xi32> to vector<16xi32>
      %swap3A_277 = vector.shape_cast %get3A_273 : vector<16xi32> to vector<16xi32>
      tpu.vector_store %arg7[%swap3A_274], %swap3A_277 {strides = array<i32>} : memref<128xi32, #tpu.memory_space<vmem>>, vector<16xi32>,
      %get3A_278 = arith.constant 1 : i32
      %get3A_279 = arith.index_cast %get3A_278 : i32 to index
      %get3A_280 = arith.constant 48 : index
      %get3A_281 = tpu.vector_load %arg9[%get3A_279, %get3A_280] {strides = array<i32>} : memref<2x128xi32, #tpu.memory_space<vmem>>, vector<1x16xi32>,
      %get3A_282 = vector.shape_cast %get3A_281 : vector<1x16xi32> to vector<16xi32>
      %swap3A_283 = arith.constant 48 : index
      %swap3A_284 = tpu.vector_load %arg7[%swap3A_283] {strides = array<i32>} : memref<128xi32, #tpu.memory_space<vmem>>, vector<16xi32>,
      %swap3A_285 = vector.shape_cast %swap3A_284 : vector<16xi32> to vector<16xi32>
      %swap3A_286 = vector.shape_cast %get3A_282 : vector<16xi32> to vector<16xi32>
      tpu.vector_store %arg7[%swap3A_283], %swap3A_286 {strides = array<i32>} : memref<128xi32, #tpu.memory_space<vmem>>, vector<16xi32>,
      %get3A_287 = arith.constant 1 : i32
      %get3A_288 = arith.index_cast %get3A_287 : i32 to index
      %get3A_289 = arith.constant 64 : index
      %get3A_290 = tpu.vector_load %arg9[%get3A_288, %get3A_289] {strides = array<i32>} : memref<2x128xi32, #tpu.memory_space<vmem>>, vector<1x16xi32>,
      %get3A_291 = vector.shape_cast %get3A_290 : vector<1x16xi32> to vector<16xi32>
      %swap3A_292 = arith.constant 64 : index
      %swap3A_293 = tpu.vector_load %arg7[%swap3A_292] {strides = array<i32>} : memref<128xi32, #tpu.memory_space<vmem>>, vector<16xi32>,
      %swap3A_294 = vector.shape_cast %swap3A_293 : vector<16xi32> to vector<16xi32>
      %swap3A_295 = vector.shape_cast %get3A_291 : vector<16xi32> to vector<16xi32>
      tpu.vector_store %arg7[%swap3A_292], %swap3A_295 {strides = array<i32>} : memref<128xi32, #tpu.memory_space<vmem>>, vector<16xi32>,
      %get3A_296 = arith.constant 1 : i32
      %get3A_297 = arith.index_cast %get3A_296 : i32 to index
      %get3A_298 = arith.constant 80 : index
      %get3A_299 = tpu.vector_load %arg9[%get3A_297, %get3A_298] {strides = array<i32>} : memref<2x128xi32, #tpu.memory_space<vmem>>, vector<1x16xi32>,
      %get3A_300 = vector.shape_cast %get3A_299 : vector<1x16xi32> to vector<16xi32>
      %swap3A_301 = arith.constant 80 : index
      %swap3A_302 = tpu.vector_load %arg7[%swap3A_301] {strides = array<i32>} : memref<128xi32, #tpu.memory_space<vmem>>, vector<16xi32>,
      %swap3A_303 = vector.shape_cast %swap3A_302 : vector<16xi32> to vector<16xi32>
      %swap3A_304 = vector.shape_cast %get3A_300 : vector<16xi32> to vector<16xi32>
      tpu.vector_store %arg7[%swap3A_301], %swap3A_304 {strides = array<i32>} : memref<128xi32, #tpu.memory_space<vmem>>, vector<16xi32>,
      %get3A_305 = arith.constant 1 : i32
      %get3A_306 = arith.index_cast %get3A_305 : i32 to index
      %get3A_307 = arith.constant 96 : index
      %get3A_308 = tpu.vector_load %arg9[%get3A_306, %get3A_307] {strides = array<i32>} : memref<2x128xi32, #tpu.memory_space<vmem>>, vector<1x16xi32>,
      %get3A_309 = vector.shape_cast %get3A_308 : vector<1x16xi32> to vector<16xi32>
      %swap3A_310 = arith.constant 96 : index
      %swap3A_311 = tpu.vector_load %arg7[%swap3A_310] {strides = array<i32>} : memref<128xi32, #tpu.memory_space<vmem>>, vector<16xi32>,
      %swap3A_312 = vector.shape_cast %swap3A_311 : vector<16xi32> to vector<16xi32>
      %swap3A_313 = vector.shape_cast %get3A_309 : vector<16xi32> to vector<16xi32>
      tpu.vector_store %arg7[%swap3A_310], %swap3A_313 {strides = array<i32>} : memref<128xi32, #tpu.memory_space<vmem>>, vector<16xi32>,
      %get3A_314 = arith.constant 1 : i32
      %get3A_315 = arith.index_cast %get3A_314 : i32 to index
      %get3A_316 = arith.constant 112 : index
      %get3A_317 = tpu.vector_load %arg9[%get3A_315, %get3A_316] {strides = array<i32>} : memref<2x128xi32, #tpu.memory_space<vmem>>, vector<1x16xi32>,
      %get3A_318 = vector.shape_cast %get3A_317 : vector<1x16xi32> to vector<16xi32>
      %swap3A_319 = arith.constant 112 : index
      %swap3A_320 = tpu.vector_load %arg7[%swap3A_319] {strides = array<i32>} : memref<128xi32, #tpu.memory_space<vmem>>, vector<16xi32>,
      %swap3A_321 = vector.shape_cast %swap3A_320 : vector<16xi32> to vector<16xi32>
      %swap3A_322 = vector.shape_cast %get3A_318 : vector<16xi32> to vector<16xi32>
      tpu.vector_store %arg7[%swap3A_319], %swap3A_322 {strides = array<i32>} : memref<128xi32, #tpu.memory_space<vmem>>, vector<16xi32>,
      %dma_start3A_323 = arith.constant 0 : i32
      %dma_start3A_324 = arith.constant 0 : i32
      %dma_start3A_325 = tpu.memref_slice %arg11[%dma_start3A_323, %dma_start3A_324] : memref<10240x128xf32, #tpu.memory_space<vmem_shared>> -> memref<10240x128xf32, #tpu.memory_space<vmem_shared>>
      tpu.enqueue_indirect_dma source(%arg10 : memref<128x128xf32, #tpu.memory_space<vmem>>) target(%dma_start3A_325 : memref<10240x128xf32, #tpu.memory_space<vmem_shared>>) offsets(%arg7 : memref<128xi32, #tpu.memory_space<vmem>>) semaphore(%arg13 : memref<!tpu.dma_semaphore, #tpu.memory_space<semaphore_mem>>) {add = true}
      %dma_wait3A_326 = arith.constant 0 : i32
      %dma_wait3A_327 = arith.constant 0 : i32
      %dma_wait3A_328 = tpu.memref_slice %arg11[%dma_wait3A_326, %dma_wait3A_327] : memref<10240x128xf32, #tpu.memory_space<vmem_shared>> -> memref<10240x128xf32, #tpu.memory_space<vmem_shared>>
      tpu.wait_indirect_dma semaphore(%arg12 : memref<!tpu.dma_semaphore, #tpu.memory_space<semaphore_mem>>) src(%arg10 : memref<128x128xf32, #tpu.memory_space<vmem>>) dst(%dma_wait3A_328 : memref<10240x128xf32, #tpu.memory_space<vmem_shared>>)
      %dma_wait3A_329 = arith.constant 0 : i32
      %dma_wait3A_330 = arith.constant 0 : i32
      %dma_wait3A_331 = tpu.memref_slice %arg11[%dma_wait3A_329, %dma_wait3A_330] : memref<10240x128xf32, #tpu.memory_space<vmem_shared>> -> memref<10240x128xf32, #tpu.memory_space<vmem_shared>>
      tpu.wait_indirect_dma semaphore(%arg13 : memref<!tpu.dma_semaphore, #tpu.memory_space<semaphore_mem>>) src(%arg10 : memref<128x128xf32, #tpu.memory_space<vmem>>) dst(%dma_wait3A_331 : memref<10240x128xf32, #tpu.memory_space<vmem_shared>>)
    }
    %scan3A_9 = arith.constant 10 : i32
    %barrier3A_10 = arith.constant 0 : index
    tpu.barrier barrier_id(%barrier3A_10)
    %mul3A_11 = arith.constant 640 : i32
    %mul3A_12 = arith.muli %arg1, %mul3A_11 : i32
    %mul3A_13 = arith.constant 10240 : i32
    %mul3A_14 = arith.muli %arg0, %mul3A_13 : i32
    %mul3A_15 = arith.constant 640 : i32
    %mul3A_16 = arith.muli %arg1, %mul3A_15 : i32
    %add3A_17 = arith.addi %mul3A_14, %mul3A_16 : i32
    "tpu.region"() ({
      %run_scoped3A = tpu.sem_alloc : memref<!tpu.dma_semaphore, #tpu.memory_space<semaphore_mem>>
      %dma_start3A = arith.constant 0 : i32
      %dma_start3A_18 = tpu.memref_slice %arg5[%add3A_17, %dma_start3A] : memref<20480x128xf32, #tpu.memory_space<hbm>> -> memref<640x128xf32, #tpu.memory_space<hbm>>
      %dma_start3A_19 = arith.constant 0 : i32
      %dma_start3A_20 = tpu.memref_slice %arg11[%mul3A_12, %dma_start3A_19] : memref<10240x128xf32, #tpu.memory_space<vmem_shared>> -> memref<640x128xf32, #tpu.memory_space<vmem_shared>>
      tpu.enqueue_dma source(%dma_start3A_20 : memref<640x128xf32, #tpu.memory_space<vmem_shared>>) target(%dma_start3A_18 : memref<640x128xf32, #tpu.memory_space<hbm>>) target_semaphore(%run_scoped3A : memref<!tpu.dma_semaphore, #tpu.memory_space<semaphore_mem>>)
      %dma_wait3A = arith.constant 0 : i32
      %dma_wait3A_21 = tpu.memref_slice %arg5[%add3A_17, %dma_wait3A] : memref<20480x128xf32, #tpu.memory_space<hbm>> -> memref<640x128xf32, #tpu.memory_space<hbm>>
      %dma_wait3A_22 = arith.constant 0 : i32
      %dma_wait3A_23 = tpu.memref_slice %arg11[%mul3A_12, %dma_wait3A_22] : memref<10240x128xf32, #tpu.memory_space<vmem_shared>> -> memref<640x128xf32, #tpu.memory_space<vmem_shared>>
      tpu.wait_dma2 semaphore(%run_scoped3A : memref<!tpu.dma_semaphore, #tpu.memory_space<semaphore_mem>>) src(%dma_wait3A_23 : memref<640x128xf32, #tpu.memory_space<vmem_shared>>) dst(%dma_wait3A_21 : memref<640x128xf32, #tpu.memory_space<hbm>>)
      tpu.yield
    }) : () -> ()
    return
  }
}

#map = affine_map<(d0, d1) -> (0, 0)>
module attributes {stable_mosaic.version = 14 : i64} {
  func.func @_agg_kernel(%arg0: i32, %arg1: i32, %arg2: memref<20480x128xf32, #tpu.memory_space<hbm>>, %arg3: memref<1280x128xi32, #tpu.memory_space<hbm>>, %arg4: memref<1280x128xi32, #tpu.memory_space<hbm>>, %arg5: memref<640x128xf32, #tpu.memory_space<hbm>>, %arg6: memref<20480x128xf32, #tpu.memory_space<hbm>>, %arg7: memref<128xi32, #tpu.memory_space<vmem>>, %arg8: memref<128xi32, #tpu.memory_space<vmem>>, %arg9: memref<128xi32, #tpu.memory_space<vmem>>, %arg10: memref<128xi32, #tpu.memory_space<vmem>>, %arg11: memref<128x128xf32, #tpu.memory_space<vmem>>, %arg12: memref<128x128xf32, #tpu.memory_space<vmem>>, %arg13: memref<2x128xi32, #tpu.memory_space<vmem>>, %arg14: memref<2x128xi32, #tpu.memory_space<vmem>>, %arg15: memref<2x128xi32, #tpu.memory_space<vmem>>, %arg16: memref<2x128xi32, #tpu.memory_space<vmem>>, %arg17: memref<10240x128xf32, #tpu.memory_space<vmem_shared>>, %arg18: memref<!tpu.dma_semaphore, #tpu.memory_space<semaphore_mem>>, %arg19: memref<!tpu.dma_semaphore, #tpu.memory_space<semaphore_mem>>, %arg20: memref<!tpu.dma_semaphore, #tpu.memory_space<semaphore_mem>>, %arg21: memref<!tpu.dma_semaphore, #tpu.memory_space<semaphore_mem>>) attributes {dimension_semantics = [#tpu.dimension_semantics<core_parallel>, #tpu.dimension_semantics<subcore_parallel>], iteration_bounds = array<i64: 2, 16>, scalar_prefetch = 0 : i64, scratch_operands = 15 : i64, tpu.core_type = #tpu.core_type<sc_vector_subcore>, window_params = [{transform_indices = #map}, {transform_indices = #map}, {transform_indices = #map}, {transform_indices = #map}, {transform_indices = #map}]} {
    %mul3A = arith.constant 640 : i32
    %mul3A_0 = arith.muli %arg1, %mul3A : i32
    "tpu.region"() ({
      %run_scoped3A = tpu.sem_alloc : memref<!tpu.dma_semaphore, #tpu.memory_space<semaphore_mem>>
      %dma_start3A = arith.constant 0 : i32
      %dma_start3A_15 = tpu.memref_slice %arg17[%mul3A_0, %dma_start3A] : memref<10240x128xf32, #tpu.memory_space<vmem_shared>> -> memref<640x128xf32, #tpu.memory_space<vmem_shared>>
      tpu.enqueue_dma source(%arg5 : memref<640x128xf32, #tpu.memory_space<hbm>>) target(%dma_start3A_15 : memref<640x128xf32, #tpu.memory_space<vmem_shared>>) target_semaphore(%run_scoped3A : memref<!tpu.dma_semaphore, #tpu.memory_space<semaphore_mem>>)
      %dma_wait3A = arith.constant 0 : i32
      %dma_wait3A_16 = tpu.memref_slice %arg17[%mul3A_0, %dma_wait3A] : memref<10240x128xf32, #tpu.memory_space<vmem_shared>> -> memref<640x128xf32, #tpu.memory_space<vmem_shared>>
      tpu.wait_dma2 semaphore(%run_scoped3A : memref<!tpu.dma_semaphore, #tpu.memory_space<semaphore_mem>>) src(%arg5 : memref<640x128xf32, #tpu.memory_space<hbm>>) dst(%dma_wait3A_16 : memref<640x128xf32, #tpu.memory_space<vmem_shared>>)
      tpu.yield
    }) : () -> ()
    %barrier3A = arith.constant 0 : index
    tpu.barrier barrier_id(%barrier3A)
    %mul3A_1 = arith.constant 80 : i32
    %mul3A_2 = arith.muli %arg1, %mul3A_1 : i32
    %scan3A = arith.constant 0 : i32
    %scan3A_3 = arith.constant 0 : i32
    %scan3A_4 = arith.constant 20 : i32
    %scan3A_5 = arith.addi %scan3A_3, %scan3A_4 : i32
    %scan3A_6 = arith.constant 1 : i32
    scf.for %scan3A_15 = %scan3A_3 to %scan3A_5 step %scan3A_6  : i32 {
      %mul3A_16 = arith.constant 2 : i32
      %mul3A_17 = arith.muli %scan3A_15, %mul3A_16 : i32
      %mul3A_18 = arith.constant 2 : i32
      %mul3A_19 = arith.muli %mul3A_17, %mul3A_18 : i32
      %add3A_20 = arith.addi %mul3A_2, %mul3A_19 : i32
      "tpu.region"() ({
        %run_scoped3A = tpu.sem_alloc : memref<!tpu.dma_semaphore, #tpu.memory_space<semaphore_mem>>
        %dma_start3A_803 = arith.constant 0 : i32
        %dma_start3A_804 = tpu.memref_slice %arg3[%add3A_20, %dma_start3A_803] : memref<1280x128xi32, #tpu.memory_space<hbm>> -> memref<2x128xi32, #tpu.memory_space<hbm>>
        %dma_start3A_805 = arith.constant 0 : i32
        %dma_start3A_806 = tpu.memref_slice %arg3[%add3A_20, %dma_start3A_805] : memref<1280x128xi32, #tpu.memory_space<hbm>> -> memref<2x128xi32, #tpu.memory_space<hbm>>
        tpu.enqueue_dma source(%dma_start3A_806 : memref<2x128xi32, #tpu.memory_space<hbm>>) target(%arg13 : memref<2x128xi32, #tpu.memory_space<vmem>>) target_semaphore(%run_scoped3A : memref<!tpu.dma_semaphore, #tpu.memory_space<semaphore_mem>>)
        %dma_wait3A_807 = arith.constant 0 : i32
        %dma_wait3A_808 = tpu.memref_slice %arg3[%add3A_20, %dma_wait3A_807] : memref<1280x128xi32, #tpu.memory_space<hbm>> -> memref<2x128xi32, #tpu.memory_space<hbm>>
        %dma_wait3A_809 = arith.constant 0 : i32
        %dma_wait3A_810 = tpu.memref_slice %arg3[%add3A_20, %dma_wait3A_809] : memref<1280x128xi32, #tpu.memory_space<hbm>> -> memref<2x128xi32, #tpu.memory_space<hbm>>
        tpu.wait_dma2 semaphore(%run_scoped3A : memref<!tpu.dma_semaphore, #tpu.memory_space<semaphore_mem>>) src(%dma_wait3A_810 : memref<2x128xi32, #tpu.memory_space<hbm>>) dst(%arg13 : memref<2x128xi32, #tpu.memory_space<vmem>>)
        tpu.yield
      }) : () -> ()
      "tpu.region"() ({
        %run_scoped3A = tpu.sem_alloc : memref<!tpu.dma_semaphore, #tpu.memory_space<semaphore_mem>>
        %dma_start3A_803 = arith.constant 0 : i32
        %dma_start3A_804 = tpu.memref_slice %arg4[%add3A_20, %dma_start3A_803] : memref<1280x128xi32, #tpu.memory_space<hbm>> -> memref<2x128xi32, #tpu.memory_space<hbm>>
        %dma_start3A_805 = arith.constant 0 : i32
        %dma_start3A_806 = tpu.memref_slice %arg4[%add3A_20, %dma_start3A_805] : memref<1280x128xi32, #tpu.memory_space<hbm>> -> memref<2x128xi32, #tpu.memory_space<hbm>>
        tpu.enqueue_dma source(%dma_start3A_806 : memref<2x128xi32, #tpu.memory_space<hbm>>) target(%arg15 : memref<2x128xi32, #tpu.memory_space<vmem>>) target_semaphore(%run_scoped3A : memref<!tpu.dma_semaphore, #tpu.memory_space<semaphore_mem>>)
        %dma_wait3A_807 = arith.constant 0 : i32
        %dma_wait3A_808 = tpu.memref_slice %arg4[%add3A_20, %dma_wait3A_807] : memref<1280x128xi32, #tpu.memory_space<hbm>> -> memref<2x128xi32, #tpu.memory_space<hbm>>
        %dma_wait3A_809 = arith.constant 0 : i32
        %dma_wait3A_810 = tpu.memref_slice %arg4[%add3A_20, %dma_wait3A_809] : memref<1280x128xi32, #tpu.memory_space<hbm>> -> memref<2x128xi32, #tpu.memory_space<hbm>>
        tpu.wait_dma2 semaphore(%run_scoped3A : memref<!tpu.dma_semaphore, #tpu.memory_space<semaphore_mem>>) src(%dma_wait3A_810 : memref<2x128xi32, #tpu.memory_space<hbm>>) dst(%arg15 : memref<2x128xi32, #tpu.memory_space<vmem>>)
        tpu.yield
      }) : () -> ()
      %get3A = arith.constant 0 : i32
      %get3A_21 = arith.index_cast %get3A : i32 to index
      %get3A_22 = arith.constant 0 : index
      %get3A_23 = tpu.vector_load %arg13[%get3A_21, %get3A_22] {strides = array<i32>} : memref<2x128xi32, #tpu.memory_space<vmem>>, vector<1x16xi32>,
      %get3A_24 = vector.shape_cast %get3A_23 : vector<1x16xi32> to vector<16xi32>
      %mul3A_25 = arith.constant 2 : i32
      %mul3A_26 = vector.broadcast %mul3A_25 : i32 to vector<16xi32>
      %mul3A_27 = arith.muli %get3A_24, %mul3A_26 : vector<16xi32>
      %add3A_28 = vector.broadcast %arg0 : i32 to vector<16xi32>
      %add3A_29 = arith.addi %mul3A_27, %add3A_28 : vector<16xi32>
      %swap3A = arith.constant 0 : index
      %swap3A_30 = tpu.vector_load %arg7[%swap3A] {strides = array<i32>} : memref<128xi32, #tpu.memory_space<vmem>>, vector<16xi32>,
      %swap3A_31 = vector.shape_cast %swap3A_30 : vector<16xi32> to vector<16xi32>
      %swap3A_32 = vector.shape_cast %add3A_29 : vector<16xi32> to vector<16xi32>
      tpu.vector_store %arg7[%swap3A], %swap3A_32 {strides = array<i32>} : memref<128xi32, #tpu.memory_space<vmem>>, vector<16xi32>,
      %get3A_33 = arith.constant 0 : i32
      %get3A_34 = arith.index_cast %get3A_33 : i32 to index
      %get3A_35 = arith.constant 0 : index
      %get3A_36 = tpu.vector_load %arg15[%get3A_34, %get3A_35] {strides = array<i32>} : memref<2x128xi32, #tpu.memory_space<vmem>>, vector<1x16xi32>,
      %get3A_37 = vector.shape_cast %get3A_36 : vector<1x16xi32> to vector<16xi32>
      %swap3A_38 = arith.constant 0 : index
      %swap3A_39 = tpu.vector_load %arg9[%swap3A_38] {strides = array<i32>} : memref<128xi32, #tpu.memory_space<vmem>>, vector<16xi32>,
      %swap3A_40 = vector.shape_cast %swap3A_39 : vector<16xi32> to vector<16xi32>
      %swap3A_41 = vector.shape_cast %get3A_37 : vector<16xi32> to vector<16xi32>
      tpu.vector_store %arg9[%swap3A_38], %swap3A_41 {strides = array<i32>} : memref<128xi32, #tpu.memory_space<vmem>>, vector<16xi32>,
      %get3A_42 = arith.constant 0 : i32
      %get3A_43 = arith.index_cast %get3A_42 : i32 to index
      %get3A_44 = arith.constant 16 : index
      %get3A_45 = tpu.vector_load %arg13[%get3A_43, %get3A_44] {strides = array<i32>} : memref<2x128xi32, #tpu.memory_space<vmem>>, vector<1x16xi32>,
      %get3A_46 = vector.shape_cast %get3A_45 : vector<1x16xi32> to vector<16xi32>
      %mul3A_47 = arith.constant 2 : i32
      %mul3A_48 = vector.broadcast %mul3A_47 : i32 to vector<16xi32>
      %mul3A_49 = arith.muli %get3A_46, %mul3A_48 : vector<16xi32>
      %add3A_50 = vector.broadcast %arg0 : i32 to vector<16xi32>
      %add3A_51 = arith.addi %mul3A_49, %add3A_50 : vector<16xi32>
      %swap3A_52 = arith.constant 16 : index
      %swap3A_53 = tpu.vector_load %arg7[%swap3A_52] {strides = array<i32>} : memref<128xi32, #tpu.memory_space<vmem>>, vector<16xi32>,
      %swap3A_54 = vector.shape_cast %swap3A_53 : vector<16xi32> to vector<16xi32>
      %swap3A_55 = vector.shape_cast %add3A_51 : vector<16xi32> to vector<16xi32>
      tpu.vector_store %arg7[%swap3A_52], %swap3A_55 {strides = array<i32>} : memref<128xi32, #tpu.memory_space<vmem>>, vector<16xi32>,
      %get3A_56 = arith.constant 0 : i32
      %get3A_57 = arith.index_cast %get3A_56 : i32 to index
      %get3A_58 = arith.constant 16 : index
      %get3A_59 = tpu.vector_load %arg15[%get3A_57, %get3A_58] {strides = array<i32>} : memref<2x128xi32, #tpu.memory_space<vmem>>, vector<1x16xi32>,
      %get3A_60 = vector.shape_cast %get3A_59 : vector<1x16xi32> to vector<16xi32>
      %swap3A_61 = arith.constant 16 : index
      %swap3A_62 = tpu.vector_load %arg9[%swap3A_61] {strides = array<i32>} : memref<128xi32, #tpu.memory_space<vmem>>, vector<16xi32>,
      %swap3A_63 = vector.shape_cast %swap3A_62 : vector<16xi32> to vector<16xi32>
      %swap3A_64 = vector.shape_cast %get3A_60 : vector<16xi32> to vector<16xi32>
      tpu.vector_store %arg9[%swap3A_61], %swap3A_64 {strides = array<i32>} : memref<128xi32, #tpu.memory_space<vmem>>, vector<16xi32>,
      %get3A_65 = arith.constant 0 : i32
      %get3A_66 = arith.index_cast %get3A_65 : i32 to index
      %get3A_67 = arith.constant 32 : index
      %get3A_68 = tpu.vector_load %arg13[%get3A_66, %get3A_67] {strides = array<i32>} : memref<2x128xi32, #tpu.memory_space<vmem>>, vector<1x16xi32>,
      %get3A_69 = vector.shape_cast %get3A_68 : vector<1x16xi32> to vector<16xi32>
      %mul3A_70 = arith.constant 2 : i32
      %mul3A_71 = vector.broadcast %mul3A_70 : i32 to vector<16xi32>
      %mul3A_72 = arith.muli %get3A_69, %mul3A_71 : vector<16xi32>
      %add3A_73 = vector.broadcast %arg0 : i32 to vector<16xi32>
      %add3A_74 = arith.addi %mul3A_72, %add3A_73 : vector<16xi32>
      %swap3A_75 = arith.constant 32 : index
      %swap3A_76 = tpu.vector_load %arg7[%swap3A_75] {strides = array<i32>} : memref<128xi32, #tpu.memory_space<vmem>>, vector<16xi32>,
      %swap3A_77 = vector.shape_cast %swap3A_76 : vector<16xi32> to vector<16xi32>
      %swap3A_78 = vector.shape_cast %add3A_74 : vector<16xi32> to vector<16xi32>
      tpu.vector_store %arg7[%swap3A_75], %swap3A_78 {strides = array<i32>} : memref<128xi32, #tpu.memory_space<vmem>>, vector<16xi32>,
      %get3A_79 = arith.constant 0 : i32
      %get3A_80 = arith.index_cast %get3A_79 : i32 to index
      %get3A_81 = arith.constant 32 : index
      %get3A_82 = tpu.vector_load %arg15[%get3A_80, %get3A_81] {strides = array<i32>} : memref<2x128xi32, #tpu.memory_space<vmem>>, vector<1x16xi32>,
      %get3A_83 = vector.shape_cast %get3A_82 : vector<1x16xi32> to vector<16xi32>
      %swap3A_84 = arith.constant 32 : index
      %swap3A_85 = tpu.vector_load %arg9[%swap3A_84] {strides = array<i32>} : memref<128xi32, #tpu.memory_space<vmem>>, vector<16xi32>,
      %swap3A_86 = vector.shape_cast %swap3A_85 : vector<16xi32> to vector<16xi32>
      %swap3A_87 = vector.shape_cast %get3A_83 : vector<16xi32> to vector<16xi32>
      tpu.vector_store %arg9[%swap3A_84], %swap3A_87 {strides = array<i32>} : memref<128xi32, #tpu.memory_space<vmem>>, vector<16xi32>,
      %get3A_88 = arith.constant 0 : i32
      %get3A_89 = arith.index_cast %get3A_88 : i32 to index
      %get3A_90 = arith.constant 48 : index
      %get3A_91 = tpu.vector_load %arg13[%get3A_89, %get3A_90] {strides = array<i32>} : memref<2x128xi32, #tpu.memory_space<vmem>>, vector<1x16xi32>,
      %get3A_92 = vector.shape_cast %get3A_91 : vector<1x16xi32> to vector<16xi32>
      %mul3A_93 = arith.constant 2 : i32
      %mul3A_94 = vector.broadcast %mul3A_93 : i32 to vector<16xi32>
      %mul3A_95 = arith.muli %get3A_92, %mul3A_94 : vector<16xi32>
      %add3A_96 = vector.broadcast %arg0 : i32 to vector<16xi32>
      %add3A_97 = arith.addi %mul3A_95, %add3A_96 : vector<16xi32>
      %swap3A_98 = arith.constant 48 : index
      %swap3A_99 = tpu.vector_load %arg7[%swap3A_98] {strides = array<i32>} : memref<128xi32, #tpu.memory_space<vmem>>, vector<16xi32>,
      %swap3A_100 = vector.shape_cast %swap3A_99 : vector<16xi32> to vector<16xi32>
      %swap3A_101 = vector.shape_cast %add3A_97 : vector<16xi32> to vector<16xi32>
      tpu.vector_store %arg7[%swap3A_98], %swap3A_101 {strides = array<i32>} : memref<128xi32, #tpu.memory_space<vmem>>, vector<16xi32>,
      %get3A_102 = arith.constant 0 : i32
      %get3A_103 = arith.index_cast %get3A_102 : i32 to index
      %get3A_104 = arith.constant 48 : index
      %get3A_105 = tpu.vector_load %arg15[%get3A_103, %get3A_104] {strides = array<i32>} : memref<2x128xi32, #tpu.memory_space<vmem>>, vector<1x16xi32>,
      %get3A_106 = vector.shape_cast %get3A_105 : vector<1x16xi32> to vector<16xi32>
      %swap3A_107 = arith.constant 48 : index
      %swap3A_108 = tpu.vector_load %arg9[%swap3A_107] {strides = array<i32>} : memref<128xi32, #tpu.memory_space<vmem>>, vector<16xi32>,
      %swap3A_109 = vector.shape_cast %swap3A_108 : vector<16xi32> to vector<16xi32>
      %swap3A_110 = vector.shape_cast %get3A_106 : vector<16xi32> to vector<16xi32>
      tpu.vector_store %arg9[%swap3A_107], %swap3A_110 {strides = array<i32>} : memref<128xi32, #tpu.memory_space<vmem>>, vector<16xi32>,
      %get3A_111 = arith.constant 0 : i32
      %get3A_112 = arith.index_cast %get3A_111 : i32 to index
      %get3A_113 = arith.constant 64 : index
      %get3A_114 = tpu.vector_load %arg13[%get3A_112, %get3A_113] {strides = array<i32>} : memref<2x128xi32, #tpu.memory_space<vmem>>, vector<1x16xi32>,
      %get3A_115 = vector.shape_cast %get3A_114 : vector<1x16xi32> to vector<16xi32>
      %mul3A_116 = arith.constant 2 : i32
      %mul3A_117 = vector.broadcast %mul3A_116 : i32 to vector<16xi32>
      %mul3A_118 = arith.muli %get3A_115, %mul3A_117 : vector<16xi32>
      %add3A_119 = vector.broadcast %arg0 : i32 to vector<16xi32>
      %add3A_120 = arith.addi %mul3A_118, %add3A_119 : vector<16xi32>
      %swap3A_121 = arith.constant 64 : index
      %swap3A_122 = tpu.vector_load %arg7[%swap3A_121] {strides = array<i32>} : memref<128xi32, #tpu.memory_space<vmem>>, vector<16xi32>,
      %swap3A_123 = vector.shape_cast %swap3A_122 : vector<16xi32> to vector<16xi32>
      %swap3A_124 = vector.shape_cast %add3A_120 : vector<16xi32> to vector<16xi32>
      tpu.vector_store %arg7[%swap3A_121], %swap3A_124 {strides = array<i32>} : memref<128xi32, #tpu.memory_space<vmem>>, vector<16xi32>,
      %get3A_125 = arith.constant 0 : i32
      %get3A_126 = arith.index_cast %get3A_125 : i32 to index
      %get3A_127 = arith.constant 64 : index
      %get3A_128 = tpu.vector_load %arg15[%get3A_126, %get3A_127] {strides = array<i32>} : memref<2x128xi32, #tpu.memory_space<vmem>>, vector<1x16xi32>,
      %get3A_129 = vector.shape_cast %get3A_128 : vector<1x16xi32> to vector<16xi32>
      %swap3A_130 = arith.constant 64 : index
      %swap3A_131 = tpu.vector_load %arg9[%swap3A_130] {strides = array<i32>} : memref<128xi32, #tpu.memory_space<vmem>>, vector<16xi32>,
      %swap3A_132 = vector.shape_cast %swap3A_131 : vector<16xi32> to vector<16xi32>
      %swap3A_133 = vector.shape_cast %get3A_129 : vector<16xi32> to vector<16xi32>
      tpu.vector_store %arg9[%swap3A_130], %swap3A_133 {strides = array<i32>} : memref<128xi32, #tpu.memory_space<vmem>>, vector<16xi32>,
      %get3A_134 = arith.constant 0 : i32
      %get3A_135 = arith.index_cast %get3A_134 : i32 to index
      %get3A_136 = arith.constant 80 : index
      %get3A_137 = tpu.vector_load %arg13[%get3A_135, %get3A_136] {strides = array<i32>} : memref<2x128xi32, #tpu.memory_space<vmem>>, vector<1x16xi32>,
      %get3A_138 = vector.shape_cast %get3A_137 : vector<1x16xi32> to vector<16xi32>
      %mul3A_139 = arith.constant 2 : i32
      %mul3A_140 = vector.broadcast %mul3A_139 : i32 to vector<16xi32>
      %mul3A_141 = arith.muli %get3A_138, %mul3A_140 : vector<16xi32>
      %add3A_142 = vector.broadcast %arg0 : i32 to vector<16xi32>
      %add3A_143 = arith.addi %mul3A_141, %add3A_142 : vector<16xi32>
      %swap3A_144 = arith.constant 80 : index
      %swap3A_145 = tpu.vector_load %arg7[%swap3A_144] {strides = array<i32>} : memref<128xi32, #tpu.memory_space<vmem>>, vector<16xi32>,
      %swap3A_146 = vector.shape_cast %swap3A_145 : vector<16xi32> to vector<16xi32>
      %swap3A_147 = vector.shape_cast %add3A_143 : vector<16xi32> to vector<16xi32>
      tpu.vector_store %arg7[%swap3A_144], %swap3A_147 {strides = array<i32>} : memref<128xi32, #tpu.memory_space<vmem>>, vector<16xi32>,
      %get3A_148 = arith.constant 0 : i32
      %get3A_149 = arith.index_cast %get3A_148 : i32 to index
      %get3A_150 = arith.constant 80 : index
      %get3A_151 = tpu.vector_load %arg15[%get3A_149, %get3A_150] {strides = array<i32>} : memref<2x128xi32, #tpu.memory_space<vmem>>, vector<1x16xi32>,
      %get3A_152 = vector.shape_cast %get3A_151 : vector<1x16xi32> to vector<16xi32>
      %swap3A_153 = arith.constant 80 : index
      %swap3A_154 = tpu.vector_load %arg9[%swap3A_153] {strides = array<i32>} : memref<128xi32, #tpu.memory_space<vmem>>, vector<16xi32>,
      %swap3A_155 = vector.shape_cast %swap3A_154 : vector<16xi32> to vector<16xi32>
      %swap3A_156 = vector.shape_cast %get3A_152 : vector<16xi32> to vector<16xi32>
      tpu.vector_store %arg9[%swap3A_153], %swap3A_156 {strides = array<i32>} : memref<128xi32, #tpu.memory_space<vmem>>, vector<16xi32>,
      %get3A_157 = arith.constant 0 : i32
      %get3A_158 = arith.index_cast %get3A_157 : i32 to index
      %get3A_159 = arith.constant 96 : index
      %get3A_160 = tpu.vector_load %arg13[%get3A_158, %get3A_159] {strides = array<i32>} : memref<2x128xi32, #tpu.memory_space<vmem>>, vector<1x16xi32>,
      %get3A_161 = vector.shape_cast %get3A_160 : vector<1x16xi32> to vector<16xi32>
      %mul3A_162 = arith.constant 2 : i32
      %mul3A_163 = vector.broadcast %mul3A_162 : i32 to vector<16xi32>
      %mul3A_164 = arith.muli %get3A_161, %mul3A_163 : vector<16xi32>
      %add3A_165 = vector.broadcast %arg0 : i32 to vector<16xi32>
      %add3A_166 = arith.addi %mul3A_164, %add3A_165 : vector<16xi32>
      %swap3A_167 = arith.constant 96 : index
      %swap3A_168 = tpu.vector_load %arg7[%swap3A_167] {strides = array<i32>} : memref<128xi32, #tpu.memory_space<vmem>>, vector<16xi32>,
      %swap3A_169 = vector.shape_cast %swap3A_168 : vector<16xi32> to vector<16xi32>
      %swap3A_170 = vector.shape_cast %add3A_166 : vector<16xi32> to vector<16xi32>
      tpu.vector_store %arg7[%swap3A_167], %swap3A_170 {strides = array<i32>} : memref<128xi32, #tpu.memory_space<vmem>>, vector<16xi32>,
      %get3A_171 = arith.constant 0 : i32
      %get3A_172 = arith.index_cast %get3A_171 : i32 to index
      %get3A_173 = arith.constant 96 : index
      %get3A_174 = tpu.vector_load %arg15[%get3A_172, %get3A_173] {strides = array<i32>} : memref<2x128xi32, #tpu.memory_space<vmem>>, vector<1x16xi32>,
      %get3A_175 = vector.shape_cast %get3A_174 : vector<1x16xi32> to vector<16xi32>
      %swap3A_176 = arith.constant 96 : index
      %swap3A_177 = tpu.vector_load %arg9[%swap3A_176] {strides = array<i32>} : memref<128xi32, #tpu.memory_space<vmem>>, vector<16xi32>,
      %swap3A_178 = vector.shape_cast %swap3A_177 : vector<16xi32> to vector<16xi32>
      %swap3A_179 = vector.shape_cast %get3A_175 : vector<16xi32> to vector<16xi32>
      tpu.vector_store %arg9[%swap3A_176], %swap3A_179 {strides = array<i32>} : memref<128xi32, #tpu.memory_space<vmem>>, vector<16xi32>,
      %get3A_180 = arith.constant 0 : i32
      %get3A_181 = arith.index_cast %get3A_180 : i32 to index
      %get3A_182 = arith.constant 112 : index
      %get3A_183 = tpu.vector_load %arg13[%get3A_181, %get3A_182] {strides = array<i32>} : memref<2x128xi32, #tpu.memory_space<vmem>>, vector<1x16xi32>,
      %get3A_184 = vector.shape_cast %get3A_183 : vector<1x16xi32> to vector<16xi32>
      %mul3A_185 = arith.constant 2 : i32
      %mul3A_186 = vector.broadcast %mul3A_185 : i32 to vector<16xi32>
      %mul3A_187 = arith.muli %get3A_184, %mul3A_186 : vector<16xi32>
      %add3A_188 = vector.broadcast %arg0 : i32 to vector<16xi32>
      %add3A_189 = arith.addi %mul3A_187, %add3A_188 : vector<16xi32>
      %swap3A_190 = arith.constant 112 : index
      %swap3A_191 = tpu.vector_load %arg7[%swap3A_190] {strides = array<i32>} : memref<128xi32, #tpu.memory_space<vmem>>, vector<16xi32>,
      %swap3A_192 = vector.shape_cast %swap3A_191 : vector<16xi32> to vector<16xi32>
      %swap3A_193 = vector.shape_cast %add3A_189 : vector<16xi32> to vector<16xi32>
      tpu.vector_store %arg7[%swap3A_190], %swap3A_193 {strides = array<i32>} : memref<128xi32, #tpu.memory_space<vmem>>, vector<16xi32>,
      %get3A_194 = arith.constant 0 : i32
      %get3A_195 = arith.index_cast %get3A_194 : i32 to index
      %get3A_196 = arith.constant 112 : index
      %get3A_197 = tpu.vector_load %arg15[%get3A_195, %get3A_196] {strides = array<i32>} : memref<2x128xi32, #tpu.memory_space<vmem>>, vector<1x16xi32>,
      %get3A_198 = vector.shape_cast %get3A_197 : vector<1x16xi32> to vector<16xi32>
      %swap3A_199 = arith.constant 112 : index
      %swap3A_200 = tpu.vector_load %arg9[%swap3A_199] {strides = array<i32>} : memref<128xi32, #tpu.memory_space<vmem>>, vector<16xi32>,
      %swap3A_201 = vector.shape_cast %swap3A_200 : vector<16xi32> to vector<16xi32>
      %swap3A_202 = vector.shape_cast %get3A_198 : vector<16xi32> to vector<16xi32>
      tpu.vector_store %arg9[%swap3A_199], %swap3A_202 {strides = array<i32>} : memref<128xi32, #tpu.memory_space<vmem>>, vector<16xi32>,
      %dma_start3A = arith.constant 0 : i32
      %dma_start3A_203 = arith.constant 0 : i32
      %dma_start3A_204 = tpu.memref_slice %arg2[%dma_start3A, %dma_start3A_203] : memref<20480x128xf32, #tpu.memory_space<hbm>> -> memref<20480x128xf32, #tpu.memory_space<hbm>>
      tpu.enqueue_indirect_dma source(%dma_start3A_204 : memref<20480x128xf32, #tpu.memory_space<hbm>>) target(%arg11 : memref<128x128xf32, #tpu.memory_space<vmem>>) offsets(%arg7 : memref<128xi32, #tpu.memory_space<vmem>>) semaphore(%arg18 : memref<!tpu.dma_semaphore, #tpu.memory_space<semaphore_mem>>)
      %get3A_205 = arith.constant 1 : i32
      %get3A_206 = arith.index_cast %get3A_205 : i32 to index
      %get3A_207 = arith.constant 0 : index
      %get3A_208 = tpu.vector_load %arg13[%get3A_206, %get3A_207] {strides = array<i32>} : memref<2x128xi32, #tpu.memory_space<vmem>>, vector<1x16xi32>,
      %get3A_209 = vector.shape_cast %get3A_208 : vector<1x16xi32> to vector<16xi32>
      %mul3A_210 = arith.constant 2 : i32
      %mul3A_211 = vector.broadcast %mul3A_210 : i32 to vector<16xi32>
      %mul3A_212 = arith.muli %get3A_209, %mul3A_211 : vector<16xi32>
      %add3A_213 = vector.broadcast %arg0 : i32 to vector<16xi32>
      %add3A_214 = arith.addi %mul3A_212, %add3A_213 : vector<16xi32>
      %swap3A_215 = arith.constant 0 : index
      %swap3A_216 = tpu.vector_load %arg8[%swap3A_215] {strides = array<i32>} : memref<128xi32, #tpu.memory_space<vmem>>, vector<16xi32>,
      %swap3A_217 = vector.shape_cast %swap3A_216 : vector<16xi32> to vector<16xi32>
      %swap3A_218 = vector.shape_cast %add3A_214 : vector<16xi32> to vector<16xi32>
      tpu.vector_store %arg8[%swap3A_215], %swap3A_218 {strides = array<i32>} : memref<128xi32, #tpu.memory_space<vmem>>, vector<16xi32>,
      %get3A_219 = arith.constant 1 : i32
      %get3A_220 = arith.index_cast %get3A_219 : i32 to index
      %get3A_221 = arith.constant 0 : index
      %get3A_222 = tpu.vector_load %arg15[%get3A_220, %get3A_221] {strides = array<i32>} : memref<2x128xi32, #tpu.memory_space<vmem>>, vector<1x16xi32>,
      %get3A_223 = vector.shape_cast %get3A_222 : vector<1x16xi32> to vector<16xi32>
      %swap3A_224 = arith.constant 0 : index
      %swap3A_225 = tpu.vector_load %arg10[%swap3A_224] {strides = array<i32>} : memref<128xi32, #tpu.memory_space<vmem>>, vector<16xi32>,
      %swap3A_226 = vector.shape_cast %swap3A_225 : vector<16xi32> to vector<16xi32>
      %swap3A_227 = vector.shape_cast %get3A_223 : vector<16xi32> to vector<16xi32>
      tpu.vector_store %arg10[%swap3A_224], %swap3A_227 {strides = array<i32>} : memref<128xi32, #tpu.memory_space<vmem>>, vector<16xi32>,
      %get3A_228 = arith.constant 1 : i32
      %get3A_229 = arith.index_cast %get3A_228 : i32 to index
      %get3A_230 = arith.constant 16 : index
      %get3A_231 = tpu.vector_load %arg13[%get3A_229, %get3A_230] {strides = array<i32>} : memref<2x128xi32, #tpu.memory_space<vmem>>, vector<1x16xi32>,
      %get3A_232 = vector.shape_cast %get3A_231 : vector<1x16xi32> to vector<16xi32>
      %mul3A_233 = arith.constant 2 : i32
      %mul3A_234 = vector.broadcast %mul3A_233 : i32 to vector<16xi32>
      %mul3A_235 = arith.muli %get3A_232, %mul3A_234 : vector<16xi32>
      %add3A_236 = vector.broadcast %arg0 : i32 to vector<16xi32>
      %add3A_237 = arith.addi %mul3A_235, %add3A_236 : vector<16xi32>
      %swap3A_238 = arith.constant 16 : index
      %swap3A_239 = tpu.vector_load %arg8[%swap3A_238] {strides = array<i32>} : memref<128xi32, #tpu.memory_space<vmem>>, vector<16xi32>,
      %swap3A_240 = vector.shape_cast %swap3A_239 : vector<16xi32> to vector<16xi32>
      %swap3A_241 = vector.shape_cast %add3A_237 : vector<16xi32> to vector<16xi32>
      tpu.vector_store %arg8[%swap3A_238], %swap3A_241 {strides = array<i32>} : memref<128xi32, #tpu.memory_space<vmem>>, vector<16xi32>,
      %get3A_242 = arith.constant 1 : i32
      %get3A_243 = arith.index_cast %get3A_242 : i32 to index
      %get3A_244 = arith.constant 16 : index
      %get3A_245 = tpu.vector_load %arg15[%get3A_243, %get3A_244] {strides = array<i32>} : memref<2x128xi32, #tpu.memory_space<vmem>>, vector<1x16xi32>,
      %get3A_246 = vector.shape_cast %get3A_245 : vector<1x16xi32> to vector<16xi32>
      %swap3A_247 = arith.constant 16 : index
      %swap3A_248 = tpu.vector_load %arg10[%swap3A_247] {strides = array<i32>} : memref<128xi32, #tpu.memory_space<vmem>>, vector<16xi32>,
      %swap3A_249 = vector.shape_cast %swap3A_248 : vector<16xi32> to vector<16xi32>
      %swap3A_250 = vector.shape_cast %get3A_246 : vector<16xi32> to vector<16xi32>
      tpu.vector_store %arg10[%swap3A_247], %swap3A_250 {strides = array<i32>} : memref<128xi32, #tpu.memory_space<vmem>>, vector<16xi32>,
      %get3A_251 = arith.constant 1 : i32
      %get3A_252 = arith.index_cast %get3A_251 : i32 to index
      %get3A_253 = arith.constant 32 : index
      %get3A_254 = tpu.vector_load %arg13[%get3A_252, %get3A_253] {strides = array<i32>} : memref<2x128xi32, #tpu.memory_space<vmem>>, vector<1x16xi32>,
      %get3A_255 = vector.shape_cast %get3A_254 : vector<1x16xi32> to vector<16xi32>
      %mul3A_256 = arith.constant 2 : i32
      %mul3A_257 = vector.broadcast %mul3A_256 : i32 to vector<16xi32>
      %mul3A_258 = arith.muli %get3A_255, %mul3A_257 : vector<16xi32>
      %add3A_259 = vector.broadcast %arg0 : i32 to vector<16xi32>
      %add3A_260 = arith.addi %mul3A_258, %add3A_259 : vector<16xi32>
      %swap3A_261 = arith.constant 32 : index
      %swap3A_262 = tpu.vector_load %arg8[%swap3A_261] {strides = array<i32>} : memref<128xi32, #tpu.memory_space<vmem>>, vector<16xi32>,
      %swap3A_263 = vector.shape_cast %swap3A_262 : vector<16xi32> to vector<16xi32>
      %swap3A_264 = vector.shape_cast %add3A_260 : vector<16xi32> to vector<16xi32>
      tpu.vector_store %arg8[%swap3A_261], %swap3A_264 {strides = array<i32>} : memref<128xi32, #tpu.memory_space<vmem>>, vector<16xi32>,
      %get3A_265 = arith.constant 1 : i32
      %get3A_266 = arith.index_cast %get3A_265 : i32 to index
      %get3A_267 = arith.constant 32 : index
      %get3A_268 = tpu.vector_load %arg15[%get3A_266, %get3A_267] {strides = array<i32>} : memref<2x128xi32, #tpu.memory_space<vmem>>, vector<1x16xi32>,
      %get3A_269 = vector.shape_cast %get3A_268 : vector<1x16xi32> to vector<16xi32>
      %swap3A_270 = arith.constant 32 : index
      %swap3A_271 = tpu.vector_load %arg10[%swap3A_270] {strides = array<i32>} : memref<128xi32, #tpu.memory_space<vmem>>, vector<16xi32>,
      %swap3A_272 = vector.shape_cast %swap3A_271 : vector<16xi32> to vector<16xi32>
      %swap3A_273 = vector.shape_cast %get3A_269 : vector<16xi32> to vector<16xi32>
      tpu.vector_store %arg10[%swap3A_270], %swap3A_273 {strides = array<i32>} : memref<128xi32, #tpu.memory_space<vmem>>, vector<16xi32>,
      %get3A_274 = arith.constant 1 : i32
      %get3A_275 = arith.index_cast %get3A_274 : i32 to index
      %get3A_276 = arith.constant 48 : index
      %get3A_277 = tpu.vector_load %arg13[%get3A_275, %get3A_276] {strides = array<i32>} : memref<2x128xi32, #tpu.memory_space<vmem>>, vector<1x16xi32>,
      %get3A_278 = vector.shape_cast %get3A_277 : vector<1x16xi32> to vector<16xi32>
      %mul3A_279 = arith.constant 2 : i32
      %mul3A_280 = vector.broadcast %mul3A_279 : i32 to vector<16xi32>
      %mul3A_281 = arith.muli %get3A_278, %mul3A_280 : vector<16xi32>
      %add3A_282 = vector.broadcast %arg0 : i32 to vector<16xi32>
      %add3A_283 = arith.addi %mul3A_281, %add3A_282 : vector<16xi32>
      %swap3A_284 = arith.constant 48 : index
      %swap3A_285 = tpu.vector_load %arg8[%swap3A_284] {strides = array<i32>} : memref<128xi32, #tpu.memory_space<vmem>>, vector<16xi32>,
      %swap3A_286 = vector.shape_cast %swap3A_285 : vector<16xi32> to vector<16xi32>
      %swap3A_287 = vector.shape_cast %add3A_283 : vector<16xi32> to vector<16xi32>
      tpu.vector_store %arg8[%swap3A_284], %swap3A_287 {strides = array<i32>} : memref<128xi32, #tpu.memory_space<vmem>>, vector<16xi32>,
      %get3A_288 = arith.constant 1 : i32
      %get3A_289 = arith.index_cast %get3A_288 : i32 to index
      %get3A_290 = arith.constant 48 : index
      %get3A_291 = tpu.vector_load %arg15[%get3A_289, %get3A_290] {strides = array<i32>} : memref<2x128xi32, #tpu.memory_space<vmem>>, vector<1x16xi32>,
      %get3A_292 = vector.shape_cast %get3A_291 : vector<1x16xi32> to vector<16xi32>
      %swap3A_293 = arith.constant 48 : index
      %swap3A_294 = tpu.vector_load %arg10[%swap3A_293] {strides = array<i32>} : memref<128xi32, #tpu.memory_space<vmem>>, vector<16xi32>,
      %swap3A_295 = vector.shape_cast %swap3A_294 : vector<16xi32> to vector<16xi32>
      %swap3A_296 = vector.shape_cast %get3A_292 : vector<16xi32> to vector<16xi32>
      tpu.vector_store %arg10[%swap3A_293], %swap3A_296 {strides = array<i32>} : memref<128xi32, #tpu.memory_space<vmem>>, vector<16xi32>,
      %get3A_297 = arith.constant 1 : i32
      %get3A_298 = arith.index_cast %get3A_297 : i32 to index
      %get3A_299 = arith.constant 64 : index
      %get3A_300 = tpu.vector_load %arg13[%get3A_298, %get3A_299] {strides = array<i32>} : memref<2x128xi32, #tpu.memory_space<vmem>>, vector<1x16xi32>,
      %get3A_301 = vector.shape_cast %get3A_300 : vector<1x16xi32> to vector<16xi32>
      %mul3A_302 = arith.constant 2 : i32
      %mul3A_303 = vector.broadcast %mul3A_302 : i32 to vector<16xi32>
      %mul3A_304 = arith.muli %get3A_301, %mul3A_303 : vector<16xi32>
      %add3A_305 = vector.broadcast %arg0 : i32 to vector<16xi32>
      %add3A_306 = arith.addi %mul3A_304, %add3A_305 : vector<16xi32>
      %swap3A_307 = arith.constant 64 : index
      %swap3A_308 = tpu.vector_load %arg8[%swap3A_307] {strides = array<i32>} : memref<128xi32, #tpu.memory_space<vmem>>, vector<16xi32>,
      %swap3A_309 = vector.shape_cast %swap3A_308 : vector<16xi32> to vector<16xi32>
      %swap3A_310 = vector.shape_cast %add3A_306 : vector<16xi32> to vector<16xi32>
      tpu.vector_store %arg8[%swap3A_307], %swap3A_310 {strides = array<i32>} : memref<128xi32, #tpu.memory_space<vmem>>, vector<16xi32>,
      %get3A_311 = arith.constant 1 : i32
      %get3A_312 = arith.index_cast %get3A_311 : i32 to index
      %get3A_313 = arith.constant 64 : index
      %get3A_314 = tpu.vector_load %arg15[%get3A_312, %get3A_313] {strides = array<i32>} : memref<2x128xi32, #tpu.memory_space<vmem>>, vector<1x16xi32>,
      %get3A_315 = vector.shape_cast %get3A_314 : vector<1x16xi32> to vector<16xi32>
      %swap3A_316 = arith.constant 64 : index
      %swap3A_317 = tpu.vector_load %arg10[%swap3A_316] {strides = array<i32>} : memref<128xi32, #tpu.memory_space<vmem>>, vector<16xi32>,
      %swap3A_318 = vector.shape_cast %swap3A_317 : vector<16xi32> to vector<16xi32>
      %swap3A_319 = vector.shape_cast %get3A_315 : vector<16xi32> to vector<16xi32>
      tpu.vector_store %arg10[%swap3A_316], %swap3A_319 {strides = array<i32>} : memref<128xi32, #tpu.memory_space<vmem>>, vector<16xi32>,
      %get3A_320 = arith.constant 1 : i32
      %get3A_321 = arith.index_cast %get3A_320 : i32 to index
      %get3A_322 = arith.constant 80 : index
      %get3A_323 = tpu.vector_load %arg13[%get3A_321, %get3A_322] {strides = array<i32>} : memref<2x128xi32, #tpu.memory_space<vmem>>, vector<1x16xi32>,
      %get3A_324 = vector.shape_cast %get3A_323 : vector<1x16xi32> to vector<16xi32>
      %mul3A_325 = arith.constant 2 : i32
      %mul3A_326 = vector.broadcast %mul3A_325 : i32 to vector<16xi32>
      %mul3A_327 = arith.muli %get3A_324, %mul3A_326 : vector<16xi32>
      %add3A_328 = vector.broadcast %arg0 : i32 to vector<16xi32>
      %add3A_329 = arith.addi %mul3A_327, %add3A_328 : vector<16xi32>
      %swap3A_330 = arith.constant 80 : index
      %swap3A_331 = tpu.vector_load %arg8[%swap3A_330] {strides = array<i32>} : memref<128xi32, #tpu.memory_space<vmem>>, vector<16xi32>,
      %swap3A_332 = vector.shape_cast %swap3A_331 : vector<16xi32> to vector<16xi32>
      %swap3A_333 = vector.shape_cast %add3A_329 : vector<16xi32> to vector<16xi32>
      tpu.vector_store %arg8[%swap3A_330], %swap3A_333 {strides = array<i32>} : memref<128xi32, #tpu.memory_space<vmem>>, vector<16xi32>,
      %get3A_334 = arith.constant 1 : i32
      %get3A_335 = arith.index_cast %get3A_334 : i32 to index
      %get3A_336 = arith.constant 80 : index
      %get3A_337 = tpu.vector_load %arg15[%get3A_335, %get3A_336] {strides = array<i32>} : memref<2x128xi32, #tpu.memory_space<vmem>>, vector<1x16xi32>,
      %get3A_338 = vector.shape_cast %get3A_337 : vector<1x16xi32> to vector<16xi32>
      %swap3A_339 = arith.constant 80 : index
      %swap3A_340 = tpu.vector_load %arg10[%swap3A_339] {strides = array<i32>} : memref<128xi32, #tpu.memory_space<vmem>>, vector<16xi32>,
      %swap3A_341 = vector.shape_cast %swap3A_340 : vector<16xi32> to vector<16xi32>
      %swap3A_342 = vector.shape_cast %get3A_338 : vector<16xi32> to vector<16xi32>
      tpu.vector_store %arg10[%swap3A_339], %swap3A_342 {strides = array<i32>} : memref<128xi32, #tpu.memory_space<vmem>>, vector<16xi32>,
      %get3A_343 = arith.constant 1 : i32
      %get3A_344 = arith.index_cast %get3A_343 : i32 to index
      %get3A_345 = arith.constant 96 : index
      %get3A_346 = tpu.vector_load %arg13[%get3A_344, %get3A_345] {strides = array<i32>} : memref<2x128xi32, #tpu.memory_space<vmem>>, vector<1x16xi32>,
      %get3A_347 = vector.shape_cast %get3A_346 : vector<1x16xi32> to vector<16xi32>
      %mul3A_348 = arith.constant 2 : i32
      %mul3A_349 = vector.broadcast %mul3A_348 : i32 to vector<16xi32>
      %mul3A_350 = arith.muli %get3A_347, %mul3A_349 : vector<16xi32>
      %add3A_351 = vector.broadcast %arg0 : i32 to vector<16xi32>
      %add3A_352 = arith.addi %mul3A_350, %add3A_351 : vector<16xi32>
      %swap3A_353 = arith.constant 96 : index
      %swap3A_354 = tpu.vector_load %arg8[%swap3A_353] {strides = array<i32>} : memref<128xi32, #tpu.memory_space<vmem>>, vector<16xi32>,
      %swap3A_355 = vector.shape_cast %swap3A_354 : vector<16xi32> to vector<16xi32>
      %swap3A_356 = vector.shape_cast %add3A_352 : vector<16xi32> to vector<16xi32>
      tpu.vector_store %arg8[%swap3A_353], %swap3A_356 {strides = array<i32>} : memref<128xi32, #tpu.memory_space<vmem>>, vector<16xi32>,
      %get3A_357 = arith.constant 1 : i32
      %get3A_358 = arith.index_cast %get3A_357 : i32 to index
      %get3A_359 = arith.constant 96 : index
      %get3A_360 = tpu.vector_load %arg15[%get3A_358, %get3A_359] {strides = array<i32>} : memref<2x128xi32, #tpu.memory_space<vmem>>, vector<1x16xi32>,
      %get3A_361 = vector.shape_cast %get3A_360 : vector<1x16xi32> to vector<16xi32>
      %swap3A_362 = arith.constant 96 : index
      %swap3A_363 = tpu.vector_load %arg10[%swap3A_362] {strides = array<i32>} : memref<128xi32, #tpu.memory_space<vmem>>, vector<16xi32>,
      %swap3A_364 = vector.shape_cast %swap3A_363 : vector<16xi32> to vector<16xi32>
      %swap3A_365 = vector.shape_cast %get3A_361 : vector<16xi32> to vector<16xi32>
      tpu.vector_store %arg10[%swap3A_362], %swap3A_365 {strides = array<i32>} : memref<128xi32, #tpu.memory_space<vmem>>, vector<16xi32>,
      %get3A_366 = arith.constant 1 : i32
      %get3A_367 = arith.index_cast %get3A_366 : i32 to index
      %get3A_368 = arith.constant 112 : index
      %get3A_369 = tpu.vector_load %arg13[%get3A_367, %get3A_368] {strides = array<i32>} : memref<2x128xi32, #tpu.memory_space<vmem>>, vector<1x16xi32>,
      %get3A_370 = vector.shape_cast %get3A_369 : vector<1x16xi32> to vector<16xi32>
      %mul3A_371 = arith.constant 2 : i32
      %mul3A_372 = vector.broadcast %mul3A_371 : i32 to vector<16xi32>
      %mul3A_373 = arith.muli %get3A_370, %mul3A_372 : vector<16xi32>
      %add3A_374 = vector.broadcast %arg0 : i32 to vector<16xi32>
      %add3A_375 = arith.addi %mul3A_373, %add3A_374 : vector<16xi32>
      %swap3A_376 = arith.constant 112 : index
      %swap3A_377 = tpu.vector_load %arg8[%swap3A_376] {strides = array<i32>} : memref<128xi32, #tpu.memory_space<vmem>>, vector<16xi32>,
      %swap3A_378 = vector.shape_cast %swap3A_377 : vector<16xi32> to vector<16xi32>
      %swap3A_379 = vector.shape_cast %add3A_375 : vector<16xi32> to vector<16xi32>
      tpu.vector_store %arg8[%swap3A_376], %swap3A_379 {strides = array<i32>} : memref<128xi32, #tpu.memory_space<vmem>>, vector<16xi32>,
      %get3A_380 = arith.constant 1 : i32
      %get3A_381 = arith.index_cast %get3A_380 : i32 to index
      %get3A_382 = arith.constant 112 : index
      %get3A_383 = tpu.vector_load %arg15[%get3A_381, %get3A_382] {strides = array<i32>} : memref<2x128xi32, #tpu.memory_space<vmem>>, vector<1x16xi32>,
      %get3A_384 = vector.shape_cast %get3A_383 : vector<1x16xi32> to vector<16xi32>
      %swap3A_385 = arith.constant 112 : index
      %swap3A_386 = tpu.vector_load %arg10[%swap3A_385] {strides = array<i32>} : memref<128xi32, #tpu.memory_space<vmem>>, vector<16xi32>,
      %swap3A_387 = vector.shape_cast %swap3A_386 : vector<16xi32> to vector<16xi32>
      %swap3A_388 = vector.shape_cast %get3A_384 : vector<16xi32> to vector<16xi32>
      tpu.vector_store %arg10[%swap3A_385], %swap3A_388 {strides = array<i32>} : memref<128xi32, #tpu.memory_space<vmem>>, vector<16xi32>,
      %dma_start3A_389 = arith.constant 0 : i32
      %dma_start3A_390 = arith.constant 0 : i32
      %dma_start3A_391 = tpu.memref_slice %arg2[%dma_start3A_389, %dma_start3A_390] : memref<20480x128xf32, #tpu.memory_space<hbm>> -> memref<20480x128xf32, #tpu.memory_space<hbm>>
      tpu.enqueue_indirect_dma source(%dma_start3A_391 : memref<20480x128xf32, #tpu.memory_space<hbm>>) target(%arg12 : memref<128x128xf32, #tpu.memory_space<vmem>>) offsets(%arg8 : memref<128xi32, #tpu.memory_space<vmem>>) semaphore(%arg19 : memref<!tpu.dma_semaphore, #tpu.memory_space<semaphore_mem>>)
      %add3A_392 = arith.constant 2 : i32
      %add3A_393 = arith.addi %add3A_20, %add3A_392 : i32
      "tpu.region"() ({
        %run_scoped3A = tpu.sem_alloc : memref<!tpu.dma_semaphore, #tpu.memory_space<semaphore_mem>>
        %dma_start3A_803 = arith.constant 0 : i32
        %dma_start3A_804 = tpu.memref_slice %arg3[%add3A_393, %dma_start3A_803] : memref<1280x128xi32, #tpu.memory_space<hbm>> -> memref<2x128xi32, #tpu.memory_space<hbm>>
        %dma_start3A_805 = arith.constant 0 : i32
        %dma_start3A_806 = tpu.memref_slice %arg3[%add3A_393, %dma_start3A_805] : memref<1280x128xi32, #tpu.memory_space<hbm>> -> memref<2x128xi32, #tpu.memory_space<hbm>>
        tpu.enqueue_dma source(%dma_start3A_806 : memref<2x128xi32, #tpu.memory_space<hbm>>) target(%arg14 : memref<2x128xi32, #tpu.memory_space<vmem>>) target_semaphore(%run_scoped3A : memref<!tpu.dma_semaphore, #tpu.memory_space<semaphore_mem>>)
        %dma_wait3A_807 = arith.constant 0 : i32
        %dma_wait3A_808 = tpu.memref_slice %arg3[%add3A_393, %dma_wait3A_807] : memref<1280x128xi32, #tpu.memory_space<hbm>> -> memref<2x128xi32, #tpu.memory_space<hbm>>
        %dma_wait3A_809 = arith.constant 0 : i32
        %dma_wait3A_810 = tpu.memref_slice %arg3[%add3A_393, %dma_wait3A_809] : memref<1280x128xi32, #tpu.memory_space<hbm>> -> memref<2x128xi32, #tpu.memory_space<hbm>>
        tpu.wait_dma2 semaphore(%run_scoped3A : memref<!tpu.dma_semaphore, #tpu.memory_space<semaphore_mem>>) src(%dma_wait3A_810 : memref<2x128xi32, #tpu.memory_space<hbm>>) dst(%arg14 : memref<2x128xi32, #tpu.memory_space<vmem>>)
        tpu.yield
      }) : () -> ()
      "tpu.region"() ({
        %run_scoped3A = tpu.sem_alloc : memref<!tpu.dma_semaphore, #tpu.memory_space<semaphore_mem>>
        %dma_start3A_803 = arith.constant 0 : i32
        %dma_start3A_804 = tpu.memref_slice %arg4[%add3A_393, %dma_start3A_803] : memref<1280x128xi32, #tpu.memory_space<hbm>> -> memref<2x128xi32, #tpu.memory_space<hbm>>
        %dma_start3A_805 = arith.constant 0 : i32
        %dma_start3A_806 = tpu.memref_slice %arg4[%add3A_393, %dma_start3A_805] : memref<1280x128xi32, #tpu.memory_space<hbm>> -> memref<2x128xi32, #tpu.memory_space<hbm>>
        tpu.enqueue_dma source(%dma_start3A_806 : memref<2x128xi32, #tpu.memory_space<hbm>>) target(%arg16 : memref<2x128xi32, #tpu.memory_space<vmem>>) target_semaphore(%run_scoped3A : memref<!tpu.dma_semaphore, #tpu.memory_space<semaphore_mem>>)
        %dma_wait3A_807 = arith.constant 0 : i32
        %dma_wait3A_808 = tpu.memref_slice %arg4[%add3A_393, %dma_wait3A_807] : memref<1280x128xi32, #tpu.memory_space<hbm>> -> memref<2x128xi32, #tpu.memory_space<hbm>>
        %dma_wait3A_809 = arith.constant 0 : i32
        %dma_wait3A_810 = tpu.memref_slice %arg4[%add3A_393, %dma_wait3A_809] : memref<1280x128xi32, #tpu.memory_space<hbm>> -> memref<2x128xi32, #tpu.memory_space<hbm>>
        tpu.wait_dma2 semaphore(%run_scoped3A : memref<!tpu.dma_semaphore, #tpu.memory_space<semaphore_mem>>) src(%dma_wait3A_810 : memref<2x128xi32, #tpu.memory_space<hbm>>) dst(%arg16 : memref<2x128xi32, #tpu.memory_space<vmem>>)
        tpu.yield
      }) : () -> ()
      %dma_wait3A = arith.constant 0 : i32
      %dma_wait3A_394 = arith.constant 0 : i32
      %dma_wait3A_395 = tpu.memref_slice %arg2[%dma_wait3A, %dma_wait3A_394] : memref<20480x128xf32, #tpu.memory_space<hbm>> -> memref<20480x128xf32, #tpu.memory_space<hbm>>
      tpu.wait_indirect_dma semaphore(%arg18 : memref<!tpu.dma_semaphore, #tpu.memory_space<semaphore_mem>>) src(%dma_wait3A_395 : memref<20480x128xf32, #tpu.memory_space<hbm>>) dst(%arg11 : memref<128x128xf32, #tpu.memory_space<vmem>>)
      %dma_start3A_396 = arith.constant 0 : i32
      %dma_start3A_397 = arith.constant 0 : i32
      %dma_start3A_398 = tpu.memref_slice %arg17[%dma_start3A_396, %dma_start3A_397] : memref<10240x128xf32, #tpu.memory_space<vmem_shared>> -> memref<10240x128xf32, #tpu.memory_space<vmem_shared>>
      tpu.enqueue_indirect_dma source(%arg11 : memref<128x128xf32, #tpu.memory_space<vmem>>) target(%dma_start3A_398 : memref<10240x128xf32, #tpu.memory_space<vmem_shared>>) offsets(%arg9 : memref<128xi32, #tpu.memory_space<vmem>>) semaphore(%arg20 : memref<!tpu.dma_semaphore, #tpu.memory_space<semaphore_mem>>) {add = true}
      %dma_wait3A_399 = arith.constant 0 : i32
      %dma_wait3A_400 = arith.constant 0 : i32
      %dma_wait3A_401 = tpu.memref_slice %arg2[%dma_wait3A_399, %dma_wait3A_400] : memref<20480x128xf32, #tpu.memory_space<hbm>> -> memref<20480x128xf32, #tpu.memory_space<hbm>>
      tpu.wait_indirect_dma semaphore(%arg19 : memref<!tpu.dma_semaphore, #tpu.memory_space<semaphore_mem>>) src(%dma_wait3A_401 : memref<20480x128xf32, #tpu.memory_space<hbm>>) dst(%arg12 : memref<128x128xf32, #tpu.memory_space<vmem>>)
      %dma_start3A_402 = arith.constant 0 : i32
      %dma_start3A_403 = arith.constant 0 : i32
      %dma_start3A_404 = tpu.memref_slice %arg17[%dma_start3A_402, %dma_start3A_403] : memref<10240x128xf32, #tpu.memory_space<vmem_shared>> -> memref<10240x128xf32, #tpu.memory_space<vmem_shared>>
      tpu.enqueue_indirect_dma source(%arg12 : memref<128x128xf32, #tpu.memory_space<vmem>>) target(%dma_start3A_404 : memref<10240x128xf32, #tpu.memory_space<vmem_shared>>) offsets(%arg10 : memref<128xi32, #tpu.memory_space<vmem>>) semaphore(%arg21 : memref<!tpu.dma_semaphore, #tpu.memory_space<semaphore_mem>>) {add = true}
      %dma_wait3A_405 = arith.constant 0 : i32
      %dma_wait3A_406 = arith.constant 0 : i32
      %dma_wait3A_407 = tpu.memref_slice %arg17[%dma_wait3A_405, %dma_wait3A_406] : memref<10240x128xf32, #tpu.memory_space<vmem_shared>> -> memref<10240x128xf32, #tpu.memory_space<vmem_shared>>
      tpu.wait_indirect_dma semaphore(%arg20 : memref<!tpu.dma_semaphore, #tpu.memory_space<semaphore_mem>>) src(%arg11 : memref<128x128xf32, #tpu.memory_space<vmem>>) dst(%dma_wait3A_407 : memref<10240x128xf32, #tpu.memory_space<vmem_shared>>)
      %get3A_408 = arith.constant 0 : i32
      %get3A_409 = arith.index_cast %get3A_408 : i32 to index
      %get3A_410 = arith.constant 0 : index
      %get3A_411 = tpu.vector_load %arg14[%get3A_409, %get3A_410] {strides = array<i32>} : memref<2x128xi32, #tpu.memory_space<vmem>>, vector<1x16xi32>,
      %get3A_412 = vector.shape_cast %get3A_411 : vector<1x16xi32> to vector<16xi32>
      %mul3A_413 = arith.constant 2 : i32
      %mul3A_414 = vector.broadcast %mul3A_413 : i32 to vector<16xi32>
      %mul3A_415 = arith.muli %get3A_412, %mul3A_414 : vector<16xi32>
      %add3A_416 = vector.broadcast %arg0 : i32 to vector<16xi32>
      %add3A_417 = arith.addi %mul3A_415, %add3A_416 : vector<16xi32>
      %swap3A_418 = arith.constant 0 : index
      %swap3A_419 = tpu.vector_load %arg7[%swap3A_418] {strides = array<i32>} : memref<128xi32, #tpu.memory_space<vmem>>, vector<16xi32>,
      %swap3A_420 = vector.shape_cast %swap3A_419 : vector<16xi32> to vector<16xi32>
      %swap3A_421 = vector.shape_cast %add3A_417 : vector<16xi32> to vector<16xi32>
      tpu.vector_store %arg7[%swap3A_418], %swap3A_421 {strides = array<i32>} : memref<128xi32, #tpu.memory_space<vmem>>, vector<16xi32>,
      %get3A_422 = arith.constant 0 : i32
      %get3A_423 = arith.index_cast %get3A_422 : i32 to index
      %get3A_424 = arith.constant 0 : index
      %get3A_425 = tpu.vector_load %arg16[%get3A_423, %get3A_424] {strides = array<i32>} : memref<2x128xi32, #tpu.memory_space<vmem>>, vector<1x16xi32>,
      %get3A_426 = vector.shape_cast %get3A_425 : vector<1x16xi32> to vector<16xi32>
      %swap3A_427 = arith.constant 0 : index
      %swap3A_428 = tpu.vector_load %arg9[%swap3A_427] {strides = array<i32>} : memref<128xi32, #tpu.memory_space<vmem>>, vector<16xi32>,
      %swap3A_429 = vector.shape_cast %swap3A_428 : vector<16xi32> to vector<16xi32>
      %swap3A_430 = vector.shape_cast %get3A_426 : vector<16xi32> to vector<16xi32>
      tpu.vector_store %arg9[%swap3A_427], %swap3A_430 {strides = array<i32>} : memref<128xi32, #tpu.memory_space<vmem>>, vector<16xi32>,
      %get3A_431 = arith.constant 0 : i32
      %get3A_432 = arith.index_cast %get3A_431 : i32 to index
      %get3A_433 = arith.constant 16 : index
      %get3A_434 = tpu.vector_load %arg14[%get3A_432, %get3A_433] {strides = array<i32>} : memref<2x128xi32, #tpu.memory_space<vmem>>, vector<1x16xi32>,
      %get3A_435 = vector.shape_cast %get3A_434 : vector<1x16xi32> to vector<16xi32>
      %mul3A_436 = arith.constant 2 : i32
      %mul3A_437 = vector.broadcast %mul3A_436 : i32 to vector<16xi32>
      %mul3A_438 = arith.muli %get3A_435, %mul3A_437 : vector<16xi32>
      %add3A_439 = vector.broadcast %arg0 : i32 to vector<16xi32>
      %add3A_440 = arith.addi %mul3A_438, %add3A_439 : vector<16xi32>
      %swap3A_441 = arith.constant 16 : index
      %swap3A_442 = tpu.vector_load %arg7[%swap3A_441] {strides = array<i32>} : memref<128xi32, #tpu.memory_space<vmem>>, vector<16xi32>,
      %swap3A_443 = vector.shape_cast %swap3A_442 : vector<16xi32> to vector<16xi32>
      %swap3A_444 = vector.shape_cast %add3A_440 : vector<16xi32> to vector<16xi32>
      tpu.vector_store %arg7[%swap3A_441], %swap3A_444 {strides = array<i32>} : memref<128xi32, #tpu.memory_space<vmem>>, vector<16xi32>,
      %get3A_445 = arith.constant 0 : i32
      %get3A_446 = arith.index_cast %get3A_445 : i32 to index
      %get3A_447 = arith.constant 16 : index
      %get3A_448 = tpu.vector_load %arg16[%get3A_446, %get3A_447] {strides = array<i32>} : memref<2x128xi32, #tpu.memory_space<vmem>>, vector<1x16xi32>,
      %get3A_449 = vector.shape_cast %get3A_448 : vector<1x16xi32> to vector<16xi32>
      %swap3A_450 = arith.constant 16 : index
      %swap3A_451 = tpu.vector_load %arg9[%swap3A_450] {strides = array<i32>} : memref<128xi32, #tpu.memory_space<vmem>>, vector<16xi32>,
      %swap3A_452 = vector.shape_cast %swap3A_451 : vector<16xi32> to vector<16xi32>
      %swap3A_453 = vector.shape_cast %get3A_449 : vector<16xi32> to vector<16xi32>
      tpu.vector_store %arg9[%swap3A_450], %swap3A_453 {strides = array<i32>} : memref<128xi32, #tpu.memory_space<vmem>>, vector<16xi32>,
      %get3A_454 = arith.constant 0 : i32
      %get3A_455 = arith.index_cast %get3A_454 : i32 to index
      %get3A_456 = arith.constant 32 : index
      %get3A_457 = tpu.vector_load %arg14[%get3A_455, %get3A_456] {strides = array<i32>} : memref<2x128xi32, #tpu.memory_space<vmem>>, vector<1x16xi32>,
      %get3A_458 = vector.shape_cast %get3A_457 : vector<1x16xi32> to vector<16xi32>
      %mul3A_459 = arith.constant 2 : i32
      %mul3A_460 = vector.broadcast %mul3A_459 : i32 to vector<16xi32>
      %mul3A_461 = arith.muli %get3A_458, %mul3A_460 : vector<16xi32>
      %add3A_462 = vector.broadcast %arg0 : i32 to vector<16xi32>
      %add3A_463 = arith.addi %mul3A_461, %add3A_462 : vector<16xi32>
      %swap3A_464 = arith.constant 32 : index
      %swap3A_465 = tpu.vector_load %arg7[%swap3A_464] {strides = array<i32>} : memref<128xi32, #tpu.memory_space<vmem>>, vector<16xi32>,
      %swap3A_466 = vector.shape_cast %swap3A_465 : vector<16xi32> to vector<16xi32>
      %swap3A_467 = vector.shape_cast %add3A_463 : vector<16xi32> to vector<16xi32>
      tpu.vector_store %arg7[%swap3A_464], %swap3A_467 {strides = array<i32>} : memref<128xi32, #tpu.memory_space<vmem>>, vector<16xi32>,
      %get3A_468 = arith.constant 0 : i32
      %get3A_469 = arith.index_cast %get3A_468 : i32 to index
      %get3A_470 = arith.constant 32 : index
      %get3A_471 = tpu.vector_load %arg16[%get3A_469, %get3A_470] {strides = array<i32>} : memref<2x128xi32, #tpu.memory_space<vmem>>, vector<1x16xi32>,
      %get3A_472 = vector.shape_cast %get3A_471 : vector<1x16xi32> to vector<16xi32>
      %swap3A_473 = arith.constant 32 : index
      %swap3A_474 = tpu.vector_load %arg9[%swap3A_473] {strides = array<i32>} : memref<128xi32, #tpu.memory_space<vmem>>, vector<16xi32>,
      %swap3A_475 = vector.shape_cast %swap3A_474 : vector<16xi32> to vector<16xi32>
      %swap3A_476 = vector.shape_cast %get3A_472 : vector<16xi32> to vector<16xi32>
      tpu.vector_store %arg9[%swap3A_473], %swap3A_476 {strides = array<i32>} : memref<128xi32, #tpu.memory_space<vmem>>, vector<16xi32>,
      %get3A_477 = arith.constant 0 : i32
      %get3A_478 = arith.index_cast %get3A_477 : i32 to index
      %get3A_479 = arith.constant 48 : index
      %get3A_480 = tpu.vector_load %arg14[%get3A_478, %get3A_479] {strides = array<i32>} : memref<2x128xi32, #tpu.memory_space<vmem>>, vector<1x16xi32>,
      %get3A_481 = vector.shape_cast %get3A_480 : vector<1x16xi32> to vector<16xi32>
      %mul3A_482 = arith.constant 2 : i32
      %mul3A_483 = vector.broadcast %mul3A_482 : i32 to vector<16xi32>
      %mul3A_484 = arith.muli %get3A_481, %mul3A_483 : vector<16xi32>
      %add3A_485 = vector.broadcast %arg0 : i32 to vector<16xi32>
      %add3A_486 = arith.addi %mul3A_484, %add3A_485 : vector<16xi32>
      %swap3A_487 = arith.constant 48 : index
      %swap3A_488 = tpu.vector_load %arg7[%swap3A_487] {strides = array<i32>} : memref<128xi32, #tpu.memory_space<vmem>>, vector<16xi32>,
      %swap3A_489 = vector.shape_cast %swap3A_488 : vector<16xi32> to vector<16xi32>
      %swap3A_490 = vector.shape_cast %add3A_486 : vector<16xi32> to vector<16xi32>
      tpu.vector_store %arg7[%swap3A_487], %swap3A_490 {strides = array<i32>} : memref<128xi32, #tpu.memory_space<vmem>>, vector<16xi32>,
      %get3A_491 = arith.constant 0 : i32
      %get3A_492 = arith.index_cast %get3A_491 : i32 to index
      %get3A_493 = arith.constant 48 : index
      %get3A_494 = tpu.vector_load %arg16[%get3A_492, %get3A_493] {strides = array<i32>} : memref<2x128xi32, #tpu.memory_space<vmem>>, vector<1x16xi32>,
      %get3A_495 = vector.shape_cast %get3A_494 : vector<1x16xi32> to vector<16xi32>
      %swap3A_496 = arith.constant 48 : index
      %swap3A_497 = tpu.vector_load %arg9[%swap3A_496] {strides = array<i32>} : memref<128xi32, #tpu.memory_space<vmem>>, vector<16xi32>,
      %swap3A_498 = vector.shape_cast %swap3A_497 : vector<16xi32> to vector<16xi32>
      %swap3A_499 = vector.shape_cast %get3A_495 : vector<16xi32> to vector<16xi32>
      tpu.vector_store %arg9[%swap3A_496], %swap3A_499 {strides = array<i32>} : memref<128xi32, #tpu.memory_space<vmem>>, vector<16xi32>,
      %get3A_500 = arith.constant 0 : i32
      %get3A_501 = arith.index_cast %get3A_500 : i32 to index
      %get3A_502 = arith.constant 64 : index
      %get3A_503 = tpu.vector_load %arg14[%get3A_501, %get3A_502] {strides = array<i32>} : memref<2x128xi32, #tpu.memory_space<vmem>>, vector<1x16xi32>,
      %get3A_504 = vector.shape_cast %get3A_503 : vector<1x16xi32> to vector<16xi32>
      %mul3A_505 = arith.constant 2 : i32
      %mul3A_506 = vector.broadcast %mul3A_505 : i32 to vector<16xi32>
      %mul3A_507 = arith.muli %get3A_504, %mul3A_506 : vector<16xi32>
      %add3A_508 = vector.broadcast %arg0 : i32 to vector<16xi32>
      %add3A_509 = arith.addi %mul3A_507, %add3A_508 : vector<16xi32>
      %swap3A_510 = arith.constant 64 : index
      %swap3A_511 = tpu.vector_load %arg7[%swap3A_510] {strides = array<i32>} : memref<128xi32, #tpu.memory_space<vmem>>, vector<16xi32>,
      %swap3A_512 = vector.shape_cast %swap3A_511 : vector<16xi32> to vector<16xi32>
      %swap3A_513 = vector.shape_cast %add3A_509 : vector<16xi32> to vector<16xi32>
      tpu.vector_store %arg7[%swap3A_510], %swap3A_513 {strides = array<i32>} : memref<128xi32, #tpu.memory_space<vmem>>, vector<16xi32>,
      %get3A_514 = arith.constant 0 : i32
      %get3A_515 = arith.index_cast %get3A_514 : i32 to index
      %get3A_516 = arith.constant 64 : index
      %get3A_517 = tpu.vector_load %arg16[%get3A_515, %get3A_516] {strides = array<i32>} : memref<2x128xi32, #tpu.memory_space<vmem>>, vector<1x16xi32>,
      %get3A_518 = vector.shape_cast %get3A_517 : vector<1x16xi32> to vector<16xi32>
      %swap3A_519 = arith.constant 64 : index
      %swap3A_520 = tpu.vector_load %arg9[%swap3A_519] {strides = array<i32>} : memref<128xi32, #tpu.memory_space<vmem>>, vector<16xi32>,
      %swap3A_521 = vector.shape_cast %swap3A_520 : vector<16xi32> to vector<16xi32>
      %swap3A_522 = vector.shape_cast %get3A_518 : vector<16xi32> to vector<16xi32>
      tpu.vector_store %arg9[%swap3A_519], %swap3A_522 {strides = array<i32>} : memref<128xi32, #tpu.memory_space<vmem>>, vector<16xi32>,
      %get3A_523 = arith.constant 0 : i32
      %get3A_524 = arith.index_cast %get3A_523 : i32 to index
      %get3A_525 = arith.constant 80 : index
      %get3A_526 = tpu.vector_load %arg14[%get3A_524, %get3A_525] {strides = array<i32>} : memref<2x128xi32, #tpu.memory_space<vmem>>, vector<1x16xi32>,
      %get3A_527 = vector.shape_cast %get3A_526 : vector<1x16xi32> to vector<16xi32>
      %mul3A_528 = arith.constant 2 : i32
      %mul3A_529 = vector.broadcast %mul3A_528 : i32 to vector<16xi32>
      %mul3A_530 = arith.muli %get3A_527, %mul3A_529 : vector<16xi32>
      %add3A_531 = vector.broadcast %arg0 : i32 to vector<16xi32>
      %add3A_532 = arith.addi %mul3A_530, %add3A_531 : vector<16xi32>
      %swap3A_533 = arith.constant 80 : index
      %swap3A_534 = tpu.vector_load %arg7[%swap3A_533] {strides = array<i32>} : memref<128xi32, #tpu.memory_space<vmem>>, vector<16xi32>,
      %swap3A_535 = vector.shape_cast %swap3A_534 : vector<16xi32> to vector<16xi32>
      %swap3A_536 = vector.shape_cast %add3A_532 : vector<16xi32> to vector<16xi32>
      tpu.vector_store %arg7[%swap3A_533], %swap3A_536 {strides = array<i32>} : memref<128xi32, #tpu.memory_space<vmem>>, vector<16xi32>,
      %get3A_537 = arith.constant 0 : i32
      %get3A_538 = arith.index_cast %get3A_537 : i32 to index
      %get3A_539 = arith.constant 80 : index
      %get3A_540 = tpu.vector_load %arg16[%get3A_538, %get3A_539] {strides = array<i32>} : memref<2x128xi32, #tpu.memory_space<vmem>>, vector<1x16xi32>,
      %get3A_541 = vector.shape_cast %get3A_540 : vector<1x16xi32> to vector<16xi32>
      %swap3A_542 = arith.constant 80 : index
      %swap3A_543 = tpu.vector_load %arg9[%swap3A_542] {strides = array<i32>} : memref<128xi32, #tpu.memory_space<vmem>>, vector<16xi32>,
      %swap3A_544 = vector.shape_cast %swap3A_543 : vector<16xi32> to vector<16xi32>
      %swap3A_545 = vector.shape_cast %get3A_541 : vector<16xi32> to vector<16xi32>
      tpu.vector_store %arg9[%swap3A_542], %swap3A_545 {strides = array<i32>} : memref<128xi32, #tpu.memory_space<vmem>>, vector<16xi32>,
      %get3A_546 = arith.constant 0 : i32
      %get3A_547 = arith.index_cast %get3A_546 : i32 to index
      %get3A_548 = arith.constant 96 : index
      %get3A_549 = tpu.vector_load %arg14[%get3A_547, %get3A_548] {strides = array<i32>} : memref<2x128xi32, #tpu.memory_space<vmem>>, vector<1x16xi32>,
      %get3A_550 = vector.shape_cast %get3A_549 : vector<1x16xi32> to vector<16xi32>
      %mul3A_551 = arith.constant 2 : i32
      %mul3A_552 = vector.broadcast %mul3A_551 : i32 to vector<16xi32>
      %mul3A_553 = arith.muli %get3A_550, %mul3A_552 : vector<16xi32>
      %add3A_554 = vector.broadcast %arg0 : i32 to vector<16xi32>
      %add3A_555 = arith.addi %mul3A_553, %add3A_554 : vector<16xi32>
      %swap3A_556 = arith.constant 96 : index
      %swap3A_557 = tpu.vector_load %arg7[%swap3A_556] {strides = array<i32>} : memref<128xi32, #tpu.memory_space<vmem>>, vector<16xi32>,
      %swap3A_558 = vector.shape_cast %swap3A_557 : vector<16xi32> to vector<16xi32>
      %swap3A_559 = vector.shape_cast %add3A_555 : vector<16xi32> to vector<16xi32>
      tpu.vector_store %arg7[%swap3A_556], %swap3A_559 {strides = array<i32>} : memref<128xi32, #tpu.memory_space<vmem>>, vector<16xi32>,
      %get3A_560 = arith.constant 0 : i32
      %get3A_561 = arith.index_cast %get3A_560 : i32 to index
      %get3A_562 = arith.constant 96 : index
      %get3A_563 = tpu.vector_load %arg16[%get3A_561, %get3A_562] {strides = array<i32>} : memref<2x128xi32, #tpu.memory_space<vmem>>, vector<1x16xi32>,
      %get3A_564 = vector.shape_cast %get3A_563 : vector<1x16xi32> to vector<16xi32>
      %swap3A_565 = arith.constant 96 : index
      %swap3A_566 = tpu.vector_load %arg9[%swap3A_565] {strides = array<i32>} : memref<128xi32, #tpu.memory_space<vmem>>, vector<16xi32>,
      %swap3A_567 = vector.shape_cast %swap3A_566 : vector<16xi32> to vector<16xi32>
      %swap3A_568 = vector.shape_cast %get3A_564 : vector<16xi32> to vector<16xi32>
      tpu.vector_store %arg9[%swap3A_565], %swap3A_568 {strides = array<i32>} : memref<128xi32, #tpu.memory_space<vmem>>, vector<16xi32>,
      %get3A_569 = arith.constant 0 : i32
      %get3A_570 = arith.index_cast %get3A_569 : i32 to index
      %get3A_571 = arith.constant 112 : index
      %get3A_572 = tpu.vector_load %arg14[%get3A_570, %get3A_571] {strides = array<i32>} : memref<2x128xi32, #tpu.memory_space<vmem>>, vector<1x16xi32>,
      %get3A_573 = vector.shape_cast %get3A_572 : vector<1x16xi32> to vector<16xi32>
      %mul3A_574 = arith.constant 2 : i32
      %mul3A_575 = vector.broadcast %mul3A_574 : i32 to vector<16xi32>
      %mul3A_576 = arith.muli %get3A_573, %mul3A_575 : vector<16xi32>
      %add3A_577 = vector.broadcast %arg0 : i32 to vector<16xi32>
      %add3A_578 = arith.addi %mul3A_576, %add3A_577 : vector<16xi32>
      %swap3A_579 = arith.constant 112 : index
      %swap3A_580 = tpu.vector_load %arg7[%swap3A_579] {strides = array<i32>} : memref<128xi32, #tpu.memory_space<vmem>>, vector<16xi32>,
      %swap3A_581 = vector.shape_cast %swap3A_580 : vector<16xi32> to vector<16xi32>
      %swap3A_582 = vector.shape_cast %add3A_578 : vector<16xi32> to vector<16xi32>
      tpu.vector_store %arg7[%swap3A_579], %swap3A_582 {strides = array<i32>} : memref<128xi32, #tpu.memory_space<vmem>>, vector<16xi32>,
      %get3A_583 = arith.constant 0 : i32
      %get3A_584 = arith.index_cast %get3A_583 : i32 to index
      %get3A_585 = arith.constant 112 : index
      %get3A_586 = tpu.vector_load %arg16[%get3A_584, %get3A_585] {strides = array<i32>} : memref<2x128xi32, #tpu.memory_space<vmem>>, vector<1x16xi32>,
      %get3A_587 = vector.shape_cast %get3A_586 : vector<1x16xi32> to vector<16xi32>
      %swap3A_588 = arith.constant 112 : index
      %swap3A_589 = tpu.vector_load %arg9[%swap3A_588] {strides = array<i32>} : memref<128xi32, #tpu.memory_space<vmem>>, vector<16xi32>,
      %swap3A_590 = vector.shape_cast %swap3A_589 : vector<16xi32> to vector<16xi32>
      %swap3A_591 = vector.shape_cast %get3A_587 : vector<16xi32> to vector<16xi32>
      tpu.vector_store %arg9[%swap3A_588], %swap3A_591 {strides = array<i32>} : memref<128xi32, #tpu.memory_space<vmem>>, vector<16xi32>,
      %dma_start3A_592 = arith.constant 0 : i32
      %dma_start3A_593 = arith.constant 0 : i32
      %dma_start3A_594 = tpu.memref_slice %arg2[%dma_start3A_592, %dma_start3A_593] : memref<20480x128xf32, #tpu.memory_space<hbm>> -> memref<20480x128xf32, #tpu.memory_space<hbm>>
      tpu.enqueue_indirect_dma source(%dma_start3A_594 : memref<20480x128xf32, #tpu.memory_space<hbm>>) target(%arg11 : memref<128x128xf32, #tpu.memory_space<vmem>>) offsets(%arg7 : memref<128xi32, #tpu.memory_space<vmem>>) semaphore(%arg18 : memref<!tpu.dma_semaphore, #tpu.memory_space<semaphore_mem>>)
      %dma_wait3A_595 = arith.constant 0 : i32
      %dma_wait3A_596 = arith.constant 0 : i32
      %dma_wait3A_597 = tpu.memref_slice %arg17[%dma_wait3A_595, %dma_wait3A_596] : memref<10240x128xf32, #tpu.memory_space<vmem_shared>> -> memref<10240x128xf32, #tpu.memory_space<vmem_shared>>
      tpu.wait_indirect_dma semaphore(%arg21 : memref<!tpu.dma_semaphore, #tpu.memory_space<semaphore_mem>>) src(%arg12 : memref<128x128xf32, #tpu.memory_space<vmem>>) dst(%dma_wait3A_597 : memref<10240x128xf32, #tpu.memory_space<vmem_shared>>)
      %get3A_598 = arith.constant 1 : i32
      %get3A_599 = arith.index_cast %get3A_598 : i32 to index
      %get3A_600 = arith.constant 0 : index
      %get3A_601 = tpu.vector_load %arg14[%get3A_599, %get3A_600] {strides = array<i32>} : memref<2x128xi32, #tpu.memory_space<vmem>>, vector<1x16xi32>,
      %get3A_602 = vector.shape_cast %get3A_601 : vector<1x16xi32> to vector<16xi32>
      %mul3A_603 = arith.constant 2 : i32
      %mul3A_604 = vector.broadcast %mul3A_603 : i32 to vector<16xi32>
      %mul3A_605 = arith.muli %get3A_602, %mul3A_604 : vector<16xi32>
      %add3A_606 = vector.broadcast %arg0 : i32 to vector<16xi32>
      %add3A_607 = arith.addi %mul3A_605, %add3A_606 : vector<16xi32>
      %swap3A_608 = arith.constant 0 : index
      %swap3A_609 = tpu.vector_load %arg8[%swap3A_608] {strides = array<i32>} : memref<128xi32, #tpu.memory_space<vmem>>, vector<16xi32>,
      %swap3A_610 = vector.shape_cast %swap3A_609 : vector<16xi32> to vector<16xi32>
      %swap3A_611 = vector.shape_cast %add3A_607 : vector<16xi32> to vector<16xi32>
      tpu.vector_store %arg8[%swap3A_608], %swap3A_611 {strides = array<i32>} : memref<128xi32, #tpu.memory_space<vmem>>, vector<16xi32>,
      %get3A_612 = arith.constant 1 : i32
      %get3A_613 = arith.index_cast %get3A_612 : i32 to index
      %get3A_614 = arith.constant 0 : index
      %get3A_615 = tpu.vector_load %arg16[%get3A_613, %get3A_614] {strides = array<i32>} : memref<2x128xi32, #tpu.memory_space<vmem>>, vector<1x16xi32>,
      %get3A_616 = vector.shape_cast %get3A_615 : vector<1x16xi32> to vector<16xi32>
      %swap3A_617 = arith.constant 0 : index
      %swap3A_618 = tpu.vector_load %arg10[%swap3A_617] {strides = array<i32>} : memref<128xi32, #tpu.memory_space<vmem>>, vector<16xi32>,
      %swap3A_619 = vector.shape_cast %swap3A_618 : vector<16xi32> to vector<16xi32>
      %swap3A_620 = vector.shape_cast %get3A_616 : vector<16xi32> to vector<16xi32>
      tpu.vector_store %arg10[%swap3A_617], %swap3A_620 {strides = array<i32>} : memref<128xi32, #tpu.memory_space<vmem>>, vector<16xi32>,
      %get3A_621 = arith.constant 1 : i32
      %get3A_622 = arith.index_cast %get3A_621 : i32 to index
      %get3A_623 = arith.constant 16 : index
      %get3A_624 = tpu.vector_load %arg14[%get3A_622, %get3A_623] {strides = array<i32>} : memref<2x128xi32, #tpu.memory_space<vmem>>, vector<1x16xi32>,
      %get3A_625 = vector.shape_cast %get3A_624 : vector<1x16xi32> to vector<16xi32>
      %mul3A_626 = arith.constant 2 : i32
      %mul3A_627 = vector.broadcast %mul3A_626 : i32 to vector<16xi32>
      %mul3A_628 = arith.muli %get3A_625, %mul3A_627 : vector<16xi32>
      %add3A_629 = vector.broadcast %arg0 : i32 to vector<16xi32>
      %add3A_630 = arith.addi %mul3A_628, %add3A_629 : vector<16xi32>
      %swap3A_631 = arith.constant 16 : index
      %swap3A_632 = tpu.vector_load %arg8[%swap3A_631] {strides = array<i32>} : memref<128xi32, #tpu.memory_space<vmem>>, vector<16xi32>,
      %swap3A_633 = vector.shape_cast %swap3A_632 : vector<16xi32> to vector<16xi32>
      %swap3A_634 = vector.shape_cast %add3A_630 : vector<16xi32> to vector<16xi32>
      tpu.vector_store %arg8[%swap3A_631], %swap3A_634 {strides = array<i32>} : memref<128xi32, #tpu.memory_space<vmem>>, vector<16xi32>,
      %get3A_635 = arith.constant 1 : i32
      %get3A_636 = arith.index_cast %get3A_635 : i32 to index
      %get3A_637 = arith.constant 16 : index
      %get3A_638 = tpu.vector_load %arg16[%get3A_636, %get3A_637] {strides = array<i32>} : memref<2x128xi32, #tpu.memory_space<vmem>>, vector<1x16xi32>,
      %get3A_639 = vector.shape_cast %get3A_638 : vector<1x16xi32> to vector<16xi32>
      %swap3A_640 = arith.constant 16 : index
      %swap3A_641 = tpu.vector_load %arg10[%swap3A_640] {strides = array<i32>} : memref<128xi32, #tpu.memory_space<vmem>>, vector<16xi32>,
      %swap3A_642 = vector.shape_cast %swap3A_641 : vector<16xi32> to vector<16xi32>
      %swap3A_643 = vector.shape_cast %get3A_639 : vector<16xi32> to vector<16xi32>
      tpu.vector_store %arg10[%swap3A_640], %swap3A_643 {strides = array<i32>} : memref<128xi32, #tpu.memory_space<vmem>>, vector<16xi32>,
      %get3A_644 = arith.constant 1 : i32
      %get3A_645 = arith.index_cast %get3A_644 : i32 to index
      %get3A_646 = arith.constant 32 : index
      %get3A_647 = tpu.vector_load %arg14[%get3A_645, %get3A_646] {strides = array<i32>} : memref<2x128xi32, #tpu.memory_space<vmem>>, vector<1x16xi32>,
      %get3A_648 = vector.shape_cast %get3A_647 : vector<1x16xi32> to vector<16xi32>
      %mul3A_649 = arith.constant 2 : i32
      %mul3A_650 = vector.broadcast %mul3A_649 : i32 to vector<16xi32>
      %mul3A_651 = arith.muli %get3A_648, %mul3A_650 : vector<16xi32>
      %add3A_652 = vector.broadcast %arg0 : i32 to vector<16xi32>
      %add3A_653 = arith.addi %mul3A_651, %add3A_652 : vector<16xi32>
      %swap3A_654 = arith.constant 32 : index
      %swap3A_655 = tpu.vector_load %arg8[%swap3A_654] {strides = array<i32>} : memref<128xi32, #tpu.memory_space<vmem>>, vector<16xi32>,
      %swap3A_656 = vector.shape_cast %swap3A_655 : vector<16xi32> to vector<16xi32>
      %swap3A_657 = vector.shape_cast %add3A_653 : vector<16xi32> to vector<16xi32>
      tpu.vector_store %arg8[%swap3A_654], %swap3A_657 {strides = array<i32>} : memref<128xi32, #tpu.memory_space<vmem>>, vector<16xi32>,
      %get3A_658 = arith.constant 1 : i32
      %get3A_659 = arith.index_cast %get3A_658 : i32 to index
      %get3A_660 = arith.constant 32 : index
      %get3A_661 = tpu.vector_load %arg16[%get3A_659, %get3A_660] {strides = array<i32>} : memref<2x128xi32, #tpu.memory_space<vmem>>, vector<1x16xi32>,
      %get3A_662 = vector.shape_cast %get3A_661 : vector<1x16xi32> to vector<16xi32>
      %swap3A_663 = arith.constant 32 : index
      %swap3A_664 = tpu.vector_load %arg10[%swap3A_663] {strides = array<i32>} : memref<128xi32, #tpu.memory_space<vmem>>, vector<16xi32>,
      %swap3A_665 = vector.shape_cast %swap3A_664 : vector<16xi32> to vector<16xi32>
      %swap3A_666 = vector.shape_cast %get3A_662 : vector<16xi32> to vector<16xi32>
      tpu.vector_store %arg10[%swap3A_663], %swap3A_666 {strides = array<i32>} : memref<128xi32, #tpu.memory_space<vmem>>, vector<16xi32>,
      %get3A_667 = arith.constant 1 : i32
      %get3A_668 = arith.index_cast %get3A_667 : i32 to index
      %get3A_669 = arith.constant 48 : index
      %get3A_670 = tpu.vector_load %arg14[%get3A_668, %get3A_669] {strides = array<i32>} : memref<2x128xi32, #tpu.memory_space<vmem>>, vector<1x16xi32>,
      %get3A_671 = vector.shape_cast %get3A_670 : vector<1x16xi32> to vector<16xi32>
      %mul3A_672 = arith.constant 2 : i32
      %mul3A_673 = vector.broadcast %mul3A_672 : i32 to vector<16xi32>
      %mul3A_674 = arith.muli %get3A_671, %mul3A_673 : vector<16xi32>
      %add3A_675 = vector.broadcast %arg0 : i32 to vector<16xi32>
      %add3A_676 = arith.addi %mul3A_674, %add3A_675 : vector<16xi32>
      %swap3A_677 = arith.constant 48 : index
      %swap3A_678 = tpu.vector_load %arg8[%swap3A_677] {strides = array<i32>} : memref<128xi32, #tpu.memory_space<vmem>>, vector<16xi32>,
      %swap3A_679 = vector.shape_cast %swap3A_678 : vector<16xi32> to vector<16xi32>
      %swap3A_680 = vector.shape_cast %add3A_676 : vector<16xi32> to vector<16xi32>
      tpu.vector_store %arg8[%swap3A_677], %swap3A_680 {strides = array<i32>} : memref<128xi32, #tpu.memory_space<vmem>>, vector<16xi32>,
      %get3A_681 = arith.constant 1 : i32
      %get3A_682 = arith.index_cast %get3A_681 : i32 to index
      %get3A_683 = arith.constant 48 : index
      %get3A_684 = tpu.vector_load %arg16[%get3A_682, %get3A_683] {strides = array<i32>} : memref<2x128xi32, #tpu.memory_space<vmem>>, vector<1x16xi32>,
      %get3A_685 = vector.shape_cast %get3A_684 : vector<1x16xi32> to vector<16xi32>
      %swap3A_686 = arith.constant 48 : index
      %swap3A_687 = tpu.vector_load %arg10[%swap3A_686] {strides = array<i32>} : memref<128xi32, #tpu.memory_space<vmem>>, vector<16xi32>,
      %swap3A_688 = vector.shape_cast %swap3A_687 : vector<16xi32> to vector<16xi32>
      %swap3A_689 = vector.shape_cast %get3A_685 : vector<16xi32> to vector<16xi32>
      tpu.vector_store %arg10[%swap3A_686], %swap3A_689 {strides = array<i32>} : memref<128xi32, #tpu.memory_space<vmem>>, vector<16xi32>,
      %get3A_690 = arith.constant 1 : i32
      %get3A_691 = arith.index_cast %get3A_690 : i32 to index
      %get3A_692 = arith.constant 64 : index
      %get3A_693 = tpu.vector_load %arg14[%get3A_691, %get3A_692] {strides = array<i32>} : memref<2x128xi32, #tpu.memory_space<vmem>>, vector<1x16xi32>,
      %get3A_694 = vector.shape_cast %get3A_693 : vector<1x16xi32> to vector<16xi32>
      %mul3A_695 = arith.constant 2 : i32
      %mul3A_696 = vector.broadcast %mul3A_695 : i32 to vector<16xi32>
      %mul3A_697 = arith.muli %get3A_694, %mul3A_696 : vector<16xi32>
      %add3A_698 = vector.broadcast %arg0 : i32 to vector<16xi32>
      %add3A_699 = arith.addi %mul3A_697, %add3A_698 : vector<16xi32>
      %swap3A_700 = arith.constant 64 : index
      %swap3A_701 = tpu.vector_load %arg8[%swap3A_700] {strides = array<i32>} : memref<128xi32, #tpu.memory_space<vmem>>, vector<16xi32>,
      %swap3A_702 = vector.shape_cast %swap3A_701 : vector<16xi32> to vector<16xi32>
      %swap3A_703 = vector.shape_cast %add3A_699 : vector<16xi32> to vector<16xi32>
      tpu.vector_store %arg8[%swap3A_700], %swap3A_703 {strides = array<i32>} : memref<128xi32, #tpu.memory_space<vmem>>, vector<16xi32>,
      %get3A_704 = arith.constant 1 : i32
      %get3A_705 = arith.index_cast %get3A_704 : i32 to index
      %get3A_706 = arith.constant 64 : index
      %get3A_707 = tpu.vector_load %arg16[%get3A_705, %get3A_706] {strides = array<i32>} : memref<2x128xi32, #tpu.memory_space<vmem>>, vector<1x16xi32>,
      %get3A_708 = vector.shape_cast %get3A_707 : vector<1x16xi32> to vector<16xi32>
      %swap3A_709 = arith.constant 64 : index
      %swap3A_710 = tpu.vector_load %arg10[%swap3A_709] {strides = array<i32>} : memref<128xi32, #tpu.memory_space<vmem>>, vector<16xi32>,
      %swap3A_711 = vector.shape_cast %swap3A_710 : vector<16xi32> to vector<16xi32>
      %swap3A_712 = vector.shape_cast %get3A_708 : vector<16xi32> to vector<16xi32>
      tpu.vector_store %arg10[%swap3A_709], %swap3A_712 {strides = array<i32>} : memref<128xi32, #tpu.memory_space<vmem>>, vector<16xi32>,
      %get3A_713 = arith.constant 1 : i32
      %get3A_714 = arith.index_cast %get3A_713 : i32 to index
      %get3A_715 = arith.constant 80 : index
      %get3A_716 = tpu.vector_load %arg14[%get3A_714, %get3A_715] {strides = array<i32>} : memref<2x128xi32, #tpu.memory_space<vmem>>, vector<1x16xi32>,
      %get3A_717 = vector.shape_cast %get3A_716 : vector<1x16xi32> to vector<16xi32>
      %mul3A_718 = arith.constant 2 : i32
      %mul3A_719 = vector.broadcast %mul3A_718 : i32 to vector<16xi32>
      %mul3A_720 = arith.muli %get3A_717, %mul3A_719 : vector<16xi32>
      %add3A_721 = vector.broadcast %arg0 : i32 to vector<16xi32>
      %add3A_722 = arith.addi %mul3A_720, %add3A_721 : vector<16xi32>
      %swap3A_723 = arith.constant 80 : index
      %swap3A_724 = tpu.vector_load %arg8[%swap3A_723] {strides = array<i32>} : memref<128xi32, #tpu.memory_space<vmem>>, vector<16xi32>,
      %swap3A_725 = vector.shape_cast %swap3A_724 : vector<16xi32> to vector<16xi32>
      %swap3A_726 = vector.shape_cast %add3A_722 : vector<16xi32> to vector<16xi32>
      tpu.vector_store %arg8[%swap3A_723], %swap3A_726 {strides = array<i32>} : memref<128xi32, #tpu.memory_space<vmem>>, vector<16xi32>,
      %get3A_727 = arith.constant 1 : i32
      %get3A_728 = arith.index_cast %get3A_727 : i32 to index
      %get3A_729 = arith.constant 80 : index
      %get3A_730 = tpu.vector_load %arg16[%get3A_728, %get3A_729] {strides = array<i32>} : memref<2x128xi32, #tpu.memory_space<vmem>>, vector<1x16xi32>,
      %get3A_731 = vector.shape_cast %get3A_730 : vector<1x16xi32> to vector<16xi32>
      %swap3A_732 = arith.constant 80 : index
      %swap3A_733 = tpu.vector_load %arg10[%swap3A_732] {strides = array<i32>} : memref<128xi32, #tpu.memory_space<vmem>>, vector<16xi32>,
      %swap3A_734 = vector.shape_cast %swap3A_733 : vector<16xi32> to vector<16xi32>
      %swap3A_735 = vector.shape_cast %get3A_731 : vector<16xi32> to vector<16xi32>
      tpu.vector_store %arg10[%swap3A_732], %swap3A_735 {strides = array<i32>} : memref<128xi32, #tpu.memory_space<vmem>>, vector<16xi32>,
      %get3A_736 = arith.constant 1 : i32
      %get3A_737 = arith.index_cast %get3A_736 : i32 to index
      %get3A_738 = arith.constant 96 : index
      %get3A_739 = tpu.vector_load %arg14[%get3A_737, %get3A_738] {strides = array<i32>} : memref<2x128xi32, #tpu.memory_space<vmem>>, vector<1x16xi32>,
      %get3A_740 = vector.shape_cast %get3A_739 : vector<1x16xi32> to vector<16xi32>
      %mul3A_741 = arith.constant 2 : i32
      %mul3A_742 = vector.broadcast %mul3A_741 : i32 to vector<16xi32>
      %mul3A_743 = arith.muli %get3A_740, %mul3A_742 : vector<16xi32>
      %add3A_744 = vector.broadcast %arg0 : i32 to vector<16xi32>
      %add3A_745 = arith.addi %mul3A_743, %add3A_744 : vector<16xi32>
      %swap3A_746 = arith.constant 96 : index
      %swap3A_747 = tpu.vector_load %arg8[%swap3A_746] {strides = array<i32>} : memref<128xi32, #tpu.memory_space<vmem>>, vector<16xi32>,
      %swap3A_748 = vector.shape_cast %swap3A_747 : vector<16xi32> to vector<16xi32>
      %swap3A_749 = vector.shape_cast %add3A_745 : vector<16xi32> to vector<16xi32>
      tpu.vector_store %arg8[%swap3A_746], %swap3A_749 {strides = array<i32>} : memref<128xi32, #tpu.memory_space<vmem>>, vector<16xi32>,
      %get3A_750 = arith.constant 1 : i32
      %get3A_751 = arith.index_cast %get3A_750 : i32 to index
      %get3A_752 = arith.constant 96 : index
      %get3A_753 = tpu.vector_load %arg16[%get3A_751, %get3A_752] {strides = array<i32>} : memref<2x128xi32, #tpu.memory_space<vmem>>, vector<1x16xi32>,
      %get3A_754 = vector.shape_cast %get3A_753 : vector<1x16xi32> to vector<16xi32>
      %swap3A_755 = arith.constant 96 : index
      %swap3A_756 = tpu.vector_load %arg10[%swap3A_755] {strides = array<i32>} : memref<128xi32, #tpu.memory_space<vmem>>, vector<16xi32>,
      %swap3A_757 = vector.shape_cast %swap3A_756 : vector<16xi32> to vector<16xi32>
      %swap3A_758 = vector.shape_cast %get3A_754 : vector<16xi32> to vector<16xi32>
      tpu.vector_store %arg10[%swap3A_755], %swap3A_758 {strides = array<i32>} : memref<128xi32, #tpu.memory_space<vmem>>, vector<16xi32>,
      %get3A_759 = arith.constant 1 : i32
      %get3A_760 = arith.index_cast %get3A_759 : i32 to index
      %get3A_761 = arith.constant 112 : index
      %get3A_762 = tpu.vector_load %arg14[%get3A_760, %get3A_761] {strides = array<i32>} : memref<2x128xi32, #tpu.memory_space<vmem>>, vector<1x16xi32>,
      %get3A_763 = vector.shape_cast %get3A_762 : vector<1x16xi32> to vector<16xi32>
      %mul3A_764 = arith.constant 2 : i32
      %mul3A_765 = vector.broadcast %mul3A_764 : i32 to vector<16xi32>
      %mul3A_766 = arith.muli %get3A_763, %mul3A_765 : vector<16xi32>
      %add3A_767 = vector.broadcast %arg0 : i32 to vector<16xi32>
      %add3A_768 = arith.addi %mul3A_766, %add3A_767 : vector<16xi32>
      %swap3A_769 = arith.constant 112 : index
      %swap3A_770 = tpu.vector_load %arg8[%swap3A_769] {strides = array<i32>} : memref<128xi32, #tpu.memory_space<vmem>>, vector<16xi32>,
      %swap3A_771 = vector.shape_cast %swap3A_770 : vector<16xi32> to vector<16xi32>
      %swap3A_772 = vector.shape_cast %add3A_768 : vector<16xi32> to vector<16xi32>
      tpu.vector_store %arg8[%swap3A_769], %swap3A_772 {strides = array<i32>} : memref<128xi32, #tpu.memory_space<vmem>>, vector<16xi32>,
      %get3A_773 = arith.constant 1 : i32
      %get3A_774 = arith.index_cast %get3A_773 : i32 to index
      %get3A_775 = arith.constant 112 : index
      %get3A_776 = tpu.vector_load %arg16[%get3A_774, %get3A_775] {strides = array<i32>} : memref<2x128xi32, #tpu.memory_space<vmem>>, vector<1x16xi32>,
      %get3A_777 = vector.shape_cast %get3A_776 : vector<1x16xi32> to vector<16xi32>
      %swap3A_778 = arith.constant 112 : index
      %swap3A_779 = tpu.vector_load %arg10[%swap3A_778] {strides = array<i32>} : memref<128xi32, #tpu.memory_space<vmem>>, vector<16xi32>,
      %swap3A_780 = vector.shape_cast %swap3A_779 : vector<16xi32> to vector<16xi32>
      %swap3A_781 = vector.shape_cast %get3A_777 : vector<16xi32> to vector<16xi32>
      tpu.vector_store %arg10[%swap3A_778], %swap3A_781 {strides = array<i32>} : memref<128xi32, #tpu.memory_space<vmem>>, vector<16xi32>,
      %dma_start3A_782 = arith.constant 0 : i32
      %dma_start3A_783 = arith.constant 0 : i32
      %dma_start3A_784 = tpu.memref_slice %arg2[%dma_start3A_782, %dma_start3A_783] : memref<20480x128xf32, #tpu.memory_space<hbm>> -> memref<20480x128xf32, #tpu.memory_space<hbm>>
      tpu.enqueue_indirect_dma source(%dma_start3A_784 : memref<20480x128xf32, #tpu.memory_space<hbm>>) target(%arg12 : memref<128x128xf32, #tpu.memory_space<vmem>>) offsets(%arg8 : memref<128xi32, #tpu.memory_space<vmem>>) semaphore(%arg19 : memref<!tpu.dma_semaphore, #tpu.memory_space<semaphore_mem>>)
      %dma_wait3A_785 = arith.constant 0 : i32
      %dma_wait3A_786 = arith.constant 0 : i32
      %dma_wait3A_787 = tpu.memref_slice %arg2[%dma_wait3A_785, %dma_wait3A_786] : memref<20480x128xf32, #tpu.memory_space<hbm>> -> memref<20480x128xf32, #tpu.memory_space<hbm>>
      tpu.wait_indirect_dma semaphore(%arg18 : memref<!tpu.dma_semaphore, #tpu.memory_space<semaphore_mem>>) src(%dma_wait3A_787 : memref<20480x128xf32, #tpu.memory_space<hbm>>) dst(%arg11 : memref<128x128xf32, #tpu.memory_space<vmem>>)
      %dma_start3A_788 = arith.constant 0 : i32
      %dma_start3A_789 = arith.constant 0 : i32
      %dma_start3A_790 = tpu.memref_slice %arg17[%dma_start3A_788, %dma_start3A_789] : memref<10240x128xf32, #tpu.memory_space<vmem_shared>> -> memref<10240x128xf32, #tpu.memory_space<vmem_shared>>
      tpu.enqueue_indirect_dma source(%arg11 : memref<128x128xf32, #tpu.memory_space<vmem>>) target(%dma_start3A_790 : memref<10240x128xf32, #tpu.memory_space<vmem_shared>>) offsets(%arg9 : memref<128xi32, #tpu.memory_space<vmem>>) semaphore(%arg20 : memref<!tpu.dma_semaphore, #tpu.memory_space<semaphore_mem>>) {add = true}
      %dma_wait3A_791 = arith.constant 0 : i32
      %dma_wait3A_792 = arith.constant 0 : i32
      %dma_wait3A_793 = tpu.memref_slice %arg2[%dma_wait3A_791, %dma_wait3A_792] : memref<20480x128xf32, #tpu.memory_space<hbm>> -> memref<20480x128xf32, #tpu.memory_space<hbm>>
      tpu.wait_indirect_dma semaphore(%arg19 : memref<!tpu.dma_semaphore, #tpu.memory_space<semaphore_mem>>) src(%dma_wait3A_793 : memref<20480x128xf32, #tpu.memory_space<hbm>>) dst(%arg12 : memref<128x128xf32, #tpu.memory_space<vmem>>)
      %dma_start3A_794 = arith.constant 0 : i32
      %dma_start3A_795 = arith.constant 0 : i32
      %dma_start3A_796 = tpu.memref_slice %arg17[%dma_start3A_794, %dma_start3A_795] : memref<10240x128xf32, #tpu.memory_space<vmem_shared>> -> memref<10240x128xf32, #tpu.memory_space<vmem_shared>>
      tpu.enqueue_indirect_dma source(%arg12 : memref<128x128xf32, #tpu.memory_space<vmem>>) target(%dma_start3A_796 : memref<10240x128xf32, #tpu.memory_space<vmem_shared>>) offsets(%arg10 : memref<128xi32, #tpu.memory_space<vmem>>) semaphore(%arg21 : memref<!tpu.dma_semaphore, #tpu.memory_space<semaphore_mem>>) {add = true}
      %dma_wait3A_797 = arith.constant 0 : i32
      %dma_wait3A_798 = arith.constant 0 : i32
      %dma_wait3A_799 = tpu.memref_slice %arg17[%dma_wait3A_797, %dma_wait3A_798] : memref<10240x128xf32, #tpu.memory_space<vmem_shared>> -> memref<10240x128xf32, #tpu.memory_space<vmem_shared>>
      tpu.wait_indirect_dma semaphore(%arg20 : memref<!tpu.dma_semaphore, #tpu.memory_space<semaphore_mem>>) src(%arg11 : memref<128x128xf32, #tpu.memory_space<vmem>>) dst(%dma_wait3A_799 : memref<10240x128xf32, #tpu.memory_space<vmem_shared>>)
      %dma_wait3A_800 = arith.constant 0 : i32
      %dma_wait3A_801 = arith.constant 0 : i32
      %dma_wait3A_802 = tpu.memref_slice %arg17[%dma_wait3A_800, %dma_wait3A_801] : memref<10240x128xf32, #tpu.memory_space<vmem_shared>> -> memref<10240x128xf32, #tpu.memory_space<vmem_shared>>
      tpu.wait_indirect_dma semaphore(%arg21 : memref<!tpu.dma_semaphore, #tpu.memory_space<semaphore_mem>>) src(%arg12 : memref<128x128xf32, #tpu.memory_space<vmem>>) dst(%dma_wait3A_802 : memref<10240x128xf32, #tpu.memory_space<vmem_shared>>)
    }
    %scan3A_7 = arith.constant 20 : i32
    %barrier3A_8 = arith.constant 0 : index
    tpu.barrier barrier_id(%barrier3A_8)
    %mul3A_9 = arith.constant 640 : i32
    %mul3A_10 = arith.muli %arg1, %mul3A_9 : i32
    %mul3A_11 = arith.constant 10240 : i32
    %mul3A_12 = arith.muli %arg0, %mul3A_11 : i32
    %mul3A_13 = arith.constant 640 : i32
    %mul3A_14 = arith.muli %arg1, %mul3A_13 : i32
    %add3A = arith.addi %mul3A_12, %mul3A_14 : i32
    "tpu.region"() ({
      %run_scoped3A = tpu.sem_alloc : memref<!tpu.dma_semaphore, #tpu.memory_space<semaphore_mem>>
      %dma_start3A = arith.constant 0 : i32
      %dma_start3A_15 = tpu.memref_slice %arg6[%add3A, %dma_start3A] : memref<20480x128xf32, #tpu.memory_space<hbm>> -> memref<640x128xf32, #tpu.memory_space<hbm>>
      %dma_start3A_16 = arith.constant 0 : i32
      %dma_start3A_17 = tpu.memref_slice %arg17[%mul3A_10, %dma_start3A_16] : memref<10240x128xf32, #tpu.memory_space<vmem_shared>> -> memref<640x128xf32, #tpu.memory_space<vmem_shared>>
      tpu.enqueue_dma source(%dma_start3A_17 : memref<640x128xf32, #tpu.memory_space<vmem_shared>>) target(%dma_start3A_15 : memref<640x128xf32, #tpu.memory_space<hbm>>) target_semaphore(%run_scoped3A : memref<!tpu.dma_semaphore, #tpu.memory_space<semaphore_mem>>)
      %dma_wait3A = arith.constant 0 : i32
      %dma_wait3A_18 = tpu.memref_slice %arg6[%add3A, %dma_wait3A] : memref<20480x128xf32, #tpu.memory_space<hbm>> -> memref<640x128xf32, #tpu.memory_space<hbm>>
      %dma_wait3A_19 = arith.constant 0 : i32
      %dma_wait3A_20 = tpu.memref_slice %arg17[%mul3A_10, %dma_wait3A_19] : memref<10240x128xf32, #tpu.memory_space<vmem_shared>> -> memref<640x128xf32, #tpu.memory_space<vmem_shared>>
      tpu.wait_dma2 semaphore(%run_scoped3A : memref<!tpu.dma_semaphore, #tpu.memory_space<semaphore_mem>>) src(%dma_wait3A_20 : memref<640x128xf32, #tpu.memory_space<vmem_shared>>) dst(%dma_wait3A_18 : memref<640x128xf32, #tpu.memory_space<hbm>>)
      tpu.yield
    }) : () -> ()
    return
  }
}

module attributes {stable_mosaic.version = 14 : i64} {
  func.func @_k1_body(%arg0: i32, %arg1: memref<1024x256xf32, #tpu.memory_space<vmem>>, %arg2: memref<1024x128xf32, #tpu.memory_space<vmem>>, %arg3: memref<1024x128xf32, #tpu.memory_space<vmem>>, %arg4: memref<256x256xf32, #tpu.memory_space<vmem>>, %arg5: memref<1024x2x128xf32, #tpu.memory_space<vmem>>) attributes {dimension_semantics = [#tpu.dimension_semantics<arbitrary>], iteration_bounds = array<i64: 10>, scalar_prefetch = 0 : i64, scratch_operands = 0 : i64, tpu.core_type = #tpu.core_type<tc>, window_params = [{transform_indices = @transform_0, window_bounds = array<i64: 1024, 256>}, {transform_indices = @transform_1, window_bounds = array<i64: 1024, 128>}, {transform_indices = @transform_2, window_bounds = array<i64: 1024, 128>}, {pipeline_mode = #tpu.pipeline_mode<synchronous>, transform_indices = @transform_3, window_bounds = array<i64: 256, 256>}, {transform_indices = @transform_4, window_bounds = array<i64: 1024, 2, 128>}]} {
    %get3A = arith.constant 0 : index
    %get3A_0 = arith.constant 0 : index
    %get3A_1 = vector.load %arg2[%get3A, %get3A_0] : memref<1024x128xf32, #tpu.memory_space<vmem>>, vector<1024x1xf32>
    %add3A = arith.constant 1.000000e+00 : f32
    %add3A_2 = vector.broadcast %add3A : f32 to vector<1024x1xf32>
    %add3A_3 = arith.addf %add3A_2, %get3A_1 : vector<1024x1xf32>
    %get3A_4 = arith.constant 0 : index
    %get3A_5 = arith.constant 0 : index
    %get3A_6 = vector.load %arg3[%get3A_4, %get3A_5] : memref<1024x128xf32, #tpu.memory_space<vmem>>, vector<1024x1xf32>
    %add3A_7 = arith.addf %add3A_3, %get3A_6 : vector<1024x1xf32>
    %rsqrt3A = math.rsqrt %add3A_7 : vector<1024x1xf32>
    %iota3A = tpu.iota {dimensions = array<i32: 0>} : vector<1024x256xi32>
    %mul3A = arith.constant 1024 : i32
    %mul3A_8 = arith.muli %arg0, %mul3A : i32
    %add3A_9 = vector.broadcast %mul3A_8 : i32 to vector<1024x256xi32>
    %add3A_10 = arith.addi %iota3A, %add3A_9 : vector<1024x256xi32>
    %lt3A = arith.constant 10000 : i32
    %lt3A_11 = vector.broadcast %lt3A : i32 to vector<1024x256xi32>
    %lt3A_12 = arith.cmpi slt, %add3A_10, %lt3A_11 : vector<1024x256xi32>
    %get3A_13 = arith.constant 0 : index
    %get3A_14 = arith.constant 0 : index
    %get3A_15 = vector.load %arg1[%get3A_13, %get3A_14] : memref<1024x256xf32, #tpu.memory_space<vmem>>, vector<1024x256xf32>
    %jit3A = arith.constant 0.000000e+00 : f32
    %broadcast_in_dim3A = vector.broadcast %jit3A : f32 to vector<1024x256xf32>
    %select_n3A = arith.select %lt3A_12, %get3A_15, %broadcast_in_dim3A : vector<1024x256xi1>, vector<1024x256xf32>
    %mul3A_16 = vector.broadcast %rsqrt3A : vector<1024x1xf32> to vector<1024x256xf32>
    %mul3A_17 = arith.mulf %select_n3A, %mul3A_16 : vector<1024x256xf32>
    %get3A_18 = arith.constant 0 : index
    %get3A_19 = arith.constant 0 : index
    %get3A_20 = vector.load %arg4[%get3A_18, %get3A_19] : memref<256x256xf32, #tpu.memory_space<vmem>>, vector<256x256xf32>
    %dot_general3A = arith.constant dense<0.000000e+00> : vector<1024x256xf32>
    %dot_general3A_21 = tpu.matmul %mul3A_17, %get3A_20, %dot_general3A {dimension_numbers = #tpu.dot_dimension_numbers<[1], [0], [0], [1], [0, 0, 1, 1], [], []>, transpose_lhs_hint = false} : vector<1024x256xf32>, vector<256x256xf32>, vector<1024x256xf32> -> vector<1024x256xf32>
    %slice3A = vector.extract_strided_slice %dot_general3A_21 {offsets = [0, 0], sizes = [1024, 128], strides = [1, 1]} : vector<1024x256xf32> to vector<1024x128xf32>
    %swap3A = arith.constant 0 : index
    %swap3A_22 = arith.constant 0 : index
    %swap3A_23 = arith.constant 0 : index
    %swap3A_24 = vector.load %arg5[%swap3A, %swap3A_22, %swap3A_23] : memref<1024x2x128xf32, #tpu.memory_space<vmem>>, vector<1024x1x128xf32>
    %swap3A_25 = vector.shape_cast %swap3A_24 : vector<1024x1x128xf32> to vector<1024x128xf32>
    %swap3A_26 = vector.shape_cast %slice3A : vector<1024x128xf32> to vector<1024x1x128xf32>
    tpu.vector_store %arg5[%swap3A, %swap3A_22, %swap3A_23], %swap3A_26 {strides = array<i32>} : memref<1024x2x128xf32, #tpu.memory_space<vmem>>, vector<1024x1x128xf32>,
    %slice3A_27 = vector.extract_strided_slice %dot_general3A_21 {offsets = [0, 128], sizes = [1024, 128], strides = [1, 1]} : vector<1024x256xf32> to vector<1024x128xf32>
    %swap3A_28 = arith.constant 0 : index
    %swap3A_29 = arith.constant 1 : index
    %swap3A_30 = arith.constant 0 : index
    %swap3A_31 = vector.load %arg5[%swap3A_28, %swap3A_29, %swap3A_30] : memref<1024x2x128xf32, #tpu.memory_space<vmem>>, vector<1024x1x128xf32>
    %swap3A_32 = vector.shape_cast %swap3A_31 : vector<1024x1x128xf32> to vector<1024x128xf32>
    %swap3A_33 = vector.shape_cast %slice3A_27 : vector<1024x128xf32> to vector<1024x1x128xf32>
    tpu.vector_store %arg5[%swap3A_28, %swap3A_29, %swap3A_30], %swap3A_33 {strides = array<i32>} : memref<1024x2x128xf32, #tpu.memory_space<vmem>>, vector<1024x1x128xf32>,
    return
  }
  func.func @transform_0(%arg0: i32) -> (i32, i32) {
    %c0_i32 = arith.constant 0 : i32
    %c0_i32_0 = arith.constant 0 : i32
    return %arg0, %c0_i32 : i32, i32
  }
  func.func @transform_1(%arg0: i32) -> (i32, i32) {
    %c0_i32 = arith.constant 0 : i32
    %c0_i32_0 = arith.constant 0 : i32
    return %arg0, %c0_i32 : i32, i32
  }
  func.func @transform_2(%arg0: i32) -> (i32, i32) {
    %add3A = arith.constant 10 : i32
    %add3A_0 = arith.addi %arg0, %add3A : i32
    %c0_i32 = arith.constant 0 : i32
    %c0_i32_1 = arith.constant 0 : i32
    return %add3A_0, %c0_i32 : i32, i32
  }
  func.func @transform_3(%arg0: i32) -> (i32, i32) {
    %c0_i32 = arith.constant 0 : i32
    %c0_i32_0 = arith.constant 0 : i32
    %c0_i32_1 = arith.constant 0 : i32
    return %c0_i32, %c0_i32_0 : i32, i32
  }
  func.func @transform_4(%arg0: i32) -> (i32, i32, i32) {
    %c0_i32 = arith.constant 0 : i32
    %c0_i32_0 = arith.constant 0 : i32
    %c0_i32_1 = arith.constant 0 : i32
    return %arg0, %c0_i32, %c0_i32_0 : i32, i32, i32
  }
}

module attributes {stable_mosaic.version = 14 : i64} {
  func.func @_k2_body(%arg0: i32, %arg1: memref<1024x128xf32, #tpu.memory_space<vmem>>, %arg2: memref<1024x128xf32, #tpu.memory_space<vmem>>, %arg3: memref<1024x2x128xf32, #tpu.memory_space<vmem>>, %arg4: memref<1024x128xf32, #tpu.memory_space<vmem>>, %arg5: memref<1024x128xf32, #tpu.memory_space<vmem>>, %arg6: memref<256x256xf32, #tpu.memory_space<vmem>>, %arg7: memref<1x256xf32, #tpu.memory_space<vmem>>, %arg8: memref<1024x2x128xf32, #tpu.memory_space<vmem>>) attributes {dimension_semantics = [#tpu.dimension_semantics<arbitrary>], iteration_bounds = array<i64: 10>, scalar_prefetch = 0 : i64, scratch_operands = 0 : i64, tpu.core_type = #tpu.core_type<tc>, window_params = [{transform_indices = @transform_0, window_bounds = array<i64: 1024, 128>}, {transform_indices = @transform_1, window_bounds = array<i64: 1024, 128>}, {transform_indices = @transform_2, window_bounds = array<i64: 1024, 2, 128>}, {transform_indices = @transform_3, window_bounds = array<i64: 1024, 128>}, {transform_indices = @transform_4, window_bounds = array<i64: 1024, 128>}, {pipeline_mode = #tpu.pipeline_mode<synchronous>, transform_indices = @transform_5, window_bounds = array<i64: 256, 256>}, {pipeline_mode = #tpu.pipeline_mode<synchronous>, transform_indices = @transform_6, window_bounds = array<i64: 1, 256>}, {transform_indices = @transform_7, window_bounds = array<i64: 1024, 2, 128>}]} {
    %get3A = arith.constant 0 : index
    %get3A_0 = arith.constant 0 : index
    %get3A_1 = vector.load %arg4[%get3A, %get3A_0] : memref<1024x128xf32, #tpu.memory_space<vmem>>, vector<1024x1xf32>
    %add3A = arith.constant 1.000000e+00 : f32
    %add3A_2 = vector.broadcast %add3A : f32 to vector<1024x1xf32>
    %add3A_3 = arith.addf %add3A_2, %get3A_1 : vector<1024x1xf32>
    %get3A_4 = arith.constant 0 : index
    %get3A_5 = arith.constant 0 : index
    %get3A_6 = vector.load %arg5[%get3A_4, %get3A_5] : memref<1024x128xf32, #tpu.memory_space<vmem>>, vector<1024x1xf32>
    %add3A_7 = arith.addf %add3A_3, %get3A_6 : vector<1024x1xf32>
    %rsqrt3A = math.rsqrt %add3A_7 : vector<1024x1xf32>
    %get3A_8 = arith.constant 0 : index
    %get3A_9 = arith.constant 0 : index
    %get3A_10 = vector.load %arg1[%get3A_8, %get3A_9] : memref<1024x128xf32, #tpu.memory_space<vmem>>, vector<1024x128xf32>
    %get3A_11 = arith.constant 0 : index
    %get3A_12 = arith.constant 0 : index
    %get3A_13 = vector.load %arg2[%get3A_11, %get3A_12] : memref<1024x128xf32, #tpu.memory_space<vmem>>, vector<1024x128xf32>
    %concatenate3A = tpu.concatenate %get3A_10, %get3A_13 in 1 : vector<1024x128xf32>, vector<1024x128xf32> -> vector<1024x256xf32>
    %get3A_14 = arith.constant 0 : index
    %get3A_15 = arith.constant 0 : index
    %get3A_16 = arith.constant 0 : index
    %get3A_17 = vector.load %arg3[%get3A_14, %get3A_15, %get3A_16] : memref<1024x2x128xf32, #tpu.memory_space<vmem>>, vector<1024x1x128xf32>
    %get3A_18 = vector.shape_cast %get3A_17 : vector<1024x1x128xf32> to vector<1024x128xf32>
    %get3A_19 = arith.constant 0 : index
    %get3A_20 = arith.constant 1 : index
    %get3A_21 = arith.constant 0 : index
    %get3A_22 = vector.load %arg3[%get3A_19, %get3A_20, %get3A_21] : memref<1024x2x128xf32, #tpu.memory_space<vmem>>, vector<1024x1x128xf32>
    %get3A_23 = vector.shape_cast %get3A_22 : vector<1024x1x128xf32> to vector<1024x128xf32>
    %concatenate3A_24 = tpu.concatenate %get3A_18, %get3A_23 in 1 : vector<1024x128xf32>, vector<1024x128xf32> -> vector<1024x256xf32>
    %add3A_25 = arith.addf %concatenate3A, %concatenate3A_24 : vector<1024x256xf32>
    %mul3A = vector.broadcast %rsqrt3A : vector<1024x1xf32> to vector<1024x256xf32>
    %mul3A_26 = arith.mulf %mul3A, %add3A_25 : vector<1024x256xf32>
    %get3A_27 = arith.constant 0 : index
    %get3A_28 = arith.constant 0 : index
    %get3A_29 = vector.load %arg7[%get3A_27, %get3A_28] : memref<1x256xf32, #tpu.memory_space<vmem>>, vector<1x256xf32>
    %add3A_30 = vector.broadcast %get3A_29 : vector<1x256xf32> to vector<1024x256xf32>
    %add3A_31 = arith.addf %mul3A_26, %add3A_30 : vector<1024x256xf32>
    %max3A = arith.constant 0.000000e+00 : f32
    %max3A_32 = vector.broadcast %max3A : f32 to vector<1024x256xf32>
    %max3A_33 = arith.maximumf %add3A_31, %max3A_32 : vector<1024x256xf32>
    %mul3A_34 = vector.broadcast %rsqrt3A : vector<1024x1xf32> to vector<1024x256xf32>
    %mul3A_35 = arith.mulf %mul3A_34, %max3A_33 : vector<1024x256xf32>
    %get3A_36 = arith.constant 0 : index
    %get3A_37 = arith.constant 0 : index
    %get3A_38 = vector.load %arg6[%get3A_36, %get3A_37] : memref<256x256xf32, #tpu.memory_space<vmem>>, vector<256x256xf32>
    %dot_general3A = arith.constant dense<0.000000e+00> : vector<1024x256xf32>
    %dot_general3A_39 = tpu.matmul %mul3A_35, %get3A_38, %dot_general3A {dimension_numbers = #tpu.dot_dimension_numbers<[1], [0], [0], [1], [0, 0, 1, 1], [], []>, transpose_lhs_hint = false} : vector<1024x256xf32>, vector<256x256xf32>, vector<1024x256xf32> -> vector<1024x256xf32>
    %slice3A = vector.extract_strided_slice %dot_general3A_39 {offsets = [0, 0], sizes = [1024, 128], strides = [1, 1]} : vector<1024x256xf32> to vector<1024x128xf32>
    %swap3A = arith.constant 0 : index
    %swap3A_40 = arith.constant 0 : index
    %swap3A_41 = arith.constant 0 : index
    %swap3A_42 = vector.load %arg8[%swap3A, %swap3A_40, %swap3A_41] : memref<1024x2x128xf32, #tpu.memory_space<vmem>>, vector<1024x1x128xf32>
    %swap3A_43 = vector.shape_cast %swap3A_42 : vector<1024x1x128xf32> to vector<1024x128xf32>
    %swap3A_44 = vector.shape_cast %slice3A : vector<1024x128xf32> to vector<1024x1x128xf32>
    tpu.vector_store %arg8[%swap3A, %swap3A_40, %swap3A_41], %swap3A_44 {strides = array<i32>} : memref<1024x2x128xf32, #tpu.memory_space<vmem>>, vector<1024x1x128xf32>,
    %slice3A_45 = vector.extract_strided_slice %dot_general3A_39 {offsets = [0, 128], sizes = [1024, 128], strides = [1, 1]} : vector<1024x256xf32> to vector<1024x128xf32>
    %swap3A_46 = arith.constant 0 : index
    %swap3A_47 = arith.constant 1 : index
    %swap3A_48 = arith.constant 0 : index
    %swap3A_49 = vector.load %arg8[%swap3A_46, %swap3A_47, %swap3A_48] : memref<1024x2x128xf32, #tpu.memory_space<vmem>>, vector<1024x1x128xf32>
    %swap3A_50 = vector.shape_cast %swap3A_49 : vector<1024x1x128xf32> to vector<1024x128xf32>
    %swap3A_51 = vector.shape_cast %slice3A_45 : vector<1024x128xf32> to vector<1024x1x128xf32>
    tpu.vector_store %arg8[%swap3A_46, %swap3A_47, %swap3A_48], %swap3A_51 {strides = array<i32>} : memref<1024x2x128xf32, #tpu.memory_space<vmem>>, vector<1024x1x128xf32>,
    return
  }
  func.func @transform_0(%arg0: i32) -> (i32, i32) {
    %c0_i32 = arith.constant 0 : i32
    %c0_i32_0 = arith.constant 0 : i32
    return %arg0, %c0_i32 : i32, i32
  }
  func.func @transform_1(%arg0: i32) -> (i32, i32) {
    %add3A = arith.constant 10 : i32
    %add3A_0 = arith.addi %arg0, %add3A : i32
    %c0_i32 = arith.constant 0 : i32
    %c0_i32_1 = arith.constant 0 : i32
    return %add3A_0, %c0_i32 : i32, i32
  }
  func.func @transform_2(%arg0: i32) -> (i32, i32, i32) {
    %c0_i32 = arith.constant 0 : i32
    %c0_i32_0 = arith.constant 0 : i32
    %c0_i32_1 = arith.constant 0 : i32
    return %arg0, %c0_i32, %c0_i32_0 : i32, i32, i32
  }
  func.func @transform_3(%arg0: i32) -> (i32, i32) {
    %c0_i32 = arith.constant 0 : i32
    %c0_i32_0 = arith.constant 0 : i32
    return %arg0, %c0_i32 : i32, i32
  }
  func.func @transform_4(%arg0: i32) -> (i32, i32) {
    %add3A = arith.constant 10 : i32
    %add3A_0 = arith.addi %arg0, %add3A : i32
    %c0_i32 = arith.constant 0 : i32
    %c0_i32_1 = arith.constant 0 : i32
    return %add3A_0, %c0_i32 : i32, i32
  }
  func.func @transform_5(%arg0: i32) -> (i32, i32) {
    %c0_i32 = arith.constant 0 : i32
    %c0_i32_0 = arith.constant 0 : i32
    %c0_i32_1 = arith.constant 0 : i32
    return %c0_i32, %c0_i32_0 : i32, i32
  }
  func.func @transform_6(%arg0: i32) -> (i32, i32) {
    %c0_i32 = arith.constant 0 : i32
    %c0_i32_0 = arith.constant 0 : i32
    %c0_i32_1 = arith.constant 0 : i32
    return %c0_i32, %c0_i32_0 : i32, i32
  }
  func.func @transform_7(%arg0: i32) -> (i32, i32, i32) {
    %c0_i32 = arith.constant 0 : i32
    %c0_i32_0 = arith.constant 0 : i32
    %c0_i32_1 = arith.constant 0 : i32
    return %arg0, %c0_i32, %c0_i32_0 : i32, i32, i32
  }
}

module attributes {stable_mosaic.version = 14 : i64} {
  func.func @_k3_body(%arg0: i32, %arg1: memref<1024x128xf32, #tpu.memory_space<vmem>>, %arg2: memref<1024x128xf32, #tpu.memory_space<vmem>>, %arg3: memref<1024x2x128xf32, #tpu.memory_space<vmem>>, %arg4: memref<1024x128xf32, #tpu.memory_space<vmem>>, %arg5: memref<1024x128xf32, #tpu.memory_space<vmem>>, %arg6: memref<1x256xf32, #tpu.memory_space<vmem>>, %arg7: memref<1x1x1024xi32, #tpu.memory_space<vmem>>, %arg8: memref<64x256xf32, #tpu.memory_space<vmem>>) attributes {dimension_semantics = [#tpu.dimension_semantics<arbitrary>], iteration_bounds = array<i64: 10>, scalar_prefetch = 0 : i64, scratch_operands = 0 : i64, tpu.core_type = #tpu.core_type<tc>, window_params = [{transform_indices = @transform_0, window_bounds = array<i64: 1024, 128>}, {transform_indices = @transform_1, window_bounds = array<i64: 1024, 128>}, {transform_indices = @transform_2, window_bounds = array<i64: 1024, 2, 128>}, {transform_indices = @transform_3, window_bounds = array<i64: 1024, 128>}, {transform_indices = @transform_4, window_bounds = array<i64: 1024, 128>}, {pipeline_mode = #tpu.pipeline_mode<synchronous>, transform_indices = @transform_5, window_bounds = array<i64: 1, 256>}, {transform_indices = @transform_6, window_bounds = array<i64: 1, 1, 1024>}, {pipeline_mode = #tpu.pipeline_mode<synchronous>, transform_indices = @transform_7, window_bounds = array<i64: 64, 256>}]} {
    %get3A = arith.constant 0 : index
    %get3A_0 = arith.constant 0 : index
    %get3A_1 = vector.load %arg4[%get3A, %get3A_0] : memref<1024x128xf32, #tpu.memory_space<vmem>>, vector<1024x1xf32>
    %add3A = arith.constant 1.000000e+00 : f32
    %add3A_2 = vector.broadcast %add3A : f32 to vector<1024x1xf32>
    %add3A_3 = arith.addf %add3A_2, %get3A_1 : vector<1024x1xf32>
    %get3A_4 = arith.constant 0 : index
    %get3A_5 = arith.constant 0 : index
    %get3A_6 = vector.load %arg5[%get3A_4, %get3A_5] : memref<1024x128xf32, #tpu.memory_space<vmem>>, vector<1024x1xf32>
    %add3A_7 = arith.addf %add3A_3, %get3A_6 : vector<1024x1xf32>
    %rsqrt3A = math.rsqrt %add3A_7 : vector<1024x1xf32>
    %get3A_8 = arith.constant 0 : index
    %get3A_9 = arith.constant 0 : index
    %get3A_10 = vector.load %arg1[%get3A_8, %get3A_9] : memref<1024x128xf32, #tpu.memory_space<vmem>>, vector<1024x128xf32>
    %get3A_11 = arith.constant 0 : index
    %get3A_12 = arith.constant 0 : index
    %get3A_13 = vector.load %arg2[%get3A_11, %get3A_12] : memref<1024x128xf32, #tpu.memory_space<vmem>>, vector<1024x128xf32>
    %concatenate3A = tpu.concatenate %get3A_10, %get3A_13 in 1 : vector<1024x128xf32>, vector<1024x128xf32> -> vector<1024x256xf32>
    %get3A_14 = arith.constant 0 : index
    %get3A_15 = arith.constant 0 : index
    %get3A_16 = arith.constant 0 : index
    %get3A_17 = vector.load %arg3[%get3A_14, %get3A_15, %get3A_16] : memref<1024x2x128xf32, #tpu.memory_space<vmem>>, vector<1024x1x128xf32>
    %get3A_18 = vector.shape_cast %get3A_17 : vector<1024x1x128xf32> to vector<1024x128xf32>
    %get3A_19 = arith.constant 0 : index
    %get3A_20 = arith.constant 1 : index
    %get3A_21 = arith.constant 0 : index
    %get3A_22 = vector.load %arg3[%get3A_19, %get3A_20, %get3A_21] : memref<1024x2x128xf32, #tpu.memory_space<vmem>>, vector<1024x1x128xf32>
    %get3A_23 = vector.shape_cast %get3A_22 : vector<1024x1x128xf32> to vector<1024x128xf32>
    %concatenate3A_24 = tpu.concatenate %get3A_18, %get3A_23 in 1 : vector<1024x128xf32>, vector<1024x128xf32> -> vector<1024x256xf32>
    %add3A_25 = arith.addf %concatenate3A, %concatenate3A_24 : vector<1024x256xf32>
    %mul3A = vector.broadcast %rsqrt3A : vector<1024x1xf32> to vector<1024x256xf32>
    %mul3A_26 = arith.mulf %mul3A, %add3A_25 : vector<1024x256xf32>
    %get3A_27 = arith.constant 0 : index
    %get3A_28 = arith.constant 0 : index
    %get3A_29 = vector.load %arg6[%get3A_27, %get3A_28] : memref<1x256xf32, #tpu.memory_space<vmem>>, vector<1x256xf32>
    %add3A_30 = vector.broadcast %get3A_29 : vector<1x256xf32> to vector<1024x256xf32>
    %add3A_31 = arith.addf %mul3A_26, %add3A_30 : vector<1024x256xf32>
    %get3A_32 = arith.constant 0 : index
    %get3A_33 = arith.constant 0 : index
    %get3A_34 = arith.constant 0 : index
    %get3A_35 = vector.load %arg7[%get3A_32, %get3A_33, %get3A_34] : memref<1x1x1024xi32, #tpu.memory_space<vmem>>, vector<1x1x1024xi32>
    %get3A_36 = vector.shape_cast %get3A_35 : vector<1x1x1024xi32> to vector<1x1024xi32>
    %iota3A = tpu.iota {dimensions = array<i32: 0>} : vector<64x1024xi32>
    %broadcast_in_dim3A = vector.shape_cast %get3A_36 : vector<1x1024xi32> to vector<1x1024xi32>
    %broadcast_in_dim3A_37 = vector.broadcast %broadcast_in_dim3A : vector<1x1024xi32> to vector<64x1024xi32>
    %eq3A = arith.cmpi eq, %broadcast_in_dim3A_37, %iota3A : vector<64x1024xi32>
    %jit3A = arith.constant 1.000000e+00 : f32
    %jit3A_38 = arith.constant 0.000000e+00 : f32
    %broadcast_in_dim3A_39 = vector.broadcast %jit3A : f32 to vector<64x1024xf32>
    %broadcast_in_dim3A_40 = vector.broadcast %jit3A_38 : f32 to vector<64x1024xf32>
    %select_n3A = arith.select %eq3A, %broadcast_in_dim3A_39, %broadcast_in_dim3A_40 : vector<64x1024xi1>, vector<64x1024xf32>
    %dot_general3A = arith.constant dense<0.000000e+00> : vector<64x256xf32>
    %dot_general3A_41 = tpu.matmul %select_n3A, %add3A_31, %dot_general3A {dimension_numbers = #tpu.dot_dimension_numbers<[1], [0], [0], [1], [0, 0, 1, 1], [], []>, transpose_lhs_hint = false} : vector<64x1024xf32>, vector<1024x256xf32>, vector<64x256xf32> -> vector<64x256xf32>
    %eq3A_42 = arith.constant 0 : i32
    %eq3A_43 = arith.cmpi eq, %arg0, %eq3A_42 : i32
    %convert_element_type3A = arith.extui %eq3A_43 : i1 to i32
    %cond3A = arith.constant 0 : i32
    %cond3A_44 = arith.cmpi ne, %convert_element_type3A, %cond3A : i32
    scf.if %cond3A_44 {
      %broadcast_in_dim3A_51 = arith.constant 0.000000e+00 : f32
      %broadcast_in_dim3A_52 = vector.broadcast %broadcast_in_dim3A_51 : f32 to vector<64x256xf32>
      %swap3A_53 = arith.constant 0 : index
      %swap3A_54 = arith.constant 0 : index
      %swap3A_55 = vector.load %arg8[%swap3A_53, %swap3A_54] : memref<64x256xf32, #tpu.memory_space<vmem>>, vector<64x256xf32>
      tpu.vector_store %arg8[%swap3A_53, %swap3A_54], %broadcast_in_dim3A_52 {strides = array<i32>} : memref<64x256xf32, #tpu.memory_space<vmem>>, vector<64x256xf32>,
    } else {
    }
    %get3A_45 = arith.constant 0 : index
    %get3A_46 = arith.constant 0 : index
    %get3A_47 = vector.load %arg8[%get3A_45, %get3A_46] : memref<64x256xf32, #tpu.memory_space<vmem>>, vector<64x256xf32>
    %add3A_48 = arith.addf %get3A_47, %dot_general3A_41 : vector<64x256xf32>
    %swap3A = arith.constant 0 : index
    %swap3A_49 = arith.constant 0 : index
    %swap3A_50 = vector.load %arg8[%swap3A, %swap3A_49] : memref<64x256xf32, #tpu.memory_space<vmem>>, vector<64x256xf32>
    tpu.vector_store %arg8[%swap3A, %swap3A_49], %add3A_48 {strides = array<i32>} : memref<64x256xf32, #tpu.memory_space<vmem>>, vector<64x256xf32>,
    return
  }
  func.func @transform_0(%arg0: i32) -> (i32, i32) {
    %c0_i32 = arith.constant 0 : i32
    %c0_i32_0 = arith.constant 0 : i32
    return %arg0, %c0_i32 : i32, i32
  }
  func.func @transform_1(%arg0: i32) -> (i32, i32) {
    %add3A = arith.constant 10 : i32
    %add3A_0 = arith.addi %arg0, %add3A : i32
    %c0_i32 = arith.constant 0 : i32
    %c0_i32_1 = arith.constant 0 : i32
    return %add3A_0, %c0_i32 : i32, i32
  }
  func.func @transform_2(%arg0: i32) -> (i32, i32, i32) {
    %c0_i32 = arith.constant 0 : i32
    %c0_i32_0 = arith.constant 0 : i32
    %c0_i32_1 = arith.constant 0 : i32
    return %arg0, %c0_i32, %c0_i32_0 : i32, i32, i32
  }
  func.func @transform_3(%arg0: i32) -> (i32, i32) {
    %c0_i32 = arith.constant 0 : i32
    %c0_i32_0 = arith.constant 0 : i32
    return %arg0, %c0_i32 : i32, i32
  }
  func.func @transform_4(%arg0: i32) -> (i32, i32) {
    %add3A = arith.constant 10 : i32
    %add3A_0 = arith.addi %arg0, %add3A : i32
    %c0_i32 = arith.constant 0 : i32
    %c0_i32_1 = arith.constant 0 : i32
    return %add3A_0, %c0_i32 : i32, i32
  }
  func.func @transform_5(%arg0: i32) -> (i32, i32) {
    %c0_i32 = arith.constant 0 : i32
    %c0_i32_0 = arith.constant 0 : i32
    %c0_i32_1 = arith.constant 0 : i32
    return %c0_i32, %c0_i32_0 : i32, i32
  }
  func.func @transform_6(%arg0: i32) -> (i32, i32, i32) {
    %c0_i32 = arith.constant 0 : i32
    %c0_i32_0 = arith.constant 0 : i32
    %c0_i32_1 = arith.constant 0 : i32
    return %arg0, %c0_i32, %c0_i32_0 : i32, i32, i32
  }
  func.func @transform_7(%arg0: i32) -> (i32, i32) {
    %c0_i32 = arith.constant 0 : i32
    %c0_i32_0 = arith.constant 0 : i32
    %c0_i32_1 = arith.constant 0 : i32
    return %c0_i32, %c0_i32_0 : i32, i32
  }
}

</mosaic_0001>

<sc_bundles>
// kernel: kernel.11.cloned.1.call-start
scs
__scs_entry_jumppad:
0x0: {  	(pc) =	sbr.rel $0x88, $3  }
0x1: {  	(tag) =	ssettag $0x0;
	lr =	simm.s32 $0x1  }
0x2: {  	[smem:$0x3F9A] =	sst lr;
	_ =	strace $0xD0000000  }
0x3: {  	_ = 	snop  }
0x4: {  	_ = 	snop  }
0x5: {  	_ = 	snop  }
0x6: {  	_ = 	snop  }
0x7: {  	_ = 	snop  }
__scs_overlays_trampoline_lowered:
0x8: {  	[smem:$0x3FA9] =	sst s0  }
0x9: {  	[smem:$0x3FAA] =	sst s1  }
0xa: {  	[smem:$0x3FAB] =	sst s2  }
0xb: {  	[smem:$0x3FAC] =	sst s3  }
0xc: {  	[smem:$0x3FAD] =	sst s4  }
0xd: {  	[smem:$0x3FAE] =	sst s5  }
0xe: {  	[smem:$0x3FAF] =	sst s6  }
0xf: {  	[smem:$0x3FB0] =	sst s7  }
0x10: {  	[smem:$0x3FB1] =	sst s8  }
0x11: {  	[smem:$0x3FB2] =	sst s9;
	s0 =	simm.s32 @!p0 $0x0  }
0x12: {  	s1 =	sld [smem:$0x3F98];
	s0 =	simm.s32 @p0 $0x1  }
0x13: {  	[smem:$0x3FB3] =	sst s0;
	s0 =	simm.s32 @!p1 $0x0  }
0x14: {  	s2 =	sld [smem:$0x3F97];
	s0 =	simm.s32 @p1 $0x1  }
0x15: {  	[smem:$0x3FB4] =	sst s0;
	s0 =	simm.s32 @!p2 $0x0  }
0x16: {  	s3 =	sld [smem:$0x3FDB];
	s0 =	simm.s32 @p2 $0x1  }
0x17: {  	s4 =	simm.s32 $0x1BF5;
	[smem:$0x3FB6] =	sst s0  }
0x18: {  	s0 =	sld [smem:$0x3F99];
	_ =	swait.ge [sflag:s4], $0x0  }
0x19: {  	s7 =	sld [smem:$0x3F9A]  }
0x1a: {  	s8 =	sadd.s32 $0xFFFFE003, lr  }
0x1b: {  	s9 =	sadd.s32 $0xFFFFFEF7, lr;
	s5 =	simm.s32 $0xFFFFFFFF;
	p2 =	slt.u32 s8, $0xFFFFF086  }
0x1c: {  	p1 =	slt.u32 s9, $0xF7A;
	s5 =	simm.s32 @!p2 $0x0  }
0x1d: {  	s5 =	simm.s32 @p1 $0x1;
	p0 =	seq.s32 s7, s2  }
0x1e: {  	s7 =	smul.u32 @!p0 $0xF7A, s2;
	p2 =	seq.s32 @!p0 s5, $0x0  }
0x1f: {  	s9 =	smul.u32 $0xF7A, s1;
	s8 =	simm.s32 @!p0 $0x1BF5;
	p2 =	por !p2, p0  }
0x20: {  	[sflag:s8] =	ssyncset.s32 @!p0 $0xFFFFF086;
	s6 =	sadd.s32 @!p0 s3, s7;
	s7 =	simm.s32 @!p0 $0x108  }
0x21: {  	s3 =	sadd.s32 s3, s9;
	s6 =	sadd.s32 @!p0 $0x88, s6;
	s7 =	simm.s32 @p2 $0x1082  }
0x22: {  	[simem:s7], [sflag:s8] =	dma.local @!p0 [hbm:s6], $0xF7A  }
0x23: {  	s9 =	sor.u32 $0xD0000000, s2;
	s6 =	simm.s32 $0x108;
	_ =	swait.ge @!p0 [sflag:s8], $0x0  }
0x24: {  	s3 =	sadd.s32 $0x88, s3;
	s6 =	simm.s32 @!p1 $0x1082;
	[sflag:s4] =	ssyncset.s32 $0xFFFFF086  }
0x25: {  	[simem:s6], [sflag:s4] =	dma.local [hbm:s3], $0xF7A  }
0x26: {  	[smem:$0x3F9A] =	sst s1;
	(tag) =	ssettag s2;
	_ =	strace s9  }
0x27: {  	s1 =	sld [smem:$0x3FAA]  }
0x28: {  	s2 =	sld [smem:$0x3FAB]  }
0x29: {  	s4 =	sld [smem:$0x3FAD]  }
0x2a: {  	p0 =	seq.s32 s5, $0x0;
	s5 =	sld [smem:$0x3FAE]  }
0x2b: {  	s6 =	sld [smem:$0x3FAF]  }
0x2c: {  	s7 =	sld [smem:$0x3FB0]  }
0x2d: {  	s3 =	simm.s32 $0x108;
	s8 =	sld [smem:$0x3FB1]  }
0x2e: {  	s3 =	simm.s32 @!p0 $0x1082;
	s9 =	sld [smem:$0x3FB2]  }
0x2f: {  	lr =	sadd.s32 s0, s3;
	s0 =	sld [smem:$0x3FA9]  }
0x30: {  	s3 =	sld [smem:$0x3FAC]  }
0x31: {  	[smem:$0x3FB5] =	sst s10  }
0x32: {  	s10 =	sld [smem:$0x3FB3];
	_ =	sdelay $0x3  }
0x33: {  	p0 =	seq.s32 s10, $0x1;
	s10 =	sld [smem:$0x3FB5];
	_ =	sdelay $0x3  }
0x34: {  	[smem:$0x3FB5] =	sst s10  }
0x35: {  	s10 =	sld [smem:$0x3FB4];
	_ =	sdelay $0x3  }
0x36: {  	p1 =	seq.s32 s10, $0x1;
	s10 =	sld [smem:$0x3FB5];
	_ =	sdelay $0x3  }
0x37: {  	[smem:$0x3FB5] =	sst s10  }
0x38: {  	s10 =	sld [smem:$0x3FB6]  }
0x39: {  	_ = 	snop;
	(pc) =	sbr.ind lr, $3  }
0x3a: {  	_ = 	snop  }
0x3b: {  	_ = 	snop  }
0x3c: {  	p2 =	seq.s32 s10, $0x1;
	s10 =	sld [smem:$0x3FB5]  }
0x3d: {  	_ =	shalt  }
0x3e: {  	_ =	shalt  }
0x3f: {  	_ =	shalt  }
0x40: {  	_ =	shalt  }
0x41: {  	_ =	shalt  }
0x42: {  	_ =	shalt  }
0x43: {  	_ =	shalt  }
0x44: {  	_ =	shalt  }
0x45: {  	_ =	shalt  }
0x46: {  	_ =	shalt  }
0x47: {  	_ =	shalt  }
0x48: {  	_ =	shalt  }
0x49: {  	_ =	shalt  }
0x4a: {  	_ =	shalt  }
0x4b: {  	_ =	shalt  }
0x4c: {  	_ =	shalt  }
0x4d: {  	_ =	shalt  }
0x4e: {  	_ =	shalt  }
0x4f: {  	_ =	shalt  }
0x50: {  	_ =	shalt  }
0x51: {  	_ =	shalt  }
0x52: {  	_ =	shalt  }
0x53: {  	_ =	shalt  }
0x54: {  	_ =	shalt  }
0x55: {  	_ =	shalt  }
0x56: {  	_ =	shalt  }
0x57: {  	_ =	shalt  }
0x58: {  	_ =	shalt  }
0x59: {  	_ =	shalt  }
0x5a: {  	_ =	shalt  }
0x5b: {  	_ =	shalt  }
0x5c: {  	_ =	shalt  }
0x5d: {  	_ =	shalt  }
0x5e: {  	_ =	shalt  }
0x5f: {  	_ =	shalt  }
0x60: {  	_ =	shalt  }
0x61: {  	_ =	shalt  }
0x62: {  	_ =	shalt  }
0x63: {  	_ =	shalt  }
0x64: {  	_ =	shalt  }
0x65: {  	_ =	shalt  }
0x66: {  	_ =	shalt  }
0x67: {  	_ =	shalt  }
0x68: {  	_ =	shalt  }
0x69: {  	_ =	shalt  }
0x6a: {  	_ =	shalt  }
0x6b: {  	_ =	shalt  }
0x6c: {  	_ =	shalt  }
0x6d: {  	_ =	shalt  }
0x6e: {  	_ =	shalt  }
0x6f: {  	_ =	shalt  }
0x70: {  	_ =	shalt  }
0x71: {  	_ =	shalt  }
0x72: {  	_ =	shalt  }
0x73: {  	_ =	shalt  }
0x74: {  	_ =	shalt  }
0x75: {  	_ =	shalt  }
0x76: {  	_ =	shalt  }
0x77: {  	_ =	shalt  }
0x78: {  	_ =	shalt  }
0x79: {  	_ =	shalt  }
0x7a: {  	_ =	shalt  }
0x7b: {  	_ =	shalt  }
0x7c: {  	_ =	shalt  }
0x7d: {  	_ =	shalt  }
0x7e: {  	_ =	shalt  }
0x7f: {  	_ =	shalt  }
0x80: {  	_ =	shalt  }
0x81: {  	_ =	shalt  }
0x82: {  	_ =	shalt  }
0x83: {  	_ =	shalt  }
0x84: {  	_ =	shalt  }
0x85: {  	_ =	shalt  }
0x86: {  	_ =	shalt  }
0x87: {  	_ =	shalt  }
.Lfunc_end0:
.L_simem_size_0:
called_computation.1_lowered:
.L_overlay_start_0:
0x88: {  	s2 =	sld [smem:$0x3FD9]  }
0x89: {  	s3 =	sld [smem:$0x3FFE];
	_ =	sdelay $0x1  }
0x8a: {  	s1 =	srdreg.scid  }
0x8b: {  	s0 =	sand.u32 $0x1, s1  }
0x8c: {  	s16 =	sshll.u32 s0, $0xA;
	s2 =	sadd.s32 s3, s2  }
0x8d: {  	s2 =	sadd.s32 s2, s16  }
0x8e: {  	[smem:$0x3FC1] =	sst s2  }
0x8f: {  	_ = 	snop  }
0x90: {  	(tm) =	ssettm $0x1  }
0x91: {  	s17 =	sld [smem:$0x3FFB];
	_ =	sdelay $0x3  }
0x92: {  	_ =	strace s17  }
0x93: {  	s2 =	sld [smem:$0x3FFC];
	_ =	sdelay $0x3  }
0x94: {  	_ =	strace s2  }
0x95: {  	s2 =	sld [smem:$0x3FFD];
	_ =	sdelay $0x3  }
0x96: {  	_ =	strace s2  }
0x97: {  	_ =	strace $0x8FFFFFFF  }
0x98: {  	s18 =	sld [smem:$0x3FDB];
	_ =	sdelay $0x1  }
0x99: {  	s19 =	simm.s32 $_scs_section_size  }
0x9a: {  	s4 =	simm.s32 $_size__tile_overlayer_lowered;
	s5 =	simm.s32 $_tile_overlayer_lowered  }
0x9b: {  	s22 =	simm.s32 $0x1BFF;
	s21 =	sshll.u32 s5, $0x1;
	s2 =	sadd.s32 s19, s18  }
0x9c: {  	s6 =	simm.s32 $0x0;
	s20 =	sshll.u32 s4, $0x1;
	s4 =	sadd.s32 s21, s2  }
0x9d: {  	[timem:s6], [sflag:s22] =	dma.local [hbm:s4], s20  }
0x9e: {  	_ =	swait.ge [sflag:s22], s20  }
0x9f: {  	s3 =	ssub.s32 $0x0, s20;
	[sflag:s22] =	ssyncset.done $0x0  }
0xa0: {  	[sflag:s22] =	ssyncadd.s32 s3;
	_ =	sdelay $0x1  }
0xa1: {  	s23 =	simm.s32 $0x1B8B  }
0xa2: {  	_ =	swait.ge [sflag:s23], $0x1  }
0xa3: {  	[sflag:s23] =	ssyncset.done $0x0  }
0xa4: {  	s25 =	simm.s32 $0x1B8E;
	s24 =	sld [smem:$0x3FFE];
	[sflag:s23] =	ssyncadd.s32 $0xFFFFFFFF  }
0xa5: {  	s26 =	simm.s32 $execute0_lowered;
	[smem:$0x3FD2] =	sst s25  }
0xa6: {  	s4 =	sshll.u32 s26, $0x1;
	_ =	strace $0x80000049;
	[dreg:$0x1] =	wrdreg $0xFFFFFFFF  }
0xa7: {  	s28 =	simm.s32 $_size_execute0_lowered;
	s2 =	sadd.s32 s2, s4;
	[dreg:$0x0] =	wrdreg $0x0  }
0xa8: {  	s4 =	sshll.u32 s28, $0x1;
	[dreg:$0x2] =	wrdreg s2  }
0xa9: {  	[dreg:$0x3] =	wrdreg s4  }
0xaa: {  	[dreg:$0x4] =	wrdreg $0xC0  }
0xab: {  	_ =	task [dreg:s6], $0x5FFFF  }
0xac: {  	[dreg:$0x1] =	wrdreg $0xFFFFFFFF  }
0xad: {  	[dreg:$0x0] =	wrdreg $0x60  }
0xae: {  	[dreg:$0x2] =	wrdreg s24  }
0xaf: {  	[dreg:$0x3] =	wrdreg $0x86000  }
0xb0: {  	[dreg:$0x4] =	wrdreg $0x9  }
0xb1: {  	_ =	task.clear_ibuf [dreg:s6], $0x5FFFF;
	_ =	strace $0x90000049  }
0xb2: {  	s29 =	simm.s32 $0x9;
	_ =	strace $0x8000004B  }
0xb3: {  	_ =	swait.ge [sflag:s29], $0x1  }
0xb4: {  	[sflag:s29] =	ssyncadd.s32 $0xFFFFFFFF  }
0xb5: {  	_ =	strace $0x9000004B  }
0xb6: {  	_ =	sfence  }
0xb7: {  	s30 =	sld [smem:$0x0];
	_ =	sdelay $0x2  }
0xb8: {  	s31 =	sshll.u32 s1, $0xD;
	s1 =	sshrl.u32 s1, $0x2  }
0xb9: {  	s3 =	sand.u32 $0x4000, s31;
	s1 =	sadd.s32 s1, s30  }
0xba: {  	s0 =	sor.u32 s3, s0;
	s1 =	sshll.u32 s1, $0x11  }
0xbb: {  	s0 =	sor.u32 s1, s0  }
0xbc: {  	s0 =	sadd.s32 $0x8F2B, s0  }
0xbd: {  	[sflag:s0] =	ssyncadd.remote.s32 $0x1  }
0xbe: {  	_ =	sfence.sel $0xFFFF  }
0xbf: {  	[dreg:$0x0] =	wrdreg $0xFFFFFFFF;
	(pc) =	sbr.abs _section_cstart, $3  }
0xc0: {  	[dreg:$0x1] =	wrdreg $0xFFFFFFFF  }
0xc1: {  	_ =	task.clear_ibuf [dreg:s6], $0x2FFFF;
	_ =	strace $0x9FFFFFFF  }
0xc2: {  	(tm) =	ssettm $0x7FFFFFFF  }
0xc3: {  	_ =	shalt  }
tec
execute0_lowered:
.L_overlay_start_1:
0x0: {  	(tag) =	ssettag $0x1  }
0x1: {  	s8 =	rddreg [dreg:$0x0]  }
0x2: {  	s2 =	rddreg [dreg:$0x1]  }
0x3: {  	s0 =	rddreg [dreg:$0x2];
	s3 =	simm.s32 $0x0;
	s4 =	srdreg.scid  }
0x4: {  	s1 =	stileid.u32;
	s15 =	simm.s32 $0x8400;
	s16 =	simm.s32 $0x80  }
0x5: {  	s17 =	simm.s32 $0x200;
	s18 =	simm.s32 $0x4200;
	s19 =	simm.s32 $0x8300  }
0x6: {  	s20 =	simm.s32 $0x8500;
	s21 =	simm.s32 $0x1;
	s22 =	simm.s32 $0x100  }
0x7: {  	s23 =	simm.s32 $0x2;
	s24 =	simm.s32 $0x180;
	s26 =	simm.s32 $0x4  }
0x8: {  	s28 =	simm.s32 $0x0;
	[smem:$0x7FF] =	sst s3;
	s25 =	sand.u32 $0x1, s4  }
0x9: {  	s7 =	smul.u32 $0x2800, s1;
	s4 =	sadd.s32 $0x5EE00, s8;
	s5 =	sadd.s32 $0x7600, s8  }
0xa: {  	s6 =	sadd.s32 $0x2600, s8;
	s11 =	smul.u32 $0x50000, s1;
	s31 =	sshll.u32 s1, $0x6  }
0xb: {  	_ =	strace $0x8000004A;
	s9 =	smul.u32 $0x28000, s25;
	s10 =	ssub.s32 $0x2, s25  }
0xc: {  	v0 =	vmov s25;
	s25 =	simm.s32 $0x3;
	s29 =	sshrl.u32 s10, $0x1;
	s30 =	sshrl.u32 s11, $0x2  }
0xd: {  	s9 =	sadd.s32 s7, s9;
	s7 =	sadd.s32 $0xC600, s8;
	s13 =	ssub.s32 s10, s29  }
0xe: {  	s14 =	sadd.s32 s30, s2;
	s12 =	sadd.s32 s9, s8;
	s8 =	sor.u32 $0x1C05, s31  }
0xf: {  	s9 =	smul.u32 $0x500, s1;
	s11 =	smax.u32 s13, $0x1;
	s13 =	simm.s32 $0x5  }
0x10: {  	s10 =	sadd.s32 $0xAEE00, s12;
	s12 =	sshrl.u32 s14, $0x3;
	s14 =	simm.s32 $0x8200  }
.LBB2_1:
0x11: {  	[spmem:s12], [sflag:s8] =	dma.local [hbm:s7], $0x2800  }
0x12: {  	_ =	swait.ge [sflag:s13], $0x2800  }
0x13: {  	[sflag:s13] =	ssyncset.done $0x0  }
0x14: {  	[sflag:s13] =	ssyncadd.s32 $0xFFFFD800  }
0x15: {  	s29 =	simm.s32 $0x0;
	[bflag:$0x0] =	sbarrier.arrive $0xFFFF  }
.LBB2_2:
0x16: {  	s30 =	sadd.s32 s29, s9  }
0x17: {  	s31 =	sand.u32 $0x40, s29;
	s30 =	sand.u32 $0xFF80, s30  }
0x18: {  	s30 =	sor.u32 s31, s30  }
0x19: {  	s31 =	sadd.s32 s5, s30  }
0x1a: {  	[tilespmem:s14], [sflag:$0x5] =	stream.linear.gather [hbm4b:s31+s3], $0x100, $0x38;
	[tilespmem:$0x1C600] =	vst v63  }
0x1b: {  	_ =	swait.ge [sflag:s13], $0x100  }
0x1c: {  	[sflag:s13] =	ssyncset.done $0x0  }
0x1d: {  	s31 =	sadd.s32 s6, s30;
	[sflag:s13] =	ssyncadd.s32 $0xFFFFFF00  }
0x1e: {  	[tilespmem:s15], [sflag:$0x5] =	stream.linear.gather [hbm4b:s31+s3], $0x100, $0x38;
	[tilespmem:$0x1C600] =	vst v63  }
0x1f: {  	_ =	swait.ge [sflag:s13], $0x100  }
0x20: {  	[sflag:s13] =	ssyncset.done $0x0  }
0x21: {  	[sflag:s13] =	ssyncadd.s32 $0xFFFFFF00  }
0x22: {  	v1 =	vld [tilespmem:$0x8200];
	_ =	sdelay $0x1  }
0x23: {  	v2 =	vld [tilespmem:$0x8210]  }
0x24: {  	v3 =	vld [tilespmem:$0x8400]  }
0x25: {  	v4 =	vld [tilespmem:$0x8220]  }
0x26: {  	v5 =	vld [tilespmem:$0x8410];
	v1 =	vshll.u32 v1, $0x1  }
0x27: {  	v6 =	vld [tilespmem:$0x8230];
	v1 =	vor.u32 v0, v1  }
0x28: {  	[tilespmem:$0x0] =	vst v1;
	v1 =	vshll.u32 v2, $0x1;
	v2 =	vld [tilespmem:$0x8420]  }
0x29: {  	[tilespmem:$0x100] =	vst v3;
	v3 =	vld [tilespmem:$0x8240];
	v1 =	vor.u32 v0, v1  }
0x2a: {  	v35 =	vld [tilespmem:$0x8430];
	[tilespmem:$0x10] =	vst v1;
	v1 =	vshll.u32 v4, $0x1  }
0x2b: {  	v36 =	vld [tilespmem:$0x8250];
	[tilespmem:$0x110] =	vst v5;
	v1 =	vor.u32 v0, v1  }
0x2c: {  	v37 =	vld [tilespmem:$0x8440];
	[tilespmem:$0x20] =	vst v1;
	v1 =	vshll.u32 v6, $0x1  }
0x2d: {  	[tilespmem:$0x120] =	vst v2;
	v1 =	vor.u32 v0, v1;
	v2 =	vld [tilespmem:$0x8260]  }
0x2e: {  	v39 =	vld [tilespmem:$0x8460];
	[tilespmem:$0x30] =	vst v1;
	v1 =	vshll.u32 v3, $0x1  }
0x2f: {  	v38 =	vld [tilespmem:$0x8270];
	[tilespmem:$0x130] =	vst v35;
	v1 =	vor.u32 v0, v1  }
0x30: {  	v3 =	vld [tilespmem:$0x8450];
	[tilespmem:$0x40] =	vst v1;
	v1 =	vshll.u32 v36, $0x1  }
0x31: {  	[tilespmem:$0x140] =	vst v37;
	v1 =	vor.u32 v0, v1  }
0x32: {  	[tilespmem:$0x50] =	vst v1;
	v1 =	vshll.u32 v2, $0x1;
	v2 =	vld [tilespmem:$0x8470]  }
0x33: {  	[tilespmem:$0x160] =	vst v39;
	v1 =	vor.u32 v0, v1  }
0x34: {  	[tilespmem:$0x60] =	vst v1;
	v1 =	vshll.u32 v38, $0x1  }
0x35: {  	[tilespmem:$0x150] =	vst v3;
	v1 =	vor.u32 v0, v1  }
0x36: {  	[tilespmem:$0x70] =	vst v1  }
0x37: {  	[tilespmem:$0x170] =	vst v2  }
0x38: {  	[tilespmem:s17], [sflag:$0x1] =	stream.indirect.gather [hbm4b:s4+s16], $0x80, s3, s16, $0xb8;
	[tilespmem:$0x1C600] =	vst v63  }
0x39: {  	v1 =	vld [tilespmem:$0x8280];
	_ =	sdelay $0x1  }
0x3a: {  	v2 =	vld [tilespmem:$0x8290]  }
0x3b: {  	v3 =	vld [tilespmem:$0x8480]  }
0x3c: {  	v40 =	vld [tilespmem:$0x82A0]  }
0x3d: {  	v41 =	vld [tilespmem:$0x8490];
	v1 =	vshll.u32 v1, $0x1  }
0x3e: {  	v42 =	vld [tilespmem:$0x82B0];
	v1 =	vor.u32 v0, v1  }
0x3f: {  	[tilespmem:$0x80] =	vst v1;
	v1 =	vshll.u32 v2, $0x1;
	v2 =	vld [tilespmem:$0x84A0]  }
0x40: {  	[tilespmem:$0x180] =	vst v3;
	v3 =	vld [tilespmem:$0x82C0];
	v1 =	vor.u32 v0, v1  }
0x41: {  	v43 =	vld [tilespmem:$0x84B0];
	[tilespmem:$0x90] =	vst v1;
	v1 =	vshll.u32 v40, $0x1  }
0x42: {  	v44 =	vld [tilespmem:$0x82D0];
	[tilespmem:$0x190] =	vst v41;
	v1 =	vor.u32 v0, v1  }
0x43: {  	v45 =	vld [tilespmem:$0x84C0];
	[tilespmem:$0xA0] =	vst v1;
	v1 =	vshll.u32 v42, $0x1  }
0x44: {  	[tilespmem:$0x1A0] =	vst v2;
	v1 =	vor.u32 v0, v1;
	v2 =	vld [tilespmem:$0x82E0]  }
0x45: {  	v47 =	vld [tilespmem:$0x84E0];
	[tilespmem:$0xB0] =	vst v1;
	v1 =	vshll.u32 v3, $0x1  }
0x46: {  	v46 =	vld [tilespmem:$0x82F0];
	[tilespmem:$0x1B0] =	vst v43;
	v1 =	vor.u32 v0, v1  }
0x47: {  	v3 =	vld [tilespmem:$0x84D0];
	[tilespmem:$0xC0] =	vst v1;
	v1 =	vshll.u32 v44, $0x1  }
0x48: {  	[tilespmem:$0x1C0] =	vst v45;
	v1 =	vor.u32 v0, v1  }
0x49: {  	[tilespmem:$0xD0] =	vst v1;
	v1 =	vshll.u32 v2, $0x1;
	v2 =	vld [tilespmem:$0x84F0]  }
0x4a: {  	[tilespmem:$0x1E0] =	vst v47;
	v1 =	vor.u32 v0, v1  }
0x4b: {  	[tilespmem:$0xE0] =	vst v1;
	v1 =	vshll.u32 v46, $0x1  }
0x4c: {  	[tilespmem:$0x1D0] =	vst v3;
	v1 =	vor.u32 v0, v1  }
0x4d: {  	[tilespmem:$0xF0] =	vst v1  }
0x4e: {  	s30 =	sor.u32 $0x20, s30;
	[tilespmem:$0x1F0] =	vst v2  }
0x4f: {  	[tilespmem:s18], [sflag:$0x2] =	stream.indirect.gather [hbm4b:s4+s16], $0x80, s16, s16, $0xb8;
	[tilespmem:$0x1C600] =	vst v63  }
0x50: {  	s31 =	sadd.s32 s5, s30  }
0x51: {  	[tilespmem:s19], [sflag:$0x5] =	stream.linear.gather [hbm4b:s31+s3], $0x100, $0x38;
	[tilespmem:$0x1C600] =	vst v63  }
0x52: {  	_ =	swait.ge [sflag:s13], $0x100  }
0x53: {  	[sflag:s13] =	ssyncset.done $0x0  }
0x54: {  	s30 =	sadd.s32 s6, s30;
	[sflag:s13] =	ssyncadd.s32 $0xFFFFFF00  }
0x55: {  	[tilespmem:s20], [sflag:$0x5] =	stream.linear.gather [hbm4b:s30+s3], $0x100, $0x38;
	[tilespmem:$0x1C600] =	vst v63  }
0x56: {  	_ =	swait.ge [sflag:s13], $0x100  }
0x57: {  	[sflag:s13] =	ssyncset.done $0x0  }
0x58: {  	[sflag:s13] =	ssyncadd.s32 $0xFFFFFF00  }
0x59: {  	_ =	swait.ge [sflag:s21], $0x4000  }
0x5a: {  	[sflag:s21] =	ssyncset.done $0x0  }
0x5b: {  	[sflag:s21] =	ssyncadd.s32 $0xFFFFC000  }
0x5c: {  	[spmem:s2] =	stream.indirect.scatter.add.f32 [tilespmem:s17], [sflag:$0x3], $0x80, s22, s16, $0xb8;
	[tilespmem:$0x1C600] =	vst v63  }
0x5d: {  	_ =	swait.ge [sflag:s23], $0x4000  }
0x5e: {  	[sflag:s23] =	ssyncset.done $0x0  }
0x5f: {  	[sflag:s23] =	ssyncadd.s32 $0xFFFFC000  }
0x60: {  	[spmem:s2] =	stream.indirect.scatter.add.f32 [tilespmem:s18], [sflag:$0x4], $0x80, s24, s16, $0xb8;
	[tilespmem:$0x1C600] =	vst v63  }
0x61: {  	_ =	swait.ge [sflag:s25], $0x4000  }
0x62: {  	[sflag:s25] =	ssyncset.done $0x0  }
0x63: {  	[sflag:s25] =	ssyncadd.s32 $0xFFFFC000  }
0x64: {  	v1 =	vld [tilespmem:$0x8300];
	_ =	sdelay $0x1  }
0x65: {  	v2 =	vld [tilespmem:$0x8310]  }
0x66: {  	v3 =	vld [tilespmem:$0x8500]  }
0x67: {  	v48 =	vld [tilespmem:$0x8320]  }
0x68: {  	v49 =	vld [tilespmem:$0x8510];
	v1 =	vshll.u32 v1, $0x1  }
0x69: {  	v50 =	vld [tilespmem:$0x8330];
	v1 =	vor.u32 v0, v1  }
0x6a: {  	[tilespmem:$0x0] =	vst v1;
	v1 =	vshll.u32 v2, $0x1;
	v2 =	vld [tilespmem:$0x8520]  }
0x6b: {  	[tilespmem:$0x100] =	vst v3;
	v3 =	vld [tilespmem:$0x8340];
	v1 =	vor.u32 v0, v1  }
0x6c: {  	v51 =	vld [tilespmem:$0x8530];
	[tilespmem:$0x10] =	vst v1;
	v1 =	vshll.u32 v48, $0x1  }
0x6d: {  	v52 =	vld [tilespmem:$0x8350];
	[tilespmem:$0x110] =	vst v49;
	v1 =	vor.u32 v0, v1  }
0x6e: {  	v53 =	vld [tilespmem:$0x8540];
	[tilespmem:$0x20] =	vst v1;
	v1 =	vshll.u32 v50, $0x1  }
0x6f: {  	[tilespmem:$0x120] =	vst v2;
	v1 =	vor.u32 v0, v1;
	v2 =	vld [tilespmem:$0x8360]  }
0x70: {  	v55 =	vld [tilespmem:$0x8560];
	[tilespmem:$0x30] =	vst v1;
	v1 =	vshll.u32 v3, $0x1  }
0x71: {  	v54 =	vld [tilespmem:$0x8370];
	[tilespmem:$0x130] =	vst v51;
	v1 =	vor.u32 v0, v1  }
0x72: {  	v3 =	vld [tilespmem:$0x8550];
	[tilespmem:$0x40] =	vst v1;
	v1 =	vshll.u32 v52, $0x1  }
0x73: {  	[tilespmem:$0x140] =	vst v53;
	v1 =	vor.u32 v0, v1  }
0x74: {  	[tilespmem:$0x50] =	vst v1;
	v1 =	vshll.u32 v2, $0x1;
	v2 =	vld [tilespmem:$0x8570]  }
0x75: {  	[tilespmem:$0x160] =	vst v55;
	v1 =	vor.u32 v0, v1  }
0x76: {  	[tilespmem:$0x60] =	vst v1;
	v1 =	vshll.u32 v54, $0x1  }
0x77: {  	[tilespmem:$0x150] =	vst v3;
	v1 =	vor.u32 v0, v1  }
0x78: {  	[tilespmem:$0x70] =	vst v1  }
0x79: {  	[tilespmem:$0x170] =	vst v2  }
0x7a: {  	[tilespmem:s17], [sflag:$0x1] =	stream.indirect.gather [hbm4b:s4+s16], $0x80, s3, s16, $0xb8;
	[tilespmem:$0x1C600] =	vst v63  }
0x7b: {  	_ =	swait.ge [sflag:s26], $0x4000  }
0x7c: {  	[sflag:s26] =	ssyncset.done $0x0  }
0x7d: {  	[sflag:s26] =	ssyncadd.s32 $0xFFFFC000  }
0x7e: {  	v1 =	vld [tilespmem:$0x8380];
	_ =	sdelay $0x1  }
0x7f: {  	v2 =	vld [tilespmem:$0x8390]  }
0x80: {  	v3 =	vld [tilespmem:$0x8580]  }
0x81: {  	v56 =	vld [tilespmem:$0x83A0]  }
0x82: {  	v57 =	vld [tilespmem:$0x8590];
	v1 =	vshll.u32 v1, $0x1  }
0x83: {  	v58 =	vld [tilespmem:$0x83B0];
	v1 =	vor.u32 v0, v1  }
0x84: {  	[tilespmem:$0x80] =	vst v1;
	v1 =	vshll.u32 v2, $0x1;
	v2 =	vld [tilespmem:$0x85A0]  }
0x85: {  	[tilespmem:$0x180] =	vst v3;
	v3 =	vld [tilespmem:$0x83C0];
	v1 =	vor.u32 v0, v1  }
0x86: {  	v59 =	vld [tilespmem:$0x85B0];
	[tilespmem:$0x90] =	vst v1;
	v1 =	vshll.u32 v56, $0x1  }
0x87: {  	v60 =	vld [tilespmem:$0x83D0];
	[tilespmem:$0x190] =	vst v57;
	v1 =	vor.u32 v0, v1  }
0x88: {  	v61 =	vld [tilespmem:$0x85C0];
	[tilespmem:$0xA0] =	vst v1;
	v1 =	vshll.u32 v58, $0x1  }
0x89: {  	[tilespmem:$0x1A0] =	vst v2;
	v1 =	vor.u32 v0, v1;
	v2 =	vld [tilespmem:$0x83E0]  }
0x8a: {  	v63 =	vld [tilespmem:$0x85E0];
	[tilespmem:$0xB0] =	vst v1;
	v1 =	vshll.u32 v3, $0x1  }
0x8b: {  	v62 =	vld [tilespmem:$0x83F0];
	[tilespmem:$0x1B0] =	vst v59;
	v1 =	vor.u32 v0, v1  }
0x8c: {  	v3 =	vld [tilespmem:$0x85D0];
	[tilespmem:$0xC0] =	vst v1;
	v1 =	vshll.u32 v60, $0x1  }
0x8d: {  	[tilespmem:$0x1C0] =	vst v61;
	v1 =	vor.u32 v0, v1  }
0x8e: {  	[tilespmem:$0xD0] =	vst v1;
	v1 =	vshll.u32 v2, $0x1;
	v2 =	vld [tilespmem:$0x85F0]  }
0x8f: {  	[tilespmem:$0x1E0] =	vst v63;
	v1 =	vor.u32 v0, v1  }
0x90: {  	[tilespmem:$0xE0] =	vst v1;
	v1 =	vshll.u32 v62, $0x1  }
0x91: {  	[tilespmem:$0x1D0] =	vst v3;
	v1 =	vor.u32 v0, v1  }
0x92: {  	[tilespmem:$0xF0] =	vst v1  }
0x93: {  	[tilespmem:$0x1F0] =	vst v2  }
0x94: {  	[tilespmem:s18], [sflag:$0x2] =	stream.indirect.gather [hbm4b:s4+s16], $0x80, s16, s16, $0xb8;
	[tilespmem:$0x1C600] =	vst v63  }
0x95: {  	_ =	swait.ge [sflag:s21], $0x4000  }
0x96: {  	[sflag:s21] =	ssyncset.done $0x0  }
0x97: {  	[sflag:s21] =	ssyncadd.s32 $0xFFFFC000  }
0x98: {  	[spmem:s2] =	stream.indirect.scatter.add.f32 [tilespmem:s17], [sflag:$0x3], $0x80, s22, s16, $0xb8;
	[tilespmem:$0x1C600] =	vst v63  }
0x99: {  	_ =	swait.ge [sflag:s23], $0x4000  }
0x9a: {  	[sflag:s23] =	ssyncset.done $0x0  }
0x9b: {  	[sflag:s23] =	ssyncadd.s32 $0xFFFFC000  }
0x9c: {  	[spmem:s2] =	stream.indirect.scatter.add.f32 [tilespmem:s18], [sflag:$0x4], $0x80, s24, s16, $0xb8;
	[tilespmem:$0x1C600] =	vst v63  }
0x9d: {  	p0 =	sne.s32 s29, $0x4C0;
	_ =	swait.ge [sflag:s25], $0x4000  }
.Ltmp0:
0x9e: {  	[sflag:s25] =	ssyncset.done $0x0;
	(pc) =	sbr.rel @p0 .LBB2_2-.Ltmp0, $4  }
0x9f: {  	[sflag:s25] =	ssyncadd.s32 $0xFFFFC000  }
0xa0: {  	_ =	swait.ge [sflag:s26], $0x4000  }
0xa1: {  	[sflag:s26] =	ssyncset.done $0x0  }
0xa2: {  	s29 =	sadd.s32 $0x40, s29;
	[sflag:s26] =	ssyncadd.s32 $0xFFFFC000  }
0xa3: {  	s28 =	sadd.s32 $0x1, s28  }
0xa4: {  	p0 =	sne.s32 s28, s11  }
.Ltmp1:
0xa5: {  	[bflag:$0x0] =	sbarrier.arrive $0xFFFF;
	(pc) =	sbr.rel @p0 .LBB2_1-.Ltmp1, $4  }
0xa6: {  	[hbm:s10], [sflag:s8] =	dma.local [spmem:s12], $0x2800  }
0xa7: {  	_ =	swait.ge [sflag:s13], $0x2800  }
0xa8: {  	[sflag:s13] =	ssyncset.done $0x0  }
0xa9: {  	[sflag:s13] =	ssyncadd.s32 $0xFFFFD800  }
0xaa: {  	_ =	sfence.sel $0x180000  }
0xab: {  	[bflag:$0x0] =	sbarrier.arrive $0xFFFF  }
0xac: {  	p0 =	sne.s32 s1, $0x0;
	_ =	strace $0x9000004A  }
0xad: {  	s0 =	sadd.s32 @!p0 $0x100000, s0;
	[bflag:$0x2] =	sbarrier.arrive $0xFFFF  }
0xae: {  	[sflag:s0] =	ssyncadd.tile.s32 @!p0 $0x1;
	_ =	shalt  }
.Lfunc_end2:
_tile_overlayer_lowered:
.L_overlay_start_2:
0xaf: {  	(tag) =	ssettag $0x2  }
0xb0: {  	s0 =	rddreg [dreg:$0x0];
	s2 =	stileid.u32  }
0xb1: {  	s1 =	rddreg [dreg:$0x1];
	p0 =	sne.s32 s2, $0x0  }
0xb2: {  	s3 =	rddreg [dreg:$0x2];
	[bflag:$0x3] =	sbarrier.arrive $0xFFFF;
	s2 =	simm.s32 @!p0 $0x1C05  }
0xb3: {  	[timem:s3], [sflag:s2] =	dma.local @!p0 [hbm:s0], s1  }
0xb4: {  	s0 =	simm.s32 @!p0 $0x5  }
0xb5: {  	_ =	swait.ge @!p0 [sflag:s0], s1  }
0xb6: {  	s1 =	ssub.s32 @!p0 $0x0, s1;
	[sflag:s0] =	ssyncset.done @!p0 $0x0  }
0xb7: {  	[sflag:s0] =	ssyncadd.s32 @!p0 s1  }
0xb8: {  	[bflag:$0x3] =	sbarrier.arrive $0xFFFF  }
0xb9: {  	_ =	shalt  }

// kernel: kernel.14.cloned.1.call-start
scs
__scs_entry_jumppad:
0x0: {  	(pc) =	sbr.rel $0x88, $3  }
0x1: {  	(tag) =	ssettag $0x0;
	lr =	simm.s32 $0x1  }
0x2: {  	[smem:$0x3F9A] =	sst lr;
	_ =	strace $0xD0000000  }
0x3: {  	_ = 	snop  }
0x4: {  	_ = 	snop  }
0x5: {  	_ = 	snop  }
0x6: {  	_ = 	snop  }
0x7: {  	_ = 	snop  }
__scs_overlays_trampoline_lowered:
0x8: {  	[smem:$0x3FA9] =	sst s0  }
0x9: {  	[smem:$0x3FAA] =	sst s1  }
0xa: {  	[smem:$0x3FAB] =	sst s2  }
0xb: {  	[smem:$0x3FAC] =	sst s3  }
0xc: {  	[smem:$0x3FAD] =	sst s4  }
0xd: {  	[smem:$0x3FAE] =	sst s5  }
0xe: {  	[smem:$0x3FAF] =	sst s6  }
0xf: {  	[smem:$0x3FB0] =	sst s7  }
0x10: {  	[smem:$0x3FB1] =	sst s8  }
0x11: {  	[smem:$0x3FB2] =	sst s9;
	s0 =	simm.s32 @!p0 $0x0  }
0x12: {  	s1 =	sld [smem:$0x3F98];
	s0 =	simm.s32 @p0 $0x1  }
0x13: {  	[smem:$0x3FB3] =	sst s0;
	s0 =	simm.s32 @!p1 $0x0  }
0x14: {  	s2 =	sld [smem:$0x3F97];
	s0 =	simm.s32 @p1 $0x1  }
0x15: {  	[smem:$0x3FB4] =	sst s0;
	s0 =	simm.s32 @!p2 $0x0  }
0x16: {  	s3 =	sld [smem:$0x3FDB];
	s0 =	simm.s32 @p2 $0x1  }
0x17: {  	s4 =	simm.s32 $0x1BF5;
	[smem:$0x3FB6] =	sst s0  }
0x18: {  	s0 =	sld [smem:$0x3F99];
	_ =	swait.ge [sflag:s4], $0x0  }
0x19: {  	s7 =	sld [smem:$0x3F9A]  }
0x1a: {  	s8 =	sadd.s32 $0xFFFFE003, lr  }
0x1b: {  	s9 =	sadd.s32 $0xFFFFFEF7, lr;
	s5 =	simm.s32 $0xFFFFFFFF;
	p2 =	slt.u32 s8, $0xFFFFF086  }
0x1c: {  	p1 =	slt.u32 s9, $0xF7A;
	s5 =	simm.s32 @!p2 $0x0  }
0x1d: {  	s5 =	simm.s32 @p1 $0x1;
	p0 =	seq.s32 s7, s2  }
0x1e: {  	s7 =	smul.u32 @!p0 $0xF7A, s2;
	p2 =	seq.s32 @!p0 s5, $0x0  }
0x1f: {  	s9 =	smul.u32 $0xF7A, s1;
	s8 =	simm.s32 @!p0 $0x1BF5;
	p2 =	por !p2, p0  }
0x20: {  	[sflag:s8] =	ssyncset.s32 @!p0 $0xFFFFF086;
	s6 =	sadd.s32 @!p0 s3, s7;
	s7 =	simm.s32 @!p0 $0x108  }
0x21: {  	s3 =	sadd.s32 s3, s9;
	s6 =	sadd.s32 @!p0 $0x88, s6;
	s7 =	simm.s32 @p2 $0x1082  }
0x22: {  	[simem:s7], [sflag:s8] =	dma.local @!p0 [hbm:s6], $0xF7A  }
0x23: {  	s9 =	sor.u32 $0xD0000000, s2;
	s6 =	simm.s32 $0x108;
	_ =	swait.ge @!p0 [sflag:s8], $0x0  }
0x24: {  	s3 =	sadd.s32 $0x88, s3;
	s6 =	simm.s32 @!p1 $0x1082;
	[sflag:s4] =	ssyncset.s32 $0xFFFFF086  }
0x25: {  	[simem:s6], [sflag:s4] =	dma.local [hbm:s3], $0xF7A  }
0x26: {  	[smem:$0x3F9A] =	sst s1;
	(tag) =	ssettag s2;
	_ =	strace s9  }
0x27: {  	s1 =	sld [smem:$0x3FAA]  }
0x28: {  	s2 =	sld [smem:$0x3FAB]  }
0x29: {  	s4 =	sld [smem:$0x3FAD]  }
0x2a: {  	p0 =	seq.s32 s5, $0x0;
	s5 =	sld [smem:$0x3FAE]  }
0x2b: {  	s6 =	sld [smem:$0x3FAF]  }
0x2c: {  	s7 =	sld [smem:$0x3FB0]  }
0x2d: {  	s3 =	simm.s32 $0x108;
	s8 =	sld [smem:$0x3FB1]  }
0x2e: {  	s3 =	simm.s32 @!p0 $0x1082;
	s9 =	sld [smem:$0x3FB2]  }
0x2f: {  	lr =	sadd.s32 s0, s3;
	s0 =	sld [smem:$0x3FA9]  }
0x30: {  	s3 =	sld [smem:$0x3FAC]  }
0x31: {  	[smem:$0x3FB5] =	sst s10  }
0x32: {  	s10 =	sld [smem:$0x3FB3];
	_ =	sdelay $0x3  }
0x33: {  	p0 =	seq.s32 s10, $0x1;
	s10 =	sld [smem:$0x3FB5];
	_ =	sdelay $0x3  }
0x34: {  	[smem:$0x3FB5] =	sst s10  }
0x35: {  	s10 =	sld [smem:$0x3FB4];
	_ =	sdelay $0x3  }
0x36: {  	p1 =	seq.s32 s10, $0x1;
	s10 =	sld [smem:$0x3FB5];
	_ =	sdelay $0x3  }
0x37: {  	[smem:$0x3FB5] =	sst s10  }
0x38: {  	s10 =	sld [smem:$0x3FB6]  }
0x39: {  	_ = 	snop;
	(pc) =	sbr.ind lr, $3  }
0x3a: {  	_ = 	snop  }
0x3b: {  	_ = 	snop  }
0x3c: {  	p2 =	seq.s32 s10, $0x1;
	s10 =	sld [smem:$0x3FB5]  }
0x3d: {  	_ =	shalt  }
0x3e: {  	_ =	shalt  }
0x3f: {  	_ =	shalt  }
0x40: {  	_ =	shalt  }
0x41: {  	_ =	shalt  }
0x42: {  	_ =	shalt  }
0x43: {  	_ =	shalt  }
0x44: {  	_ =	shalt  }
0x45: {  	_ =	shalt  }
0x46: {  	_ =	shalt  }
0x47: {  	_ =	shalt  }
0x48: {  	_ =	shalt  }
0x49: {  	_ =	shalt  }
0x4a: {  	_ =	shalt  }
0x4b: {  	_ =	shalt  }
0x4c: {  	_ =	shalt  }
0x4d: {  	_ =	shalt  }
0x4e: {  	_ =	shalt  }
0x4f: {  	_ =	shalt  }
0x50: {  	_ =	shalt  }
0x51: {  	_ =	shalt  }
0x52: {  	_ =	shalt  }
0x53: {  	_ =	shalt  }
0x54: {  	_ =	shalt  }
0x55: {  	_ =	shalt  }
0x56: {  	_ =	shalt  }
0x57: {  	_ =	shalt  }
0x58: {  	_ =	shalt  }
0x59: {  	_ =	shalt  }
0x5a: {  	_ =	shalt  }
0x5b: {  	_ =	shalt  }
0x5c: {  	_ =	shalt  }
0x5d: {  	_ =	shalt  }
0x5e: {  	_ =	shalt  }
0x5f: {  	_ =	shalt  }
0x60: {  	_ =	shalt  }
0x61: {  	_ =	shalt  }
0x62: {  	_ =	shalt  }
0x63: {  	_ =	shalt  }
0x64: {  	_ =	shalt  }
0x65: {  	_ =	shalt  }
0x66: {  	_ =	shalt  }
0x67: {  	_ =	shalt  }
0x68: {  	_ =	shalt  }
0x69: {  	_ =	shalt  }
0x6a: {  	_ =	shalt  }
0x6b: {  	_ =	shalt  }
0x6c: {  	_ =	shalt  }
0x6d: {  	_ =	shalt  }
0x6e: {  	_ =	shalt  }
0x6f: {  	_ =	shalt  }
0x70: {  	_ =	shalt  }
0x71: {  	_ =	shalt  }
0x72: {  	_ =	shalt  }
0x73: {  	_ =	shalt  }
0x74: {  	_ =	shalt  }
0x75: {  	_ =	shalt  }
0x76: {  	_ =	shalt  }
0x77: {  	_ =	shalt  }
0x78: {  	_ =	shalt  }
0x79: {  	_ =	shalt  }
0x7a: {  	_ =	shalt  }
0x7b: {  	_ =	shalt  }
0x7c: {  	_ =	shalt  }
0x7d: {  	_ =	shalt  }
0x7e: {  	_ =	shalt  }
0x7f: {  	_ =	shalt  }
0x80: {  	_ =	shalt  }
0x81: {  	_ =	shalt  }
0x82: {  	_ =	shalt  }
0x83: {  	_ =	shalt  }
0x84: {  	_ =	shalt  }
0x85: {  	_ =	shalt  }
0x86: {  	_ =	shalt  }
0x87: {  	_ =	shalt  }
.Lfunc_end0:
.L_simem_size_0:
called_computation.2_lowered:
.L_overlay_start_0:
0x88: {  	s2 =	sld [smem:$0x3FD9]  }
0x89: {  	s3 =	sld [smem:$0x3FFE];
	_ =	sdelay $0x1  }
0x8a: {  	s1 =	srdreg.scid  }
0x8b: {  	s0 =	sand.u32 $0x1, s1  }
0x8c: {  	s16 =	sshll.u32 s0, $0xA;
	s2 =	sadd.s32 s3, s2  }
0x8d: {  	s2 =	sadd.s32 s2, s16  }
0x8e: {  	[smem:$0x3FC1] =	sst s2  }
0x8f: {  	_ = 	snop  }
0x90: {  	(tm) =	ssettm $0x1  }
0x91: {  	s17 =	sld [smem:$0x3FFB];
	_ =	sdelay $0x3  }
0x92: {  	_ =	strace s17  }
0x93: {  	s2 =	sld [smem:$0x3FFC];
	_ =	sdelay $0x3  }
0x94: {  	_ =	strace s2  }
0x95: {  	s2 =	sld [smem:$0x3FFD];
	_ =	sdelay $0x3  }
0x96: {  	_ =	strace s2  }
0x97: {  	_ =	strace $0x8FFFFFFF  }
0x98: {  	s18 =	sld [smem:$0x3FDB];
	_ =	sdelay $0x1  }
0x99: {  	s19 =	simm.s32 $_scs_section_size  }
0x9a: {  	s4 =	simm.s32 $_size__tile_overlayer_lowered;
	s5 =	simm.s32 $_tile_overlayer_lowered  }
0x9b: {  	s22 =	simm.s32 $0x1BFF;
	s21 =	sshll.u32 s5, $0x1;
	s2 =	sadd.s32 s19, s18  }
0x9c: {  	s6 =	simm.s32 $0x0;
	s20 =	sshll.u32 s4, $0x1;
	s4 =	sadd.s32 s21, s2  }
0x9d: {  	[timem:s6], [sflag:s22] =	dma.local [hbm:s4], s20  }
0x9e: {  	_ =	swait.ge [sflag:s22], s20  }
0x9f: {  	s3 =	ssub.s32 $0x0, s20;
	[sflag:s22] =	ssyncset.done $0x0  }
0xa0: {  	[sflag:s22] =	ssyncadd.s32 s3;
	_ =	sdelay $0x1  }
0xa1: {  	s23 =	simm.s32 $0x1B8B  }
0xa2: {  	_ =	swait.ge [sflag:s23], $0x1  }
0xa3: {  	[sflag:s23] =	ssyncset.done $0x0  }
0xa4: {  	s25 =	simm.s32 $0x1B8E;
	s24 =	sld [smem:$0x3FFE];
	[sflag:s23] =	ssyncadd.s32 $0xFFFFFFFF  }
0xa5: {  	s26 =	simm.s32 $execute0_lowered;
	[smem:$0x3FD2] =	sst s25  }
0xa6: {  	s4 =	sshll.u32 s26, $0x1;
	_ =	strace $0x8000004C;
	[dreg:$0x1] =	wrdreg $0xFFFFFFFF  }
0xa7: {  	s28 =	simm.s32 $_size_execute0_lowered;
	s2 =	sadd.s32 s2, s4;
	[dreg:$0x0] =	wrdreg $0x0  }
0xa8: {  	s4 =	sshll.u32 s28, $0x1;
	[dreg:$0x2] =	wrdreg s2  }
0xa9: {  	[dreg:$0x3] =	wrdreg s4  }
0xaa: {  	[dreg:$0x4] =	wrdreg $0xC0  }
0xab: {  	_ =	task [dreg:s6], $0x5FFFF  }
0xac: {  	[dreg:$0x1] =	wrdreg $0xFFFFFFFF  }
0xad: {  	[dreg:$0x0] =	wrdreg $0x60  }
0xae: {  	[dreg:$0x2] =	wrdreg s24  }
0xaf: {  	[dreg:$0x3] =	wrdreg $0x86000  }
0xb0: {  	[dreg:$0x4] =	wrdreg $0x9  }
0xb1: {  	_ =	task.clear_ibuf [dreg:s6], $0x5FFFF;
	_ =	strace $0x9000004C  }
0xb2: {  	s29 =	simm.s32 $0x9;
	_ =	strace $0x8000004E  }
0xb3: {  	_ =	swait.ge [sflag:s29], $0x1  }
0xb4: {  	[sflag:s29] =	ssyncadd.s32 $0xFFFFFFFF  }
0xb5: {  	_ =	strace $0x9000004E  }
0xb6: {  	_ =	sfence  }
0xb7: {  	s30 =	sld [smem:$0x0];
	_ =	sdelay $0x2  }
0xb8: {  	s31 =	sshll.u32 s1, $0xD;
	s1 =	sshrl.u32 s1, $0x2  }
0xb9: {  	s3 =	sand.u32 $0x4000, s31;
	s1 =	sadd.s32 s1, s30  }
0xba: {  	s0 =	sor.u32 s3, s0;
	s1 =	sshll.u32 s1, $0x11  }
0xbb: {  	s0 =	sor.u32 s1, s0  }
0xbc: {  	s0 =	sadd.s32 $0x8F2B, s0  }
0xbd: {  	[sflag:s0] =	ssyncadd.remote.s32 $0x1  }
0xbe: {  	_ =	sfence.sel $0xFFFF  }
0xbf: {  	[dreg:$0x0] =	wrdreg $0xFFFFFFFF;
	(pc) =	sbr.abs _section_cstart, $3  }
0xc0: {  	[dreg:$0x1] =	wrdreg $0xFFFFFFFF  }
0xc1: {  	_ =	task.clear_ibuf [dreg:s6], $0x2FFFF;
	_ =	strace $0x9FFFFFFF  }
0xc2: {  	(tm) =	ssettm $0x7FFFFFFF  }
0xc3: {  	_ =	shalt  }
tec
execute0_lowered:
.L_overlay_start_1:
0x0: {  	(tag) =	ssettag $0x1  }
0x1: {  	s8 =	rddreg [dreg:$0x0]  }
0x2: {  	s2 =	rddreg [dreg:$0x1]  }
0x3: {  	s0 =	rddreg [dreg:$0x2];
	s3 =	simm.s32 $0x0;
	s4 =	srdreg.scid  }
0x4: {  	s1 =	stileid.u32;
	s15 =	simm.s32 $0x8400;
	s16 =	simm.s32 $0x80  }
0x5: {  	s17 =	simm.s32 $0x200;
	s18 =	simm.s32 $0x4200;
	s19 =	simm.s32 $0x8300  }
0x6: {  	s20 =	simm.s32 $0x8500;
	s21 =	simm.s32 $0x1;
	s22 =	simm.s32 $0x100  }
0x7: {  	s23 =	simm.s32 $0x2;
	s24 =	simm.s32 $0x180;
	s26 =	simm.s32 $0x4  }
0x8: {  	s28 =	simm.s32 $0x0;
	[smem:$0x7FF] =	sst s3;
	s25 =	sand.u32 $0x1, s4  }
0x9: {  	s7 =	smul.u32 $0x2800, s1;
	s4 =	sadd.s32 $0x5EE00, s8;
	s5 =	sadd.s32 $0x7600, s8  }
0xa: {  	s6 =	sadd.s32 $0x2600, s8;
	s11 =	smul.u32 $0x50000, s1;
	s31 =	sshll.u32 s1, $0x6  }
0xb: {  	_ =	strace $0x8000004D;
	s9 =	smul.u32 $0x28000, s25;
	s10 =	ssub.s32 $0x2, s25  }
0xc: {  	v0 =	vmov s25;
	s25 =	simm.s32 $0x3;
	s29 =	sshrl.u32 s10, $0x1;
	s30 =	sshrl.u32 s11, $0x2  }
0xd: {  	s9 =	sadd.s32 s7, s9;
	s7 =	sadd.s32 $0xC600, s8;
	s13 =	ssub.s32 s10, s29  }
0xe: {  	s14 =	sadd.s32 s30, s2;
	s12 =	sadd.s32 s9, s8;
	s8 =	sor.u32 $0x1C05, s31  }
0xf: {  	s9 =	smul.u32 $0x500, s1;
	s11 =	smax.u32 s13, $0x1;
	s13 =	simm.s32 $0x5  }
0x10: {  	s10 =	sadd.s32 $0xAEE00, s12;
	s12 =	sshrl.u32 s14, $0x3;
	s14 =	simm.s32 $0x8200  }
.LBB2_1:
0x11: {  	[spmem:s12], [sflag:s8] =	dma.local [hbm:s7], $0x2800  }
0x12: {  	_ =	swait.ge [sflag:s13], $0x2800  }
0x13: {  	[sflag:s13] =	ssyncset.done $0x0  }
0x14: {  	[sflag:s13] =	ssyncadd.s32 $0xFFFFD800  }
0x15: {  	s29 =	simm.s32 $0x0;
	[bflag:$0x0] =	sbarrier.arrive $0xFFFF  }
.LBB2_2:
0x16: {  	s30 =	sadd.s32 s29, s9  }
0x17: {  	s31 =	sand.u32 $0x40, s29;
	s30 =	sand.u32 $0xFF80, s30  }
0x18: {  	s30 =	sor.u32 s31, s30  }
0x19: {  	s31 =	sadd.s32 s5, s30  }
0x1a: {  	[tilespmem:s14], [sflag:$0x5] =	stream.linear.gather [hbm4b:s31+s3], $0x100, $0x38;
	[tilespmem:$0x1C600] =	vst v63  }
0x1b: {  	_ =	swait.ge [sflag:s13], $0x100  }
0x1c: {  	[sflag:s13] =	ssyncset.done $0x0  }
0x1d: {  	s31 =	sadd.s32 s6, s30;
	[sflag:s13] =	ssyncadd.s32 $0xFFFFFF00  }
0x1e: {  	[tilespmem:s15], [sflag:$0x5] =	stream.linear.gather [hbm4b:s31+s3], $0x100, $0x38;
	[tilespmem:$0x1C600] =	vst v63  }
0x1f: {  	_ =	swait.ge [sflag:s13], $0x100  }
0x20: {  	[sflag:s13] =	ssyncset.done $0x0  }
0x21: {  	[sflag:s13] =	ssyncadd.s32 $0xFFFFFF00  }
0x22: {  	v1 =	vld [tilespmem:$0x8200];
	_ =	sdelay $0x1  }
0x23: {  	v2 =	vld [tilespmem:$0x8210]  }
0x24: {  	v3 =	vld [tilespmem:$0x8400]  }
0x25: {  	v4 =	vld [tilespmem:$0x8220]  }
0x26: {  	v5 =	vld [tilespmem:$0x8410];
	v1 =	vshll.u32 v1, $0x1  }
0x27: {  	v6 =	vld [tilespmem:$0x8230];
	v1 =	vor.u32 v0, v1  }
0x28: {  	[tilespmem:$0x0] =	vst v1;
	v1 =	vshll.u32 v2, $0x1;
	v2 =	vld [tilespmem:$0x8420]  }
0x29: {  	[tilespmem:$0x100] =	vst v3;
	v3 =	vld [tilespmem:$0x8240];
	v1 =	vor.u32 v0, v1  }
0x2a: {  	v35 =	vld [tilespmem:$0x8430];
	[tilespmem:$0x10] =	vst v1;
	v1 =	vshll.u32 v4, $0x1  }
0x2b: {  	v36 =	vld [tilespmem:$0x8250];
	[tilespmem:$0x110] =	vst v5;
	v1 =	vor.u32 v0, v1  }
0x2c: {  	v37 =	vld [tilespmem:$0x8440];
	[tilespmem:$0x20] =	vst v1;
	v1 =	vshll.u32 v6, $0x1  }
0x2d: {  	[tilespmem:$0x120] =	vst v2;
	v1 =	vor.u32 v0, v1;
	v2 =	vld [tilespmem:$0x8260]  }
0x2e: {  	v39 =	vld [tilespmem:$0x8460];
	[tilespmem:$0x30] =	vst v1;
	v1 =	vshll.u32 v3, $0x1  }
0x2f: {  	v38 =	vld [tilespmem:$0x8270];
	[tilespmem:$0x130] =	vst v35;
	v1 =	vor.u32 v0, v1  }
0x30: {  	v3 =	vld [tilespmem:$0x8450];
	[tilespmem:$0x40] =	vst v1;
	v1 =	vshll.u32 v36, $0x1  }
0x31: {  	[tilespmem:$0x140] =	vst v37;
	v1 =	vor.u32 v0, v1  }
0x32: {  	[tilespmem:$0x50] =	vst v1;
	v1 =	vshll.u32 v2, $0x1;
	v2 =	vld [tilespmem:$0x8470]  }
0x33: {  	[tilespmem:$0x160] =	vst v39;
	v1 =	vor.u32 v0, v1  }
0x34: {  	[tilespmem:$0x60] =	vst v1;
	v1 =	vshll.u32 v38, $0x1  }
0x35: {  	[tilespmem:$0x150] =	vst v3;
	v1 =	vor.u32 v0, v1  }
0x36: {  	[tilespmem:$0x70] =	vst v1  }
0x37: {  	[tilespmem:$0x170] =	vst v2  }
0x38: {  	[tilespmem:s17], [sflag:$0x1] =	stream.indirect.gather [hbm4b:s4+s16], $0x80, s3, s16, $0xb8;
	[tilespmem:$0x1C600] =	vst v63  }
0x39: {  	v1 =	vld [tilespmem:$0x8280];
	_ =	sdelay $0x1  }
0x3a: {  	v2 =	vld [tilespmem:$0x8290]  }
0x3b: {  	v3 =	vld [tilespmem:$0x8480]  }
0x3c: {  	v40 =	vld [tilespmem:$0x82A0]  }
0x3d: {  	v41 =	vld [tilespmem:$0x8490];
	v1 =	vshll.u32 v1, $0x1  }
0x3e: {  	v42 =	vld [tilespmem:$0x82B0];
	v1 =	vor.u32 v0, v1  }
0x3f: {  	[tilespmem:$0x80] =	vst v1;
	v1 =	vshll.u32 v2, $0x1;
	v2 =	vld [tilespmem:$0x84A0]  }
0x40: {  	[tilespmem:$0x180] =	vst v3;
	v3 =	vld [tilespmem:$0x82C0];
	v1 =	vor.u32 v0, v1  }
0x41: {  	v43 =	vld [tilespmem:$0x84B0];
	[tilespmem:$0x90] =	vst v1;
	v1 =	vshll.u32 v40, $0x1  }
0x42: {  	v44 =	vld [tilespmem:$0x82D0];
	[tilespmem:$0x190] =	vst v41;
	v1 =	vor.u32 v0, v1  }
0x43: {  	v45 =	vld [tilespmem:$0x84C0];
	[tilespmem:$0xA0] =	vst v1;
	v1 =	vshll.u32 v42, $0x1  }
0x44: {  	[tilespmem:$0x1A0] =	vst v2;
	v1 =	vor.u32 v0, v1;
	v2 =	vld [tilespmem:$0x82E0]  }
0x45: {  	v47 =	vld [tilespmem:$0x84E0];
	[tilespmem:$0xB0] =	vst v1;
	v1 =	vshll.u32 v3, $0x1  }
0x46: {  	v46 =	vld [tilespmem:$0x82F0];
	[tilespmem:$0x1B0] =	vst v43;
	v1 =	vor.u32 v0, v1  }
0x47: {  	v3 =	vld [tilespmem:$0x84D0];
	[tilespmem:$0xC0] =	vst v1;
	v1 =	vshll.u32 v44, $0x1  }
0x48: {  	[tilespmem:$0x1C0] =	vst v45;
	v1 =	vor.u32 v0, v1  }
0x49: {  	[tilespmem:$0xD0] =	vst v1;
	v1 =	vshll.u32 v2, $0x1;
	v2 =	vld [tilespmem:$0x84F0]  }
0x4a: {  	[tilespmem:$0x1E0] =	vst v47;
	v1 =	vor.u32 v0, v1  }
0x4b: {  	[tilespmem:$0xE0] =	vst v1;
	v1 =	vshll.u32 v46, $0x1  }
0x4c: {  	[tilespmem:$0x1D0] =	vst v3;
	v1 =	vor.u32 v0, v1  }
0x4d: {  	[tilespmem:$0xF0] =	vst v1  }
0x4e: {  	s30 =	sor.u32 $0x20, s30;
	[tilespmem:$0x1F0] =	vst v2  }
0x4f: {  	[tilespmem:s18], [sflag:$0x2] =	stream.indirect.gather [hbm4b:s4+s16], $0x80, s16, s16, $0xb8;
	[tilespmem:$0x1C600] =	vst v63  }
0x50: {  	s31 =	sadd.s32 s5, s30  }
0x51: {  	[tilespmem:s19], [sflag:$0x5] =	stream.linear.gather [hbm4b:s31+s3], $0x100, $0x38;
	[tilespmem:$0x1C600] =	vst v63  }
0x52: {  	_ =	swait.ge [sflag:s13], $0x100  }
0x53: {  	[sflag:s13] =	ssyncset.done $0x0  }
0x54: {  	s30 =	sadd.s32 s6, s30;
	[sflag:s13] =	ssyncadd.s32 $0xFFFFFF00  }
0x55: {  	[tilespmem:s20], [sflag:$0x5] =	stream.linear.gather [hbm4b:s30+s3], $0x100, $0x38;
	[tilespmem:$0x1C600] =	vst v63  }
0x56: {  	_ =	swait.ge [sflag:s13], $0x100  }
0x57: {  	[sflag:s13] =	ssyncset.done $0x0  }
0x58: {  	[sflag:s13] =	ssyncadd.s32 $0xFFFFFF00  }
0x59: {  	_ =	swait.ge [sflag:s21], $0x4000  }
0x5a: {  	[sflag:s21] =	ssyncset.done $0x0  }
0x5b: {  	[sflag:s21] =	ssyncadd.s32 $0xFFFFC000  }
0x5c: {  	[spmem:s2] =	stream.indirect.scatter.add.f32 [tilespmem:s17], [sflag:$0x3], $0x80, s22, s16, $0xb8;
	[tilespmem:$0x1C600] =	vst v63  }
0x5d: {  	_ =	swait.ge [sflag:s23], $0x4000  }
0x5e: {  	[sflag:s23] =	ssyncset.done $0x0  }
0x5f: {  	[sflag:s23] =	ssyncadd.s32 $0xFFFFC000  }
0x60: {  	[spmem:s2] =	stream.indirect.scatter.add.f32 [tilespmem:s18], [sflag:$0x4], $0x80, s24, s16, $0xb8;
	[tilespmem:$0x1C600] =	vst v63  }
0x61: {  	_ =	swait.ge [sflag:s25], $0x4000  }
0x62: {  	[sflag:s25] =	ssyncset.done $0x0  }
0x63: {  	[sflag:s25] =	ssyncadd.s32 $0xFFFFC000  }
0x64: {  	v1 =	vld [tilespmem:$0x8300];
	_ =	sdelay $0x1  }
0x65: {  	v2 =	vld [tilespmem:$0x8310]  }
0x66: {  	v3 =	vld [tilespmem:$0x8500]  }
0x67: {  	v48 =	vld [tilespmem:$0x8320]  }
0x68: {  	v49 =	vld [tilespmem:$0x8510];
	v1 =	vshll.u32 v1, $0x1  }
0x69: {  	v50 =	vld [tilespmem:$0x8330];
	v1 =	vor.u32 v0, v1  }
0x6a: {  	[tilespmem:$0x0] =	vst v1;
	v1 =	vshll.u32 v2, $0x1;
	v2 =	vld [tilespmem:$0x8520]  }
0x6b: {  	[tilespmem:$0x100] =	vst v3;
	v3 =	vld [tilespmem:$0x8340];
	v1 =	vor.u32 v0, v1  }
0x6c: {  	v51 =	vld [tilespmem:$0x8530];
	[tilespmem:$0x10] =	vst v1;
	v1 =	vshll.u32 v48, $0x1  }
0x6d: {  	v52 =	vld [tilespmem:$0x8350];
	[tilespmem:$0x110] =	vst v49;
	v1 =	vor.u32 v0, v1  }
0x6e: {  	v53 =	vld [tilespmem:$0x8540];
	[tilespmem:$0x20] =	vst v1;
	v1 =	vshll.u32 v50, $0x1  }
0x6f: {  	[tilespmem:$0x120] =	vst v2;
	v1 =	vor.u32 v0, v1;
	v2 =	vld [tilespmem:$0x8360]  }
0x70: {  	v55 =	vld [tilespmem:$0x8560];
	[tilespmem:$0x30] =	vst v1;
	v1 =	vshll.u32 v3, $0x1  }
0x71: {  	v54 =	vld [tilespmem:$0x8370];
	[tilespmem:$0x130] =	vst v51;
	v1 =	vor.u32 v0, v1  }
0x72: {  	v3 =	vld [tilespmem:$0x8550];
	[tilespmem:$0x40] =	vst v1;
	v1 =	vshll.u32 v52, $0x1  }
0x73: {  	[tilespmem:$0x140] =	vst v53;
	v1 =	vor.u32 v0, v1  }
0x74: {  	[tilespmem:$0x50] =	vst v1;
	v1 =	vshll.u32 v2, $0x1;
	v2 =	vld [tilespmem:$0x8570]  }
0x75: {  	[tilespmem:$0x160] =	vst v55;
	v1 =	vor.u32 v0, v1  }
0x76: {  	[tilespmem:$0x60] =	vst v1;
	v1 =	vshll.u32 v54, $0x1  }
0x77: {  	[tilespmem:$0x150] =	vst v3;
	v1 =	vor.u32 v0, v1  }
0x78: {  	[tilespmem:$0x70] =	vst v1  }
0x79: {  	[tilespmem:$0x170] =	vst v2  }
0x7a: {  	[tilespmem:s17], [sflag:$0x1] =	stream.indirect.gather [hbm4b:s4+s16], $0x80, s3, s16, $0xb8;
	[tilespmem:$0x1C600] =	vst v63  }
0x7b: {  	_ =	swait.ge [sflag:s26], $0x4000  }
0x7c: {  	[sflag:s26] =	ssyncset.done $0x0  }
0x7d: {  	[sflag:s26] =	ssyncadd.s32 $0xFFFFC000  }
0x7e: {  	v1 =	vld [tilespmem:$0x8380];
	_ =	sdelay $0x1  }
0x7f: {  	v2 =	vld [tilespmem:$0x8390]  }
0x80: {  	v3 =	vld [tilespmem:$0x8580]  }
0x81: {  	v56 =	vld [tilespmem:$0x83A0]  }
0x82: {  	v57 =	vld [tilespmem:$0x8590];
	v1 =	vshll.u32 v1, $0x1  }
0x83: {  	v58 =	vld [tilespmem:$0x83B0];
	v1 =	vor.u32 v0, v1  }
0x84: {  	[tilespmem:$0x80] =	vst v1;
	v1 =	vshll.u32 v2, $0x1;
	v2 =	vld [tilespmem:$0x85A0]  }
0x85: {  	[tilespmem:$0x180] =	vst v3;
	v3 =	vld [tilespmem:$0x83C0];
	v1 =	vor.u32 v0, v1  }
0x86: {  	v59 =	vld [tilespmem:$0x85B0];
	[tilespmem:$0x90] =	vst v1;
	v1 =	vshll.u32 v56, $0x1  }
0x87: {  	v60 =	vld [tilespmem:$0x83D0];
	[tilespmem:$0x190] =	vst v57;
	v1 =	vor.u32 v0, v1  }
0x88: {  	v61 =	vld [tilespmem:$0x85C0];
	[tilespmem:$0xA0] =	vst v1;
	v1 =	vshll.u32 v58, $0x1  }
0x89: {  	[tilespmem:$0x1A0] =	vst v2;
	v1 =	vor.u32 v0, v1;
	v2 =	vld [tilespmem:$0x83E0]  }
0x8a: {  	v63 =	vld [tilespmem:$0x85E0];
	[tilespmem:$0xB0] =	vst v1;
	v1 =	vshll.u32 v3, $0x1  }
0x8b: {  	v62 =	vld [tilespmem:$0x83F0];
	[tilespmem:$0x1B0] =	vst v59;
	v1 =	vor.u32 v0, v1  }
0x8c: {  	v3 =	vld [tilespmem:$0x85D0];
	[tilespmem:$0xC0] =	vst v1;
	v1 =	vshll.u32 v60, $0x1  }
0x8d: {  	[tilespmem:$0x1C0] =	vst v61;
	v1 =	vor.u32 v0, v1  }
0x8e: {  	[tilespmem:$0xD0] =	vst v1;
	v1 =	vshll.u32 v2, $0x1;
	v2 =	vld [tilespmem:$0x85F0]  }
0x8f: {  	[tilespmem:$0x1E0] =	vst v63;
	v1 =	vor.u32 v0, v1  }
0x90: {  	[tilespmem:$0xE0] =	vst v1;
	v1 =	vshll.u32 v62, $0x1  }
0x91: {  	[tilespmem:$0x1D0] =	vst v3;
	v1 =	vor.u32 v0, v1  }
0x92: {  	[tilespmem:$0xF0] =	vst v1  }
0x93: {  	[tilespmem:$0x1F0] =	vst v2  }
0x94: {  	[tilespmem:s18], [sflag:$0x2] =	stream.indirect.gather [hbm4b:s4+s16], $0x80, s16, s16, $0xb8;
	[tilespmem:$0x1C600] =	vst v63  }
0x95: {  	_ =	swait.ge [sflag:s21], $0x4000  }
0x96: {  	[sflag:s21] =	ssyncset.done $0x0  }
0x97: {  	[sflag:s21] =	ssyncadd.s32 $0xFFFFC000  }
0x98: {  	[spmem:s2] =	stream.indirect.scatter.add.f32 [tilespmem:s17], [sflag:$0x3], $0x80, s22, s16, $0xb8;
	[tilespmem:$0x1C600] =	vst v63  }
0x99: {  	_ =	swait.ge [sflag:s23], $0x4000  }
0x9a: {  	[sflag:s23] =	ssyncset.done $0x0  }
0x9b: {  	[sflag:s23] =	ssyncadd.s32 $0xFFFFC000  }
0x9c: {  	[spmem:s2] =	stream.indirect.scatter.add.f32 [tilespmem:s18], [sflag:$0x4], $0x80, s24, s16, $0xb8;
	[tilespmem:$0x1C600] =	vst v63  }
0x9d: {  	p0 =	sne.s32 s29, $0x4C0;
	_ =	swait.ge [sflag:s25], $0x4000  }
.Ltmp0:
0x9e: {  	[sflag:s25] =	ssyncset.done $0x0;
	(pc) =	sbr.rel @p0 .LBB2_2-.Ltmp0, $4  }
0x9f: {  	[sflag:s25] =	ssyncadd.s32 $0xFFFFC000  }
0xa0: {  	_ =	swait.ge [sflag:s26], $0x4000  }
0xa1: {  	[sflag:s26] =	ssyncset.done $0x0  }
0xa2: {  	s29 =	sadd.s32 $0x40, s29;
	[sflag:s26] =	ssyncadd.s32 $0xFFFFC000  }
0xa3: {  	s28 =	sadd.s32 $0x1, s28  }
0xa4: {  	p0 =	sne.s32 s28, s11  }
.Ltmp1:
0xa5: {  	[bflag:$0x0] =	sbarrier.arrive $0xFFFF;
	(pc) =	sbr.rel @p0 .LBB2_1-.Ltmp1, $4  }
0xa6: {  	[hbm:s10], [sflag:s8] =	dma.local [spmem:s12], $0x2800  }
0xa7: {  	_ =	swait.ge [sflag:s13], $0x2800  }
0xa8: {  	[sflag:s13] =	ssyncset.done $0x0  }
0xa9: {  	[sflag:s13] =	ssyncadd.s32 $0xFFFFD800  }
0xaa: {  	_ =	sfence.sel $0x180000  }
0xab: {  	[bflag:$0x0] =	sbarrier.arrive $0xFFFF  }
0xac: {  	p0 =	sne.s32 s1, $0x0;
	_ =	strace $0x9000004D  }
0xad: {  	s0 =	sadd.s32 @!p0 $0x100000, s0;
	[bflag:$0x2] =	sbarrier.arrive $0xFFFF  }
0xae: {  	[sflag:s0] =	ssyncadd.tile.s32 @!p0 $0x1;
	_ =	shalt  }
.Lfunc_end2:
_tile_overlayer_lowered:
.L_overlay_start_2:
0xaf: {  	(tag) =	ssettag $0x2  }
0xb0: {  	s0 =	rddreg [dreg:$0x0];
	s2 =	stileid.u32  }
0xb1: {  	s1 =	rddreg [dreg:$0x1];
	p0 =	sne.s32 s2, $0x0  }
0xb2: {  	s3 =	rddreg [dreg:$0x2];
	[bflag:$0x3] =	sbarrier.arrive $0xFFFF;
	s2 =	simm.s32 @!p0 $0x1C05  }
0xb3: {  	[timem:s3], [sflag:s2] =	dma.local @!p0 [hbm:s0], s1  }
0xb4: {  	s0 =	simm.s32 @!p0 $0x5  }
0xb5: {  	_ =	swait.ge @!p0 [sflag:s0], s1  }
0xb6: {  	s1 =	ssub.s32 @!p0 $0x0, s1;
	[sflag:s0] =	ssyncset.done @!p0 $0x0  }
0xb7: {  	[sflag:s0] =	ssyncadd.s32 @!p0 s1  }
0xb8: {  	[bflag:$0x3] =	sbarrier.arrive $0xFFFF  }
0xb9: {  	_ =	shalt  }

// kernel: kernel.8.cloned.1.call-start
scs
__scs_entry_jumppad:
0x0: {  	(pc) =	sbr.rel $0x88, $3  }
0x1: {  	(tag) =	ssettag $0x0;
	lr =	simm.s32 $0x1  }
0x2: {  	[smem:$0x3F9A] =	sst lr;
	_ =	strace $0xD0000000  }
0x3: {  	_ = 	snop  }
0x4: {  	_ = 	snop  }
0x5: {  	_ = 	snop  }
0x6: {  	_ = 	snop  }
0x7: {  	_ = 	snop  }
__scs_overlays_trampoline_lowered:
0x8: {  	[smem:$0x3FA9] =	sst s0  }
0x9: {  	[smem:$0x3FAA] =	sst s1  }
0xa: {  	[smem:$0x3FAB] =	sst s2  }
0xb: {  	[smem:$0x3FAC] =	sst s3  }
0xc: {  	[smem:$0x3FAD] =	sst s4  }
0xd: {  	[smem:$0x3FAE] =	sst s5  }
0xe: {  	[smem:$0x3FAF] =	sst s6  }
0xf: {  	[smem:$0x3FB0] =	sst s7  }
0x10: {  	[smem:$0x3FB1] =	sst s8  }
0x11: {  	[smem:$0x3FB2] =	sst s9;
	s0 =	simm.s32 @!p0 $0x0  }
0x12: {  	s1 =	sld [smem:$0x3F98];
	s0 =	simm.s32 @p0 $0x1  }
0x13: {  	[smem:$0x3FB3] =	sst s0;
	s0 =	simm.s32 @!p1 $0x0  }
0x14: {  	s2 =	sld [smem:$0x3F97];
	s0 =	simm.s32 @p1 $0x1  }
0x15: {  	[smem:$0x3FB4] =	sst s0;
	s0 =	simm.s32 @!p2 $0x0  }
0x16: {  	s3 =	sld [smem:$0x3FDB];
	s0 =	simm.s32 @p2 $0x1  }
0x17: {  	s4 =	simm.s32 $0x1BF5;
	[smem:$0x3FB6] =	sst s0  }
0x18: {  	s0 =	sld [smem:$0x3F99];
	_ =	swait.ge [sflag:s4], $0x0  }
0x19: {  	s7 =	sld [smem:$0x3F9A]  }
0x1a: {  	s8 =	sadd.s32 $0xFFFFE003, lr  }
0x1b: {  	s9 =	sadd.s32 $0xFFFFFEF7, lr;
	s5 =	simm.s32 $0xFFFFFFFF;
	p2 =	slt.u32 s8, $0xFFFFF086  }
0x1c: {  	p1 =	slt.u32 s9, $0xF7A;
	s5 =	simm.s32 @!p2 $0x0  }
0x1d: {  	s5 =	simm.s32 @p1 $0x1;
	p0 =	seq.s32 s7, s2  }
0x1e: {  	s7 =	smul.u32 @!p0 $0xF7A, s2;
	p2 =	seq.s32 @!p0 s5, $0x0  }
0x1f: {  	s9 =	smul.u32 $0xF7A, s1;
	s8 =	simm.s32 @!p0 $0x1BF5;
	p2 =	por !p2, p0  }
0x20: {  	[sflag:s8] =	ssyncset.s32 @!p0 $0xFFFFF086;
	s6 =	sadd.s32 @!p0 s3, s7;
	s7 =	simm.s32 @!p0 $0x108  }
0x21: {  	s3 =	sadd.s32 s3, s9;
	s6 =	sadd.s32 @!p0 $0x88, s6;
	s7 =	simm.s32 @p2 $0x1082  }
0x22: {  	[simem:s7], [sflag:s8] =	dma.local @!p0 [hbm:s6], $0xF7A  }
0x23: {  	s9 =	sor.u32 $0xD0000000, s2;
	s6 =	simm.s32 $0x108;
	_ =	swait.ge @!p0 [sflag:s8], $0x0  }
0x24: {  	s3 =	sadd.s32 $0x88, s3;
	s6 =	simm.s32 @!p1 $0x1082;
	[sflag:s4] =	ssyncset.s32 $0xFFFFF086  }
0x25: {  	[simem:s6], [sflag:s4] =	dma.local [hbm:s3], $0xF7A  }
0x26: {  	[smem:$0x3F9A] =	sst s1;
	(tag) =	ssettag s2;
	_ =	strace s9  }
0x27: {  	s1 =	sld [smem:$0x3FAA]  }
0x28: {  	s2 =	sld [smem:$0x3FAB]  }
0x29: {  	s4 =	sld [smem:$0x3FAD]  }
0x2a: {  	p0 =	seq.s32 s5, $0x0;
	s5 =	sld [smem:$0x3FAE]  }
0x2b: {  	s6 =	sld [smem:$0x3FAF]  }
0x2c: {  	s7 =	sld [smem:$0x3FB0]  }
0x2d: {  	s3 =	simm.s32 $0x108;
	s8 =	sld [smem:$0x3FB1]  }
0x2e: {  	s3 =	simm.s32 @!p0 $0x1082;
	s9 =	sld [smem:$0x3FB2]  }
0x2f: {  	lr =	sadd.s32 s0, s3;
	s0 =	sld [smem:$0x3FA9]  }
0x30: {  	s3 =	sld [smem:$0x3FAC]  }
0x31: {  	[smem:$0x3FB5] =	sst s10  }
0x32: {  	s10 =	sld [smem:$0x3FB3];
	_ =	sdelay $0x3  }
0x33: {  	p0 =	seq.s32 s10, $0x1;
	s10 =	sld [smem:$0x3FB5];
	_ =	sdelay $0x3  }
0x34: {  	[smem:$0x3FB5] =	sst s10  }
0x35: {  	s10 =	sld [smem:$0x3FB4];
	_ =	sdelay $0x3  }
0x36: {  	p1 =	seq.s32 s10, $0x1;
	s10 =	sld [smem:$0x3FB5];
	_ =	sdelay $0x3  }
0x37: {  	[smem:$0x3FB5] =	sst s10  }
0x38: {  	s10 =	sld [smem:$0x3FB6]  }
0x39: {  	_ = 	snop;
	(pc) =	sbr.ind lr, $3  }
0x3a: {  	_ = 	snop  }
0x3b: {  	_ = 	snop  }
0x3c: {  	p2 =	seq.s32 s10, $0x1;
	s10 =	sld [smem:$0x3FB5]  }
0x3d: {  	_ =	shalt  }
0x3e: {  	_ =	shalt  }
0x3f: {  	_ =	shalt  }
0x40: {  	_ =	shalt  }
0x41: {  	_ =	shalt  }
0x42: {  	_ =	shalt  }
0x43: {  	_ =	shalt  }
0x44: {  	_ =	shalt  }
0x45: {  	_ =	shalt  }
0x46: {  	_ =	shalt  }
0x47: {  	_ =	shalt  }
0x48: {  	_ =	shalt  }
0x49: {  	_ =	shalt  }
0x4a: {  	_ =	shalt  }
0x4b: {  	_ =	shalt  }
0x4c: {  	_ =	shalt  }
0x4d: {  	_ =	shalt  }
0x4e: {  	_ =	shalt  }
0x4f: {  	_ =	shalt  }
0x50: {  	_ =	shalt  }
0x51: {  	_ =	shalt  }
0x52: {  	_ =	shalt  }
0x53: {  	_ =	shalt  }
0x54: {  	_ =	shalt  }
0x55: {  	_ =	shalt  }
0x56: {  	_ =	shalt  }
0x57: {  	_ =	shalt  }
0x58: {  	_ =	shalt  }
0x59: {  	_ =	shalt  }
0x5a: {  	_ =	shalt  }
0x5b: {  	_ =	shalt  }
0x5c: {  	_ =	shalt  }
0x5d: {  	_ =	shalt  }
0x5e: {  	_ =	shalt  }
0x5f: {  	_ =	shalt  }
0x60: {  	_ =	shalt  }
0x61: {  	_ =	shalt  }
0x62: {  	_ =	shalt  }
0x63: {  	_ =	shalt  }
0x64: {  	_ =	shalt  }
0x65: {  	_ =	shalt  }
0x66: {  	_ =	shalt  }
0x67: {  	_ =	shalt  }
0x68: {  	_ =	shalt  }
0x69: {  	_ =	shalt  }
0x6a: {  	_ =	shalt  }
0x6b: {  	_ =	shalt  }
0x6c: {  	_ =	shalt  }
0x6d: {  	_ =	shalt  }
0x6e: {  	_ =	shalt  }
0x6f: {  	_ =	shalt  }
0x70: {  	_ =	shalt  }
0x71: {  	_ =	shalt  }
0x72: {  	_ =	shalt  }
0x73: {  	_ =	shalt  }
0x74: {  	_ =	shalt  }
0x75: {  	_ =	shalt  }
0x76: {  	_ =	shalt  }
0x77: {  	_ =	shalt  }
0x78: {  	_ =	shalt  }
0x79: {  	_ =	shalt  }
0x7a: {  	_ =	shalt  }
0x7b: {  	_ =	shalt  }
0x7c: {  	_ =	shalt  }
0x7d: {  	_ =	shalt  }
0x7e: {  	_ =	shalt  }
0x7f: {  	_ =	shalt  }
0x80: {  	_ =	shalt  }
0x81: {  	_ =	shalt  }
0x82: {  	_ =	shalt  }
0x83: {  	_ =	shalt  }
0x84: {  	_ =	shalt  }
0x85: {  	_ =	shalt  }
0x86: {  	_ =	shalt  }
0x87: {  	_ =	shalt  }
.Lfunc_end0:
.L_simem_size_0:
called_computation_lowered:
.L_overlay_start_0:
0x88: {  	s2 =	sld [smem:$0x3FD9]  }
0x89: {  	s3 =	sld [smem:$0x3FFE];
	_ =	sdelay $0x1  }
0x8a: {  	s1 =	srdreg.scid  }
0x8b: {  	s0 =	sand.u32 $0x1, s1  }
0x8c: {  	s17 =	sshll.u32 s0, $0xA;
	s2 =	sadd.s32 s3, s2  }
0x8d: {  	s2 =	sadd.s32 s2, s17  }
0x8e: {  	[smem:$0x3FC1] =	sst s2  }
0x8f: {  	_ = 	snop  }
0x90: {  	s2 =	sld [smem:$0x3FD0];
	(tm) =	ssettm $0x1  }
0x91: {  	s18 =	sld [smem:$0x3FFB];
	_ =	sdelay $0x3  }
0x92: {  	_ =	strace s18  }
0x93: {  	s3 =	sld [smem:$0x3FFC];
	_ =	sdelay $0x3  }
0x94: {  	_ =	strace s3  }
0x95: {  	s3 =	sld [smem:$0x3FFD];
	_ =	sdelay $0x3  }
0x96: {  	_ =	strace s3  }
0x97: {  	_ =	strace $0x8FFFFFFF  }
0x98: {  	s19 =	sld [smem:$0x3FDB];
	_ =	sdelay $0x1  }
0x99: {  	s4 =	simm.s32 $_scs_section_size  }
0x9a: {  	s5 =	simm.s32 $_size__tile_overlayer_lowered;
	s6 =	simm.s32 $_tile_overlayer_lowered  }
0x9b: {  	s22 =	simm.s32 $0x1BFF;
	s21 =	sshll.u32 s6, $0x1;
	s3 =	sadd.s32 s4, s19  }
0x9c: {  	s7 =	simm.s32 $0x0;
	s20 =	sshll.u32 s5, $0x1;
	s5 =	sadd.s32 s21, s3  }
0x9d: {  	[timem:s7], [sflag:s22] =	dma.local [hbm:s5], s20  }
0x9e: {  	_ =	swait.ge [sflag:s22], s20  }
0x9f: {  	s4 =	ssub.s32 $0x0, s20;
	[sflag:s22] =	ssyncset.done $0x0  }
0xa0: {  	[sflag:s22] =	ssyncadd.s32 s4;
	_ =	sdelay $0x1  }
0xa1: {  	s23 =	simm.s32 $0x1B8B  }
0xa2: {  	_ =	swait.ge [sflag:s23], $0x1  }
0xa3: {  	[sflag:s23] =	ssyncset.done $0x0  }
0xa4: {  	s25 =	simm.s32 $0x1B8E;
	s24 =	sld [smem:$0x3FFE];
	[sflag:s23] =	ssyncadd.s32 $0xFFFFFFFF  }
0xa5: {  	s26 =	simm.s32 $execute0_lowered;
	[smem:$0x3FD2] =	sst s25  }
0xa6: {  	s5 =	sshll.u32 s26, $0x1;
	_ =	strace $0x80000046;
	[dreg:$0x1] =	wrdreg $0xFFFFFFFF  }
0xa7: {  	s28 =	simm.s32 $_size_execute0_lowered;
	s3 =	sadd.s32 s3, s5;
	[dreg:$0x0] =	wrdreg $0x0  }
0xa8: {  	s5 =	sshll.u32 s28, $0x1;
	[dreg:$0x2] =	wrdreg s3  }
0xa9: {  	[dreg:$0x3] =	wrdreg s5  }
0xaa: {  	[dreg:$0x4] =	wrdreg $0xC0  }
0xab: {  	_ =	task [dreg:s7], $0x5FFFF  }
0xac: {  	[dreg:$0x1] =	wrdreg $0xFFFFFFFF  }
0xad: {  	[dreg:$0x0] =	wrdreg $0x60  }
0xae: {  	[dreg:$0x2] =	wrdreg s24  }
0xaf: {  	[dreg:$0x3] =	wrdreg s2  }
0xb0: {  	[dreg:$0x4] =	wrdreg $0x43000  }
0xb1: {  	[dreg:$0x5] =	wrdreg $0x9  }
0xb2: {  	_ =	task.clear_ibuf [dreg:s7], $0x6FFFF;
	_ =	strace $0x90000046  }
0xb3: {  	s29 =	simm.s32 $0x9;
	_ =	strace $0x80000048  }
0xb4: {  	_ =	swait.ge [sflag:s29], $0x1  }
0xb5: {  	[sflag:s29] =	ssyncadd.s32 $0xFFFFFFFF  }
0xb6: {  	_ =	strace $0x90000048  }
0xb7: {  	_ =	sfence  }
0xb8: {  	s30 =	sld [smem:$0x0];
	_ =	sdelay $0x2  }
0xb9: {  	s31 =	sshll.u32 s1, $0xD;
	s1 =	sshrl.u32 s1, $0x2  }
0xba: {  	s3 =	sand.u32 $0x4000, s31;
	s1 =	sadd.s32 s1, s30  }
0xbb: {  	s0 =	sor.u32 s3, s0;
	s1 =	sshll.u32 s1, $0x11  }
0xbc: {  	s0 =	sor.u32 s1, s0  }
0xbd: {  	s0 =	sadd.s32 $0x8F2B, s0  }
0xbe: {  	[sflag:s0] =	ssyncadd.remote.s32 $0x1  }
0xbf: {  	_ =	sfence.sel $0xFFFF  }
0xc0: {  	[dreg:$0x0] =	wrdreg $0xFFFFFFFF;
	(pc) =	sbr.abs _section_cstart, $3  }
0xc1: {  	[dreg:$0x1] =	wrdreg $0xFFFFFFFF  }
0xc2: {  	_ =	task.clear_ibuf [dreg:s7], $0x2FFFF;
	_ =	strace $0x9FFFFFFF  }
0xc3: {  	(tm) =	ssettm $0x7FFFFFFF  }
tec
execute0_lowered:
.L_overlay_start_1:
0x0: {  	(tag) =	ssettag $0x1  }
0x1: {  	s7 =	rddreg [dreg:$0x0]  }
0x2: {  	s2 =	rddreg [dreg:$0x1]  }
0x3: {  	s3 =	rddreg [dreg:$0x2]  }
0x4: {  	s0 =	rddreg [dreg:$0x3];
	s5 =	srdreg.scid  }
0x5: {  	s1 =	stileid.u32;
	s4 =	simm.s32 $0x0;
	s15 =	simm.s32 $0x80  }
0x6: {  	s16 =	simm.s32 $0x200;
	s17 =	simm.s32 $0x1;
	s18 =	simm.s32 $0x2  }
0x7: {  	s19 =	simm.s32 $0x0;
	s8 =	sand.u32 $0x1, s5;
	s9 =	smul.u32 $0x2800, s1  }
0x8: {  	[smem:$0x7FF] =	sst s4;
	s5 =	sadd.s32 $0x2600, s7;
	s11 =	smul.u32 $0x50000, s1  }
0x9: {  	s6 =	sadd.s32 $0xC600, s7;
	s13 =	smul.u32 $0x280, s1;
	s31 =	sshll.u32 s1, $0x6  }
0xa: {  	s10 =	smul.u32 $0x28000, s8;
	_ =	strace $0x80000047;
	s12 =	ssub.s32 $0x2, s8  }
0xb: {  	s8 =	smul.u32 $0x2800, s8;
	s29 =	sshrl.u32 s12, $0x1;
	s30 =	sshrl.u32 s11, $0x2  }
0xc: {  	s11 =	simm.s32 $0x3;
	s9 =	sadd.s32 s9, s10;
	s10 =	ssub.s32 s12, s29  }
0xd: {  	s14 =	sadd.s32 s30, s3;
	s12 =	sor.u32 $0x1C03, s31;
	s9 =	sadd.s32 s9, s7  }
0xe: {  	s7 =	sadd.s32 s13, s8;
	s13 =	sshrl.u32 s14, $0x3;
	s14 =	simm.s32 $0x100  }
0xf: {  	s8 =	sadd.s32 $0xEE00, s9;
	s9 =	smax.u32 s10, $0x1;
	s10 =	simm.s32 $0x300  }
.LBB2_1:
0x10: {  	[tilespmem:s10], [sflag:$0x3] =	stream.linear.gather [hbm4b:s2+s4], $0x4000, $0x38;
	[tilespmem:$0x18300] =	vst v63  }
0x11: {  	_ =	swait.ge [sflag:s11], $0x4000  }
0x12: {  	[sflag:s11] =	ssyncset.done $0x0  }
0x13: {  	[sflag:s11] =	ssyncadd.s32 $0xFFFFC000  }
0x14: {  	[spmem:s13], [sflag:s12] =	dma.local [hbm:s6], $0x2800  }
0x15: {  	_ =	swait.ge [sflag:s11], $0x2800  }
0x16: {  	s20 =	sadd.s32 $0x0, s7;
	s21 =	sand.u32 $0x40, s4;
	[sflag:s11] =	ssyncset.done $0x0  }
0x17: {  	s20 =	sand.u32 $0xFF80, s20;
	s21 =	sadd.s32 s5, s21;
	[sflag:s11] =	ssyncadd.s32 $0xFFFFD800  }
0x18: {  	s20 =	sadd.s32 s20, s21;
	[bflag:$0x0] =	sbarrier.arrive $0xFFFF  }
0x19: {  	[tilespmem:s14], [sflag:$0x3] =	stream.linear.gather [hbm4b:s20+s4], $0x100, $0x38;
	[tilespmem:$0x18300] =	vst v63  }
0x1a: {  	_ =	swait.ge [sflag:s11], $0x100  }
0x1b: {  	[sflag:s11] =	ssyncset.done $0x0  }
0x1c: {  	[sflag:s11] =	ssyncadd.s32 $0xFFFFFF00  }
0x1d: {  	v0 =	vld [tilespmem:$0x170]  }
0x1e: {  	v1 =	vld [tilespmem:$0x150]  }
0x1f: {  	v2 =	vld [tilespmem:$0x160]  }
0x20: {  	v3 =	vld [tilespmem:$0x130]  }
0x21: {  	v4 =	vld [tilespmem:$0x140]  }
0x22: {  	v5 =	vld [tilespmem:$0x120];
	[tilespmem:$0x70] =	vst v0  }
0x23: {  	v0 =	vld [tilespmem:$0x100];
	[tilespmem:$0x50] =	vst v1  }
0x24: {  	v1 =	vld [tilespmem:$0x110];
	[tilespmem:$0x60] =	vst v2  }
0x25: {  	[tilespmem:$0x30] =	vst v3  }
0x26: {  	[tilespmem:$0x40] =	vst v4  }
0x27: {  	[tilespmem:$0x20] =	vst v5  }
0x28: {  	[tilespmem:$0x0] =	vst v0  }
0x29: {  	[tilespmem:$0x10] =	vst v1  }
0x2a: {  	[spmem:s3] =	stream.indirect.scatter.add.f32 [tilespmem:s10], [sflag:$0x1], $0x80, s4, s15, $0xb8;
	[tilespmem:$0x18300] =	vst v63  }
0x2b: {  	v0 =	vld [tilespmem:$0x1E0]  }
0x2c: {  	v1 =	vld [tilespmem:$0x1D0]  }
0x2d: {  	v2 =	vld [tilespmem:$0x190]  }
0x2e: {  	v3 =	vld [tilespmem:$0x1B0]  }
0x2f: {  	v4 =	vld [tilespmem:$0x1C0]  }
0x30: {  	v5 =	vld [tilespmem:$0x1A0];
	[tilespmem:$0xE0] =	vst v0  }
0x31: {  	[tilespmem:$0xD0] =	vst v1;
	v0 =	vld [tilespmem:$0x1F0]  }
0x32: {  	v1 =	vld [tilespmem:$0x180];
	[tilespmem:$0x90] =	vst v2  }
0x33: {  	[tilespmem:$0xB0] =	vst v3  }
0x34: {  	[tilespmem:$0xC0] =	vst v4  }
0x35: {  	[tilespmem:$0xA0] =	vst v5  }
0x36: {  	[tilespmem:$0xF0] =	vst v0  }
0x37: {  	[tilespmem:$0x80] =	vst v1  }
0x38: {  	[spmem:s3] =	stream.indirect.scatter.add.f32 [tilespmem:s10], [sflag:$0x2], $0x80, s15, s15, $0xb8;
	[tilespmem:$0x18300] =	vst v63  }
0x39: {  	s20 =	sadd.s32 $0x20, s20  }
0x3a: {  	[tilespmem:s16], [sflag:$0x3] =	stream.linear.gather [hbm4b:s20+s4], $0x100, $0x38;
	[tilespmem:$0x18300] =	vst v63  }
0x3b: {  	_ =	swait.ge [sflag:s11], $0x100  }
0x3c: {  	[sflag:s11] =	ssyncset.done $0x0  }
0x3d: {  	[sflag:s11] =	ssyncadd.s32 $0xFFFFFF00  }
0x3e: {  	_ =	swait.ge [sflag:s17], $0x4000  }
0x3f: {  	[sflag:s17] =	ssyncset.done $0x0  }
0x40: {  	[sflag:s17] =	ssyncadd.s32 $0xFFFFC000  }
0x41: {  	v4 =	vld [tilespmem:$0x270]  }
0x42: {  	v5 =	vld [tilespmem:$0x250]  }
0x43: {  	v3 =	vld [tilespmem:$0x240]  }
0x44: {  	v0 =	vld [tilespmem:$0x220]  }
0x45: {  	v1 =	vld [tilespmem:$0x230]  }
0x46: {  	v2 =	vld [tilespmem:$0x260];
	[tilespmem:$0x70] =	vst v4  }
0x47: {  	s20 =	simm.s32 $0x40;
	v4 =	vld [tilespmem:$0x210];
	[tilespmem:$0x50] =	vst v5  }
.LBB2_2:
0x48: {  	p0 =	sne.s32 s20, $0x240;
	v5 =	vld [tilespmem:$0x200];
	[tilespmem:$0x40] =	vst v3;
	s21 =	smov.u32 s20;
	s20 =	sadd.s32 $0x40, s20  }
0x49: {  	[tilespmem:$0x20] =	vst v0  }
0x4a: {  	[tilespmem:$0x30] =	vst v1  }
0x4b: {  	[tilespmem:$0x60] =	vst v2  }
0x4c: {  	[tilespmem:$0x10] =	vst v4  }
0x4d: {  	[tilespmem:$0x0] =	vst v5  }
0x4e: {  	[spmem:s3] =	stream.indirect.scatter.add.f32 [tilespmem:s10], [sflag:$0x1], $0x80, s4, s15, $0xb8;
	[tilespmem:$0x18300] =	vst v63  }
0x4f: {  	_ =	swait.ge [sflag:s18], $0x4000  }
0x50: {  	[sflag:s18] =	ssyncset.done $0x0  }
0x51: {  	[sflag:s18] =	ssyncadd.s32 $0xFFFFC000  }
0x52: {  	v0 =	vld [tilespmem:$0x280]  }
0x53: {  	v1 =	vld [tilespmem:$0x290]  }
0x54: {  	v2 =	vld [tilespmem:$0x2D0]  }
0x55: {  	v3 =	vld [tilespmem:$0x2C0]  }
0x56: {  	v4 =	vld [tilespmem:$0x2B0]  }
0x57: {  	[tilespmem:$0x80] =	vst v0;
	v0 =	vld [tilespmem:$0x2E0]  }
0x58: {  	[tilespmem:$0x90] =	vst v1;
	v1 =	vld [tilespmem:$0x2F0]  }
0x59: {  	v5 =	vld [tilespmem:$0x2A0];
	[tilespmem:$0xD0] =	vst v2  }
0x5a: {  	[tilespmem:$0xC0] =	vst v3  }
0x5b: {  	[tilespmem:$0xB0] =	vst v4  }
0x5c: {  	[tilespmem:$0xE0] =	vst v0  }
0x5d: {  	[tilespmem:$0xF0] =	vst v1  }
0x5e: {  	[tilespmem:$0xA0] =	vst v5  }
0x5f: {  	[spmem:s3] =	stream.indirect.scatter.add.f32 [tilespmem:s10], [sflag:$0x2], $0x80, s15, s15, $0xb8;
	[tilespmem:$0x18300] =	vst v63  }
0x60: {  	_ =	swait.ge [sflag:s17], $0x4000  }
0x61: {  	[sflag:s17] =	ssyncset.done $0x0  }
0x62: {  	s22 =	sadd.s32 s21, s7;
	s21 =	sand.u32 $0x40, s21;
	[sflag:s17] =	ssyncadd.s32 $0xFFFFC000  }
0x63: {  	s22 =	sand.u32 $0xFF80, s22;
	s21 =	sadd.s32 s5, s21;
	_ =	swait.ge [sflag:s18], $0x4000  }
0x64: {  	s21 =	sadd.s32 s22, s21;
	[sflag:s18] =	ssyncset.done $0x0  }
0x65: {  	[sflag:s18] =	ssyncadd.s32 $0xFFFFC000  }
0x66: {  	[tilespmem:s14], [sflag:$0x3] =	stream.linear.gather [hbm4b:s21+s4], $0x100, $0x38;
	[tilespmem:$0x18300] =	vst v63  }
0x67: {  	_ =	swait.ge [sflag:s11], $0x100  }
0x68: {  	[sflag:s11] =	ssyncset.done $0x0  }
0x69: {  	[sflag:s11] =	ssyncadd.s32 $0xFFFFFF00  }
0x6a: {  	v0 =	vld [tilespmem:$0x170]  }
0x6b: {  	v1 =	vld [tilespmem:$0x150]  }
0x6c: {  	v2 =	vld [tilespmem:$0x160]  }
0x6d: {  	v3 =	vld [tilespmem:$0x130]  }
0x6e: {  	v4 =	vld [tilespmem:$0x140]  }
0x6f: {  	v5 =	vld [tilespmem:$0x120];
	[tilespmem:$0x70] =	vst v0  }
0x70: {  	v0 =	vld [tilespmem:$0x100];
	[tilespmem:$0x50] =	vst v1  }
0x71: {  	v1 =	vld [tilespmem:$0x110];
	[tilespmem:$0x60] =	vst v2  }
0x72: {  	[tilespmem:$0x30] =	vst v3  }
0x73: {  	[tilespmem:$0x40] =	vst v4  }
0x74: {  	[tilespmem:$0x20] =	vst v5  }
0x75: {  	[tilespmem:$0x0] =	vst v0  }
0x76: {  	[tilespmem:$0x10] =	vst v1  }
0x77: {  	[spmem:s3] =	stream.indirect.scatter.add.f32 [tilespmem:s10], [sflag:$0x1], $0x80, s4, s15, $0xb8;
	[tilespmem:$0x18300] =	vst v63  }
0x78: {  	v0 =	vld [tilespmem:$0x1E0]  }
0x79: {  	v1 =	vld [tilespmem:$0x1D0]  }
0x7a: {  	v2 =	vld [tilespmem:$0x190]  }
0x7b: {  	v3 =	vld [tilespmem:$0x1B0]  }
0x7c: {  	v4 =	vld [tilespmem:$0x1C0]  }
0x7d: {  	v5 =	vld [tilespmem:$0x1A0];
	[tilespmem:$0xE0] =	vst v0  }
0x7e: {  	[tilespmem:$0xD0] =	vst v1;
	v0 =	vld [tilespmem:$0x1F0]  }
0x7f: {  	v1 =	vld [tilespmem:$0x180];
	[tilespmem:$0x90] =	vst v2  }
0x80: {  	[tilespmem:$0xB0] =	vst v3  }
0x81: {  	[tilespmem:$0xC0] =	vst v4  }
0x82: {  	[tilespmem:$0xA0] =	vst v5  }
0x83: {  	[tilespmem:$0xF0] =	vst v0  }
0x84: {  	[tilespmem:$0x80] =	vst v1  }
0x85: {  	[spmem:s3] =	stream.indirect.scatter.add.f32 [tilespmem:s10], [sflag:$0x2], $0x80, s15, s15, $0xb8;
	[tilespmem:$0x18300] =	vst v63  }
0x86: {  	s21 =	sadd.s32 $0x20, s21  }
0x87: {  	[tilespmem:s16], [sflag:$0x3] =	stream.linear.gather [hbm4b:s21+s4], $0x100, $0x38;
	[tilespmem:$0x18300] =	vst v63  }
0x88: {  	_ =	swait.ge [sflag:s11], $0x100  }
0x89: {  	[sflag:s11] =	ssyncset.done $0x0  }
0x8a: {  	[sflag:s11] =	ssyncadd.s32 $0xFFFFFF00  }
0x8b: {  	_ =	swait.ge [sflag:s17], $0x4000  }
0x8c: {  	[sflag:s17] =	ssyncset.done $0x0  }
0x8d: {  	[sflag:s17] =	ssyncadd.s32 $0xFFFFC000  }
0x8e: {  	v4 =	vld [tilespmem:$0x270]  }
0x8f: {  	v5 =	vld [tilespmem:$0x250]  }
.Ltmp0:
0x90: {  	v3 =	vld [tilespmem:$0x240];
	(pc) =	sbr.rel @p0 .LBB2_2-.Ltmp0, $4  }
0x91: {  	v0 =	vld [tilespmem:$0x220]  }
0x92: {  	v1 =	vld [tilespmem:$0x230]  }
0x93: {  	v2 =	vld [tilespmem:$0x260];
	[tilespmem:$0x70] =	vst v4  }
0x94: {  	v4 =	vld [tilespmem:$0x210];
	[tilespmem:$0x50] =	vst v5  }
0x95: {  	v5 =	vld [tilespmem:$0x200];
	[tilespmem:$0x40] =	vst v3  }
0x96: {  	[tilespmem:$0x20] =	vst v0  }
0x97: {  	[tilespmem:$0x30] =	vst v1  }
0x98: {  	[tilespmem:$0x60] =	vst v2  }
0x99: {  	[tilespmem:$0x10] =	vst v4  }
0x9a: {  	[tilespmem:$0x0] =	vst v5  }
0x9b: {  	[spmem:s3] =	stream.indirect.scatter.add.f32 [tilespmem:s10], [sflag:$0x1], $0x80, s4, s15, $0xb8;
	[tilespmem:$0x18300] =	vst v63  }
0x9c: {  	_ =	swait.ge [sflag:s18], $0x4000  }
0x9d: {  	[sflag:s18] =	ssyncset.done $0x0  }
0x9e: {  	[sflag:s18] =	ssyncadd.s32 $0xFFFFC000  }
0x9f: {  	v56 =	vld [tilespmem:$0x280]  }
0xa0: {  	v57 =	vld [tilespmem:$0x290]  }
0xa1: {  	v58 =	vld [tilespmem:$0x2D0]  }
0xa2: {  	v59 =	vld [tilespmem:$0x2C0]  }
0xa3: {  	v60 =	vld [tilespmem:$0x2B0]  }
0xa4: {  	v61 =	vld [tilespmem:$0x2E0];
	[tilespmem:$0x80] =	vst v56  }
0xa5: {  	v62 =	vld [tilespmem:$0x2F0];
	[tilespmem:$0x90] =	vst v57  }
0xa6: {  	v63 =	vld [tilespmem:$0x2A0];
	[tilespmem:$0xD0] =	vst v58  }
0xa7: {  	[tilespmem:$0xC0] =	vst v59  }
0xa8: {  	[tilespmem:$0xB0] =	vst v60  }
0xa9: {  	[tilespmem:$0xE0] =	vst v61  }
0xaa: {  	[tilespmem:$0xF0] =	vst v62  }
0xab: {  	[tilespmem:$0xA0] =	vst v63  }
0xac: {  	[spmem:s3] =	stream.indirect.scatter.add.f32 [tilespmem:s10], [sflag:$0x2], $0x80, s15, s15, $0xb8;
	[tilespmem:$0x18300] =	vst v63  }
0xad: {  	_ =	swait.ge [sflag:s17], $0x4000  }
0xae: {  	[sflag:s17] =	ssyncset.done $0x0  }
0xaf: {  	[sflag:s17] =	ssyncadd.s32 $0xFFFFC000  }
0xb0: {  	_ =	swait.ge [sflag:s18], $0x4000  }
0xb1: {  	s19 =	sadd.s32 $0x1, s19;
	[sflag:s18] =	ssyncset.done $0x0  }
0xb2: {  	p0 =	sne.s32 s19, s9;
	[sflag:s18] =	ssyncadd.s32 $0xFFFFC000  }
.Ltmp1:
0xb3: {  	[bflag:$0x0] =	sbarrier.arrive $0xFFFF;
	(pc) =	sbr.rel @p0 .LBB2_1-.Ltmp1, $4  }
0xb4: {  	[hbm:s8], [sflag:s12] =	dma.local [spmem:s13], $0x2800  }
0xb5: {  	_ =	swait.ge [sflag:s11], $0x2800  }
0xb6: {  	[sflag:s11] =	ssyncset.done $0x0  }
0xb7: {  	[sflag:s11] =	ssyncadd.s32 $0xFFFFD800  }
0xb8: {  	_ =	sfence.sel $0x180000  }
0xb9: {  	[bflag:$0x0] =	sbarrier.arrive $0xFFFF  }
0xba: {  	p0 =	sne.s32 s1, $0x0;
	_ =	strace $0x90000047  }
0xbb: {  	s0 =	sadd.s32 @!p0 $0x100000, s0;
	[bflag:$0x2] =	sbarrier.arrive $0xFFFF  }
0xbc: {  	[sflag:s0] =	ssyncadd.tile.s32 @!p0 $0x1;
	_ =	shalt  }
.Lfunc_end2:
_tile_overlayer_lowered:
.L_overlay_start_2:
0xbd: {  	(tag) =	ssettag $0x2  }
0xbe: {  	s0 =	rddreg [dreg:$0x0];
	s2 =	stileid.u32  }
0xbf: {  	s1 =	rddreg [dreg:$0x1];
	p0 =	sne.s32 s2, $0x0  }
0xc0: {  	s3 =	rddreg [dreg:$0x2];
	[bflag:$0x3] =	sbarrier.arrive $0xFFFF;
	s2 =	simm.s32 @!p0 $0x1C03  }
0xc1: {  	[timem:s3], [sflag:s2] =	dma.local @!p0 [hbm:s0], s1  }
0xc2: {  	s0 =	simm.s32 @!p0 $0x3  }
0xc3: {  	_ =	swait.ge @!p0 [sflag:s0], s1  }
0xc4: {  	s1 =	ssub.s32 @!p0 $0x0, s1;
	[sflag:s0] =	ssyncset.done @!p0 $0x0  }
0xc5: {  	[sflag:s0] =	ssyncadd.s32 @!p0 s1  }
0xc6: {  	[bflag:$0x3] =	sbarrier.arrive $0xFFFF  }
0xc7: {  	_ =	shalt  }

</sc_bundles>
